<compile_context>
chip_gen: v7x
topology: tpu7x:2x2x1
jax: 0.10.2.dev20260603
libtpu: 0.0.44.dev20260713+nightly
codegen_flags: <defaults>
</compile_context>

<pallas_src>
import functools

import jax
import jax.numpy as jnp
from jax import lax
from jax.experimental import pallas as pl
from jax.experimental.pallas import tpu as pltpu
from jax.experimental.pallas import tpu_sc as plsc

_N_HEADS = 26
_DIM = 32
_HEAD_ROWS = 100000
_WIN = 100096
_HWIN = _WIN // 2
_TAIL = 64
_CHUNK = 128


def _make_kernel(batch):
    mesh = plsc.VectorSubcoreMesh(core_axis_name="c", subcore_axis_name="s")
    half = batch // 2
    n_ct = half // _CHUNK

    @functools.partial(
        pl.kernel,
        mesh=mesh,
        compiler_params=pltpu.CompilerParams(use_tc_tiling_on_sc=True),
        out_type=jax.ShapeDtypeStruct(
            (_N_HEADS, _DIM // 8, batch // 128, 8, 128), jnp.float32),
        scratch_types=[
            pltpu.VMEM_SHARED((8 * (_WIN + _TAIL),), jnp.float32),
            pltpu.VMEM((_HWIN + _TAIL,), jnp.float32),
            pltpu.VMEM((half,), jnp.int32),
            pltpu.VMEM((n_ct, _CHUNK), jnp.float32),
            pltpu.SemaphoreType.DMA,
        ],
    )
    def emb(tab_hbm, ids_hbm, tail_hbm, out_hbm, win_sh, stage_v, ids_v,
            res_v, sem):
        core = lax.axis_index("c")
        sub = lax.axis_index("s")
        floc = sub // 2
        p = sub % 2
        fs = floc % 8
        wbase = floc * (_WIN + _TAIL)

        def pass_body(pa, carry0):
            f = core * 16 + pa * 8 + floc
            fr = core * 2 + pa

            pltpu.sync_copy(
                tail_hbm.at[pl.ds(f * _TAIL, _TAIL)],
                stage_v.at[pl.ds(_HWIN, _TAIL)])

            def head_body(h, carry):
                off_h = h * _HEAD_ROWS
                c0 = pl.multiple_of(
                    (off_h & ~127) - (h // (_N_HEADS - 1)) * 128, 128)
                shift = off_h - c0

                cc = pl.multiple_of(c0 + p * _HWIN, 128)
                for s in range(8):
                    @pl.when(fs == s)
                    def _copy_win(s=s):
                        pltpu.sync_copy(
                            tab_hbm.at[fr, s, pl.ds(cc, _HWIN)],
                            stage_v.at[pl.ds(0, _HWIN)])
                sz = _HWIN + p * _TAIL
                pltpu.sync_copy(
                    stage_v.at[pl.ds(0, sz)],
                    win_sh.at[pl.ds(wbase + p * _HWIN, sz)])

                plsc.subcore_barrier()

                win_view = win_sh.at[pl.ds(wbase + shift, _HEAD_ROWS)]
                b0 = p * half
                pltpu.sync_copy(ids_hbm.at[pl.ds(h * batch + b0, half)],
                                ids_v)
                copies = []
                for j in range(n_ct):
                    copies.append(pltpu.async_copy(
                        win_view.at[ids_v.at[pl.ds(j * _CHUNK, _CHUNK)]],
                        res_v.at[j], sem))
                for c in copies:
                    c.wait()
                ct0 = p * n_ct
                for s in range(8):
                    @pl.when(fs == s)
                    def _copy_out(s=s):
                        pltpu.sync_copy(
                            res_v,
                            out_hbm.at[h, fr, pl.ds(ct0, n_ct), s,
                                       pl.ds(0, 128)])
                plsc.subcore_barrier()
                return carry

            lax.fori_loop(0, _N_HEADS, head_body, 0)
            return carry0

        lax.fori_loop(0, 2, pass_body, 0)

    return emb


def kernel(input_ids, table):
    batch, n_heads = input_ids.shape
    rows = table.shape[0]
    tab3 = table.T.reshape(_DIM // 8, 8, rows)
    ids_flat = input_ids.T.reshape(n_heads * batch)
    tail_flat = table[rows - _TAIL:].T.reshape(_DIM * _TAIL)
    out5 = _make_kernel(batch)(tab3, ids_flat, tail_flat)
    out = out5.transpose(0, 1, 3, 2, 4).reshape(_N_HEADS, _DIM, batch)
    return out.transpose(2, 0, 1)

# --- scband reference (transcript-rebuilt; emitter-appended) ---
"""Pipeline reference for scband-multi-head-embedding-17626545782849 (READ-ONLY COPY).

The authoritative reference and input builder live on the scoring server;
editing this copy changes nothing except your own understanding.
"""

import jax, jax.numpy as jnp
import numpy as np

LIST_OF_SIZES = [100000] * 26
DIM_PER_HEAD = 32
BATCH = 16384
N_HEADS = 26
TOTAL_ROWS = sum(LIST_OF_SIZES)


def _offsets():
    offs = [0]
    for n in LIST_OF_SIZES[:-1]:
        offs.append(offs[-1] + n)
    return jnp.asarray(np.array(offs, dtype=np.int32))


def setup_inputs(seed: int = 0) -> dict:
    key = jax.random.key(seed)
    k1, k2 = jax.random.split(key)
    input_ids = jax.random.randint(k1, (BATCH, N_HEADS), 0, 100000, dtype=jnp.int32)
    table = jax.random.normal(k2, (TOTAL_ROWS, DIM_PER_HEAD), dtype=jnp.float32) * 0.02
    return {"input_ids": input_ids, "table": table}


def reference(input_ids, table):
    offsets = _offsets()  # [n_heads]
    shifted = input_ids + offsets[None, :]  # [B, n_heads], broadcast like torch buffer add
    out = jnp.take(table, shifted, axis=0)  # [B, n_heads, dim_per_head]
    return out

if __name__ == "__main__":
    import jax
    _d = setup_inputs()
    print(jax.jit(kernel)(*tuple(_d.values())))

</pallas_src>

<mosaic_0001>
#map = affine_map<(d0, d1) -> (0, 0, 0)>
#map1 = affine_map<(d0, d1) -> (0)>
#map2 = affine_map<(d0, d1) -> (0, 0, 0, 0, 0)>
module attributes {stable_mosaic.version = 14 : i64} {
  func.func @emb(%arg0: i32, %arg1: i32, %arg2: memref<4x8x2600000xf32, #tpu.memory_space<hbm>>, %arg3: memref<425984xi32, #tpu.memory_space<hbm>>, %arg4: memref<2048xf32, #tpu.memory_space<hbm>>, %arg5: memref<26x4x128x8x128xf32, #tpu.memory_space<hbm>>, %arg6: memref<801280xf32, #tpu.memory_space<vmem_shared>>, %arg7: memref<50112xf32, #tpu.memory_space<vmem>>, %arg8: memref<8192xi32, #tpu.memory_space<vmem>>, %arg9: memref<64x128xf32, #tpu.memory_space<vmem>>, %arg10: memref<!tpu.dma_semaphore, #tpu.memory_space<semaphore_mem>>) attributes {dimension_semantics = [#tpu.dimension_semantics<core_parallel>, #tpu.dimension_semantics<subcore_parallel>], iteration_bounds = array<i64: 2, 16>, scalar_prefetch = 0 : i64, scratch_operands = 5 : i64, tpu.core_type = #tpu.core_type<sc_vector_subcore>, window_params = [{transform_indices = #map}, {transform_indices = #map1}, {transform_indices = #map1}, {transform_indices = #map2}]} {
    %jit3A = arith.constant 2 : i32
    %div3A = arith.divsi %arg1, %jit3A : i32
    %sign3A = arith.constant 0 : i32
    %sign3A_0 = arith.cmpi sgt, %arg1, %sign3A : i32
    %sign3A_1 = arith.extui %sign3A_0 : i1 to i32
    %sign3A_2 = arith.constant 0 : i32
    %sign3A_3 = arith.cmpi slt, %arg1, %sign3A_2 : i32
    %sign3A_4 = arith.extui %sign3A_3 : i1 to i32
    %sign3A_5 = arith.subi %sign3A_1, %sign3A_4 : i32
    %sign3A_6 = arith.constant 0 : i32
    %sign3A_7 = arith.cmpi sgt, %jit3A, %sign3A_6 : i32
    %sign3A_8 = arith.extui %sign3A_7 : i1 to i32
    %sign3A_9 = arith.constant 0 : i32
    %sign3A_10 = arith.cmpi slt, %jit3A, %sign3A_9 : i32
    %sign3A_11 = arith.extui %sign3A_10 : i1 to i32
    %sign3A_12 = arith.subi %sign3A_8, %sign3A_11 : i32
    %ne3A = arith.cmpi ne, %sign3A_5, %sign3A_12 : i32
    %rem3A = arith.remsi %arg1, %jit3A : i32
    %ne3A_13 = arith.constant 0 : i32
    %ne3A_14 = arith.cmpi ne, %rem3A, %ne3A_13 : i32
    %and3A = arith.andi %ne3A, %ne3A_14 : i1
    %sub3A = arith.constant 1 : i32
    %sub3A_15 = arith.subi %div3A, %sub3A : i32
    %select_n3A = arith.select %and3A, %sub3A_15, %div3A : i32
    %jit3A_16 = arith.constant 2 : i32
    %eq3A = arith.constant 0 : i32
    %eq3A_17 = arith.cmpi eq, %jit3A_16, %eq3A : i32
    %jit3A_18 = arith.constant 1 : i32
    %select_n3A_19 = arith.select %eq3A_17, %jit3A_18, %jit3A_16 : i32
    %rem3A_20 = arith.remsi %arg1, %select_n3A_19 : i32
    %ne3A_21 = arith.constant 0 : i32
    %ne3A_22 = arith.cmpi ne, %rem3A_20, %ne3A_21 : i32
    %lt3A = arith.constant 0 : i32
    %lt3A_23 = arith.cmpi slt, %rem3A_20, %lt3A : i32
    %lt3A_24 = arith.constant 0 : i32
    %lt3A_25 = arith.cmpi slt, %select_n3A_19, %lt3A_24 : i32
    %ne3A_26 = arith.xori %lt3A_23, %lt3A_25 : i1
    %and3A_27 = arith.andi %ne3A_26, %ne3A_22 : i1
    %add3A = arith.addi %rem3A_20, %select_n3A_19 : i32
    %select_n3A_28 = arith.select %and3A_27, %add3A, %rem3A_20 : i32
    %jit3A_29 = arith.constant 8 : i32
    %eq3A_30 = arith.constant 0 : i32
    %eq3A_31 = arith.cmpi eq, %jit3A_29, %eq3A_30 : i32
    %jit3A_32 = arith.constant 1 : i32
    %select_n3A_33 = arith.select %eq3A_31, %jit3A_32, %jit3A_29 : i32
    %rem3A_34 = arith.remsi %select_n3A, %select_n3A_33 : i32
    %ne3A_35 = arith.constant 0 : i32
    %ne3A_36 = arith.cmpi ne, %rem3A_34, %ne3A_35 : i32
    %lt3A_37 = arith.constant 0 : i32
    %lt3A_38 = arith.cmpi slt, %rem3A_34, %lt3A_37 : i32
    %lt3A_39 = arith.constant 0 : i32
    %lt3A_40 = arith.cmpi slt, %select_n3A_33, %lt3A_39 : i32
    %ne3A_41 = arith.xori %lt3A_38, %lt3A_40 : i1
    %and3A_42 = arith.andi %ne3A_41, %ne3A_36 : i1
    %add3A_43 = arith.addi %rem3A_34, %select_n3A_33 : i32
    %select_n3A_44 = arith.select %and3A_42, %add3A_43, %rem3A_34 : i32
    %mul3A = arith.constant 100160 : i32
    %mul3A_45 = arith.muli %select_n3A, %mul3A : i32
    %scan3A = arith.constant 0 : i32
    %scan3A_46 = arith.constant 0 : i32
    %scan3A_47 = arith.constant 2 : i32
    %scan3A_48 = arith.addi %scan3A_46, %scan3A_47 : i32
    %scan3A_49 = arith.constant 1 : i32
    scf.for %scan3A_51 = %scan3A_46 to %scan3A_48 step %scan3A_49  : i32 {
      %mul3A_52 = arith.constant 16 : i32
      %mul3A_53 = arith.muli %arg0, %mul3A_52 : i32
      %mul3A_54 = arith.constant 8 : i32
      %mul3A_55 = arith.muli %scan3A_51, %mul3A_54 : i32
      %add3A_56 = arith.addi %mul3A_53, %mul3A_55 : i32
      %add3A_57 = arith.addi %add3A_56, %select_n3A : i32
      %mul3A_58 = arith.constant 2 : i32
      %mul3A_59 = arith.muli %arg0, %mul3A_58 : i32
      %add3A_60 = arith.addi %mul3A_59, %scan3A_51 : i32
      %mul3A_61 = arith.constant 64 : i32
      %mul3A_62 = arith.muli %add3A_57, %mul3A_61 : i32
      "tpu.region"() ({
        %run_scoped3A = tpu.sem_alloc : memref<!tpu.dma_semaphore, #tpu.memory_space<semaphore_mem>>
        %dma_start3A = arith.constant 50048 : i32
        %dma_start3A_69 = tpu.memref_slice %arg7[%dma_start3A] : memref<50112xf32, #tpu.memory_space<vmem>> -> memref<64xf32, #tpu.memory_space<vmem>>
        %dma_start3A_70 = tpu.memref_slice %arg4[%mul3A_62] : memref<2048xf32, #tpu.memory_space<hbm>> -> memref<64xf32, #tpu.memory_space<hbm>>
        %dma_start3A_71 = arith.constant 50048 : i32
        %dma_start3A_72 = tpu.memref_slice %arg7[%dma_start3A_71] : memref<50112xf32, #tpu.memory_space<vmem>> -> memref<64xf32, #tpu.memory_space<vmem>>
        %dma_start3A_73 = tpu.memref_slice %arg4[%mul3A_62] : memref<2048xf32, #tpu.memory_space<hbm>> -> memref<64xf32, #tpu.memory_space<hbm>>
        tpu.enqueue_dma source(%dma_start3A_73 : memref<64xf32, #tpu.memory_space<hbm>>) target(%dma_start3A_72 : memref<64xf32, #tpu.memory_space<vmem>>) target_semaphore(%run_scoped3A : memref<!tpu.dma_semaphore, #tpu.memory_space<semaphore_mem>>)
        %dma_wait3A = arith.constant 50048 : i32
        %dma_wait3A_74 = tpu.memref_slice %arg7[%dma_wait3A] : memref<50112xf32, #tpu.memory_space<vmem>> -> memref<64xf32, #tpu.memory_space<vmem>>
        %dma_wait3A_75 = tpu.memref_slice %arg4[%mul3A_62] : memref<2048xf32, #tpu.memory_space<hbm>> -> memref<64xf32, #tpu.memory_space<hbm>>
        %dma_wait3A_76 = arith.constant 50048 : i32
        %dma_wait3A_77 = tpu.memref_slice %arg7[%dma_wait3A_76] : memref<50112xf32, #tpu.memory_space<vmem>> -> memref<64xf32, #tpu.memory_space<vmem>>
        %dma_wait3A_78 = tpu.memref_slice %arg4[%mul3A_62] : memref<2048xf32, #tpu.memory_space<hbm>> -> memref<64xf32, #tpu.memory_space<hbm>>
        tpu.wait_dma2 semaphore(%run_scoped3A : memref<!tpu.dma_semaphore, #tpu.memory_space<semaphore_mem>>) src(%dma_wait3A_78 : memref<64xf32, #tpu.memory_space<hbm>>) dst(%dma_wait3A_77 : memref<64xf32, #tpu.memory_space<vmem>>)
        tpu.yield
      }) : () -> ()
      %scan3A_63 = arith.constant 0 : i32
      %scan3A_64 = arith.constant 0 : i32
      %scan3A_65 = arith.constant 26 : i32
      %scan3A_66 = arith.addi %scan3A_64, %scan3A_65 : i32
      %scan3A_67 = arith.constant 1 : i32
      scf.for %scan3A_69 = %scan3A_64 to %scan3A_66 step %scan3A_67  : i32 {
        %mul3A_70 = arith.constant 100000 : i32
        %mul3A_71 = arith.muli %scan3A_69, %mul3A_70 : i32
        %and3A_72 = arith.constant -128 : i32
        %and3A_73 = arith.andi %mul3A_71, %and3A_72 : i32
        %jit3A_74 = arith.constant 25 : i32
        %div3A_75 = arith.divsi %scan3A_69, %jit3A_74 : i32
        %sign3A_76 = arith.constant 0 : i32
        %sign3A_77 = arith.cmpi sgt, %scan3A_69, %sign3A_76 : i32
        %sign3A_78 = arith.extui %sign3A_77 : i1 to i32
        %sign3A_79 = arith.constant 0 : i32
        %sign3A_80 = arith.cmpi slt, %scan3A_69, %sign3A_79 : i32
        %sign3A_81 = arith.extui %sign3A_80 : i1 to i32
        %sign3A_82 = arith.subi %sign3A_78, %sign3A_81 : i32
        %sign3A_83 = arith.constant 0 : i32
        %sign3A_84 = arith.cmpi sgt, %jit3A_74, %sign3A_83 : i32
        %sign3A_85 = arith.extui %sign3A_84 : i1 to i32
        %sign3A_86 = arith.constant 0 : i32
        %sign3A_87 = arith.cmpi slt, %jit3A_74, %sign3A_86 : i32
        %sign3A_88 = arith.extui %sign3A_87 : i1 to i32
        %sign3A_89 = arith.subi %sign3A_85, %sign3A_88 : i32
        %ne3A_90 = arith.cmpi ne, %sign3A_82, %sign3A_89 : i32
        %rem3A_91 = arith.remsi %scan3A_69, %jit3A_74 : i32
        %ne3A_92 = arith.constant 0 : i32
        %ne3A_93 = arith.cmpi ne, %rem3A_91, %ne3A_92 : i32
        %and3A_94 = arith.andi %ne3A_90, %ne3A_93 : i1
        %sub3A_95 = arith.constant 1 : i32
        %sub3A_96 = arith.subi %div3A_75, %sub3A_95 : i32
        %select_n3A_97 = arith.select %and3A_94, %sub3A_96, %div3A_75 : i32
        %mul3A_98 = arith.constant 128 : i32
        %mul3A_99 = arith.muli %select_n3A_97, %mul3A_98 : i32
        %sub3A_100 = arith.subi %and3A_73, %mul3A_99 : i32
        %multiple_of3A = tpu.assume_multiple %sub3A_100, 128 : i32
        %sub3A_101 = arith.subi %mul3A_71, %multiple_of3A : i32
        %mul3A_102 = arith.constant 50048 : i32
        %mul3A_103 = arith.muli %select_n3A_28, %mul3A_102 : i32
        %add3A_104 = arith.addi %multiple_of3A, %mul3A_103 : i32
        %multiple_of3A_105 = tpu.assume_multiple %add3A_104, 128 : i32
        %eq3A_106 = arith.constant 0 : i32
        %eq3A_107 = arith.cmpi eq, %select_n3A_44, %eq3A_106 : i32
        %convert_element_type3A = arith.extui %eq3A_107 : i1 to i32
        %cond3A = arith.constant 0 : i32
        %cond3A_108 = arith.cmpi ne, %convert_element_type3A, %cond3A : i32
        scf.if %cond3A_108 {
          %run_scoped3A = arith.constant 0 : i32
          "tpu.region"() ({
            %run_scoped3A_1350 = tpu.sem_alloc : memref<!tpu.dma_semaphore, #tpu.memory_space<semaphore_mem>>
            %dma_start3A_1351 = arith.constant 0 : i32
            %dma_start3A_1352 = tpu.memref_slice %arg7[%dma_start3A_1351] : memref<50112xf32, #tpu.memory_space<vmem>> -> memref<50048xf32, #tpu.memory_space<vmem>>
            %dma_start3A_1353 = tpu.memref_slice %arg2[%add3A_60, %run_scoped3A, %multiple_of3A_105] : memref<4x8x2600000xf32, #tpu.memory_space<hbm>> -> memref<1x1x50048xf32, #tpu.memory_space<hbm>>
            %dma_start3A_1354 = tpu.memref_squeeze %dma_start3A_1353 : memref<1x1x50048xf32, #tpu.memory_space<hbm>> -> memref<50048xf32, #tpu.memory_space<hbm>>
            %dma_start3A_1355 = arith.constant 0 : i32
            %dma_start3A_1356 = tpu.memref_slice %arg7[%dma_start3A_1355] : memref<50112xf32, #tpu.memory_space<vmem>> -> memref<50048xf32, #tpu.memory_space<vmem>>
            %dma_start3A_1357 = tpu.memref_slice %arg2[%add3A_60, %run_scoped3A, %multiple_of3A_105] : memref<4x8x2600000xf32, #tpu.memory_space<hbm>> -> memref<1x1x50048xf32, #tpu.memory_space<hbm>>
            %dma_start3A_1358 = tpu.memref_squeeze %dma_start3A_1357 : memref<1x1x50048xf32, #tpu.memory_space<hbm>> -> memref<50048xf32, #tpu.memory_space<hbm>>
            tpu.enqueue_dma source(%dma_start3A_1358 : memref<50048xf32, #tpu.memory_space<hbm>>) target(%dma_start3A_1356 : memref<50048xf32, #tpu.memory_space<vmem>>) target_semaphore(%run_scoped3A_1350 : memref<!tpu.dma_semaphore, #tpu.memory_space<semaphore_mem>>)
            %dma_wait3A_1359 = arith.constant 0 : i32
            %dma_wait3A_1360 = tpu.memref_slice %arg7[%dma_wait3A_1359] : memref<50112xf32, #tpu.memory_space<vmem>> -> memref<50048xf32, #tpu.memory_space<vmem>>
            %dma_wait3A_1361 = tpu.memref_slice %arg2[%add3A_60, %run_scoped3A, %multiple_of3A_105] : memref<4x8x2600000xf32, #tpu.memory_space<hbm>> -> memref<1x1x50048xf32, #tpu.memory_space<hbm>>
            %dma_wait3A_1362 = tpu.memref_squeeze %dma_wait3A_1361 : memref<1x1x50048xf32, #tpu.memory_space<hbm>> -> memref<50048xf32, #tpu.memory_space<hbm>>
            %dma_wait3A_1363 = arith.constant 0 : i32
            %dma_wait3A_1364 = tpu.memref_slice %arg7[%dma_wait3A_1363] : memref<50112xf32, #tpu.memory_space<vmem>> -> memref<50048xf32, #tpu.memory_space<vmem>>
            %dma_wait3A_1365 = tpu.memref_slice %arg2[%add3A_60, %run_scoped3A, %multiple_of3A_105] : memref<4x8x2600000xf32, #tpu.memory_space<hbm>> -> memref<1x1x50048xf32, #tpu.memory_space<hbm>>
            %dma_wait3A_1366 = tpu.memref_squeeze %dma_wait3A_1365 : memref<1x1x50048xf32, #tpu.memory_space<hbm>> -> memref<50048xf32, #tpu.memory_space<hbm>>
            tpu.wait_dma2 semaphore(%run_scoped3A_1350 : memref<!tpu.dma_semaphore, #tpu.memory_space<semaphore_mem>>) src(%dma_wait3A_1366 : memref<50048xf32, #tpu.memory_space<hbm>>) dst(%dma_wait3A_1364 : memref<50048xf32, #tpu.memory_space<vmem>>)
            tpu.yield
          }) : () -> ()
        } else {
        }
        %eq3A_109 = arith.constant 1 : i32
        %eq3A_110 = arith.cmpi eq, %select_n3A_44, %eq3A_109 : i32
        %convert_element_type3A_111 = arith.extui %eq3A_110 : i1 to i32
        %cond3A_112 = arith.constant 0 : i32
        %cond3A_113 = arith.cmpi ne, %convert_element_type3A_111, %cond3A_112 : i32
        scf.if %cond3A_113 {
          %run_scoped3A = arith.constant 1 : i32
          "tpu.region"() ({
            %run_scoped3A_1350 = tpu.sem_alloc : memref<!tpu.dma_semaphore, #tpu.memory_space<semaphore_mem>>
            %dma_start3A_1351 = arith.constant 0 : i32
            %dma_start3A_1352 = tpu.memref_slice %arg7[%dma_start3A_1351] : memref<50112xf32, #tpu.memory_space<vmem>> -> memref<50048xf32, #tpu.memory_space<vmem>>
            %dma_start3A_1353 = tpu.memref_slice %arg2[%add3A_60, %run_scoped3A, %multiple_of3A_105] : memref<4x8x2600000xf32, #tpu.memory_space<hbm>> -> memref<1x1x50048xf32, #tpu.memory_space<hbm>>
            %dma_start3A_1354 = tpu.memref_squeeze %dma_start3A_1353 : memref<1x1x50048xf32, #tpu.memory_space<hbm>> -> memref<50048xf32, #tpu.memory_space<hbm>>
            %dma_start3A_1355 = arith.constant 0 : i32
            %dma_start3A_1356 = tpu.memref_slice %arg7[%dma_start3A_1355] : memref<50112xf32, #tpu.memory_space<vmem>> -> memref<50048xf32, #tpu.memory_space<vmem>>
            %dma_start3A_1357 = tpu.memref_slice %arg2[%add3A_60, %run_scoped3A, %multiple_of3A_105] : memref<4x8x2600000xf32, #tpu.memory_space<hbm>> -> memref<1x1x50048xf32, #tpu.memory_space<hbm>>
            %dma_start3A_1358 = tpu.memref_squeeze %dma_start3A_1357 : memref<1x1x50048xf32, #tpu.memory_space<hbm>> -> memref<50048xf32, #tpu.memory_space<hbm>>
            tpu.enqueue_dma source(%dma_start3A_1358 : memref<50048xf32, #tpu.memory_space<hbm>>) target(%dma_start3A_1356 : memref<50048xf32, #tpu.memory_space<vmem>>) target_semaphore(%run_scoped3A_1350 : memref<!tpu.dma_semaphore, #tpu.memory_space<semaphore_mem>>)
            %dma_wait3A_1359 = arith.constant 0 : i32
            %dma_wait3A_1360 = tpu.memref_slice %arg7[%dma_wait3A_1359] : memref<50112xf32, #tpu.memory_space<vmem>> -> memref<50048xf32, #tpu.memory_space<vmem>>
            %dma_wait3A_1361 = tpu.memref_slice %arg2[%add3A_60, %run_scoped3A, %multiple_of3A_105] : memref<4x8x2600000xf32, #tpu.memory_space<hbm>> -> memref<1x1x50048xf32, #tpu.memory_space<hbm>>
            %dma_wait3A_1362 = tpu.memref_squeeze %dma_wait3A_1361 : memref<1x1x50048xf32, #tpu.memory_space<hbm>> -> memref<50048xf32, #tpu.memory_space<hbm>>
            %dma_wait3A_1363 = arith.constant 0 : i32
            %dma_wait3A_1364 = tpu.memref_slice %arg7[%dma_wait3A_1363] : memref<50112xf32, #tpu.memory_space<vmem>> -> memref<50048xf32, #tpu.memory_space<vmem>>
            %dma_wait3A_1365 = tpu.memref_slice %arg2[%add3A_60, %run_scoped3A, %multiple_of3A_105] : memref<4x8x2600000xf32, #tpu.memory_space<hbm>> -> memref<1x1x50048xf32, #tpu.memory_space<hbm>>
            %dma_wait3A_1366 = tpu.memref_squeeze %dma_wait3A_1365 : memref<1x1x50048xf32, #tpu.memory_space<hbm>> -> memref<50048xf32, #tpu.memory_space<hbm>>
            tpu.wait_dma2 semaphore(%run_scoped3A_1350 : memref<!tpu.dma_semaphore, #tpu.memory_space<semaphore_mem>>) src(%dma_wait3A_1366 : memref<50048xf32, #tpu.memory_space<hbm>>) dst(%dma_wait3A_1364 : memref<50048xf32, #tpu.memory_space<vmem>>)
            tpu.yield
          }) : () -> ()
        } else {
        }
        %eq3A_114 = arith.constant 2 : i32
        %eq3A_115 = arith.cmpi eq, %select_n3A_44, %eq3A_114 : i32
        %convert_element_type3A_116 = arith.extui %eq3A_115 : i1 to i32
        %cond3A_117 = arith.constant 0 : i32
        %cond3A_118 = arith.cmpi ne, %convert_element_type3A_116, %cond3A_117 : i32
        scf.if %cond3A_118 {
          %run_scoped3A = arith.constant 2 : i32
          "tpu.region"() ({
            %run_scoped3A_1350 = tpu.sem_alloc : memref<!tpu.dma_semaphore, #tpu.memory_space<semaphore_mem>>
            %dma_start3A_1351 = arith.constant 0 : i32
            %dma_start3A_1352 = tpu.memref_slice %arg7[%dma_start3A_1351] : memref<50112xf32, #tpu.memory_space<vmem>> -> memref<50048xf32, #tpu.memory_space<vmem>>
            %dma_start3A_1353 = tpu.memref_slice %arg2[%add3A_60, %run_scoped3A, %multiple_of3A_105] : memref<4x8x2600000xf32, #tpu.memory_space<hbm>> -> memref<1x1x50048xf32, #tpu.memory_space<hbm>>
            %dma_start3A_1354 = tpu.memref_squeeze %dma_start3A_1353 : memref<1x1x50048xf32, #tpu.memory_space<hbm>> -> memref<50048xf32, #tpu.memory_space<hbm>>
            %dma_start3A_1355 = arith.constant 0 : i32
            %dma_start3A_1356 = tpu.memref_slice %arg7[%dma_start3A_1355] : memref<50112xf32, #tpu.memory_space<vmem>> -> memref<50048xf32, #tpu.memory_space<vmem>>
            %dma_start3A_1357 = tpu.memref_slice %arg2[%add3A_60, %run_scoped3A, %multiple_of3A_105] : memref<4x8x2600000xf32, #tpu.memory_space<hbm>> -> memref<1x1x50048xf32, #tpu.memory_space<hbm>>
            %dma_start3A_1358 = tpu.memref_squeeze %dma_start3A_1357 : memref<1x1x50048xf32, #tpu.memory_space<hbm>> -> memref<50048xf32, #tpu.memory_space<hbm>>
            tpu.enqueue_dma source(%dma_start3A_1358 : memref<50048xf32, #tpu.memory_space<hbm>>) target(%dma_start3A_1356 : memref<50048xf32, #tpu.memory_space<vmem>>) target_semaphore(%run_scoped3A_1350 : memref<!tpu.dma_semaphore, #tpu.memory_space<semaphore_mem>>)
            %dma_wait3A_1359 = arith.constant 0 : i32
            %dma_wait3A_1360 = tpu.memref_slice %arg7[%dma_wait3A_1359] : memref<50112xf32, #tpu.memory_space<vmem>> -> memref<50048xf32, #tpu.memory_space<vmem>>
            %dma_wait3A_1361 = tpu.memref_slice %arg2[%add3A_60, %run_scoped3A, %multiple_of3A_105] : memref<4x8x2600000xf32, #tpu.memory_space<hbm>> -> memref<1x1x50048xf32, #tpu.memory_space<hbm>>
            %dma_wait3A_1362 = tpu.memref_squeeze %dma_wait3A_1361 : memref<1x1x50048xf32, #tpu.memory_space<hbm>> -> memref<50048xf32, #tpu.memory_space<hbm>>
            %dma_wait3A_1363 = arith.constant 0 : i32
            %dma_wait3A_1364 = tpu.memref_slice %arg7[%dma_wait3A_1363] : memref<50112xf32, #tpu.memory_space<vmem>> -> memref<50048xf32, #tpu.memory_space<vmem>>
            %dma_wait3A_1365 = tpu.memref_slice %arg2[%add3A_60, %run_scoped3A, %multiple_of3A_105] : memref<4x8x2600000xf32, #tpu.memory_space<hbm>> -> memref<1x1x50048xf32, #tpu.memory_space<hbm>>
            %dma_wait3A_1366 = tpu.memref_squeeze %dma_wait3A_1365 : memref<1x1x50048xf32, #tpu.memory_space<hbm>> -> memref<50048xf32, #tpu.memory_space<hbm>>
            tpu.wait_dma2 semaphore(%run_scoped3A_1350 : memref<!tpu.dma_semaphore, #tpu.memory_space<semaphore_mem>>) src(%dma_wait3A_1366 : memref<50048xf32, #tpu.memory_space<hbm>>) dst(%dma_wait3A_1364 : memref<50048xf32, #tpu.memory_space<vmem>>)
            tpu.yield
          }) : () -> ()
        } else {
        }
        %eq3A_119 = arith.constant 3 : i32
        %eq3A_120 = arith.cmpi eq, %select_n3A_44, %eq3A_119 : i32
        %convert_element_type3A_121 = arith.extui %eq3A_120 : i1 to i32
        %cond3A_122 = arith.constant 0 : i32
        %cond3A_123 = arith.cmpi ne, %convert_element_type3A_121, %cond3A_122 : i32
        scf.if %cond3A_123 {
          %run_scoped3A = arith.constant 3 : i32
          "tpu.region"() ({
            %run_scoped3A_1350 = tpu.sem_alloc : memref<!tpu.dma_semaphore, #tpu.memory_space<semaphore_mem>>
            %dma_start3A_1351 = arith.constant 0 : i32
            %dma_start3A_1352 = tpu.memref_slice %arg7[%dma_start3A_1351] : memref<50112xf32, #tpu.memory_space<vmem>> -> memref<50048xf32, #tpu.memory_space<vmem>>
            %dma_start3A_1353 = tpu.memref_slice %arg2[%add3A_60, %run_scoped3A, %multiple_of3A_105] : memref<4x8x2600000xf32, #tpu.memory_space<hbm>> -> memref<1x1x50048xf32, #tpu.memory_space<hbm>>
            %dma_start3A_1354 = tpu.memref_squeeze %dma_start3A_1353 : memref<1x1x50048xf32, #tpu.memory_space<hbm>> -> memref<50048xf32, #tpu.memory_space<hbm>>
            %dma_start3A_1355 = arith.constant 0 : i32
            %dma_start3A_1356 = tpu.memref_slice %arg7[%dma_start3A_1355] : memref<50112xf32, #tpu.memory_space<vmem>> -> memref<50048xf32, #tpu.memory_space<vmem>>
            %dma_start3A_1357 = tpu.memref_slice %arg2[%add3A_60, %run_scoped3A, %multiple_of3A_105] : memref<4x8x2600000xf32, #tpu.memory_space<hbm>> -> memref<1x1x50048xf32, #tpu.memory_space<hbm>>
            %dma_start3A_1358 = tpu.memref_squeeze %dma_start3A_1357 : memref<1x1x50048xf32, #tpu.memory_space<hbm>> -> memref<50048xf32, #tpu.memory_space<hbm>>
            tpu.enqueue_dma source(%dma_start3A_1358 : memref<50048xf32, #tpu.memory_space<hbm>>) target(%dma_start3A_1356 : memref<50048xf32, #tpu.memory_space<vmem>>) target_semaphore(%run_scoped3A_1350 : memref<!tpu.dma_semaphore, #tpu.memory_space<semaphore_mem>>)
            %dma_wait3A_1359 = arith.constant 0 : i32
            %dma_wait3A_1360 = tpu.memref_slice %arg7[%dma_wait3A_1359] : memref<50112xf32, #tpu.memory_space<vmem>> -> memref<50048xf32, #tpu.memory_space<vmem>>
            %dma_wait3A_1361 = tpu.memref_slice %arg2[%add3A_60, %run_scoped3A, %multiple_of3A_105] : memref<4x8x2600000xf32, #tpu.memory_space<hbm>> -> memref<1x1x50048xf32, #tpu.memory_space<hbm>>
            %dma_wait3A_1362 = tpu.memref_squeeze %dma_wait3A_1361 : memref<1x1x50048xf32, #tpu.memory_space<hbm>> -> memref<50048xf32, #tpu.memory_space<hbm>>
            %dma_wait3A_1363 = arith.constant 0 : i32
            %dma_wait3A_1364 = tpu.memref_slice %arg7[%dma_wait3A_1363] : memref<50112xf32, #tpu.memory_space<vmem>> -> memref<50048xf32, #tpu.memory_space<vmem>>
            %dma_wait3A_1365 = tpu.memref_slice %arg2[%add3A_60, %run_scoped3A, %multiple_of3A_105] : memref<4x8x2600000xf32, #tpu.memory_space<hbm>> -> memref<1x1x50048xf32, #tpu.memory_space<hbm>>
            %dma_wait3A_1366 = tpu.memref_squeeze %dma_wait3A_1365 : memref<1x1x50048xf32, #tpu.memory_space<hbm>> -> memref<50048xf32, #tpu.memory_space<hbm>>
            tpu.wait_dma2 semaphore(%run_scoped3A_1350 : memref<!tpu.dma_semaphore, #tpu.memory_space<semaphore_mem>>) src(%dma_wait3A_1366 : memref<50048xf32, #tpu.memory_space<hbm>>) dst(%dma_wait3A_1364 : memref<50048xf32, #tpu.memory_space<vmem>>)
            tpu.yield
          }) : () -> ()
        } else {
        }
        %eq3A_124 = arith.constant 4 : i32
        %eq3A_125 = arith.cmpi eq, %select_n3A_44, %eq3A_124 : i32
        %convert_element_type3A_126 = arith.extui %eq3A_125 : i1 to i32
        %cond3A_127 = arith.constant 0 : i32
        %cond3A_128 = arith.cmpi ne, %convert_element_type3A_126, %cond3A_127 : i32
        scf.if %cond3A_128 {
          %run_scoped3A = arith.constant 4 : i32
          "tpu.region"() ({
            %run_scoped3A_1350 = tpu.sem_alloc : memref<!tpu.dma_semaphore, #tpu.memory_space<semaphore_mem>>
            %dma_start3A_1351 = arith.constant 0 : i32
            %dma_start3A_1352 = tpu.memref_slice %arg7[%dma_start3A_1351] : memref<50112xf32, #tpu.memory_space<vmem>> -> memref<50048xf32, #tpu.memory_space<vmem>>
            %dma_start3A_1353 = tpu.memref_slice %arg2[%add3A_60, %run_scoped3A, %multiple_of3A_105] : memref<4x8x2600000xf32, #tpu.memory_space<hbm>> -> memref<1x1x50048xf32, #tpu.memory_space<hbm>>
            %dma_start3A_1354 = tpu.memref_squeeze %dma_start3A_1353 : memref<1x1x50048xf32, #tpu.memory_space<hbm>> -> memref<50048xf32, #tpu.memory_space<hbm>>
            %dma_start3A_1355 = arith.constant 0 : i32
            %dma_start3A_1356 = tpu.memref_slice %arg7[%dma_start3A_1355] : memref<50112xf32, #tpu.memory_space<vmem>> -> memref<50048xf32, #tpu.memory_space<vmem>>
            %dma_start3A_1357 = tpu.memref_slice %arg2[%add3A_60, %run_scoped3A, %multiple_of3A_105] : memref<4x8x2600000xf32, #tpu.memory_space<hbm>> -> memref<1x1x50048xf32, #tpu.memory_space<hbm>>
            %dma_start3A_1358 = tpu.memref_squeeze %dma_start3A_1357 : memref<1x1x50048xf32, #tpu.memory_space<hbm>> -> memref<50048xf32, #tpu.memory_space<hbm>>
            tpu.enqueue_dma source(%dma_start3A_1358 : memref<50048xf32, #tpu.memory_space<hbm>>) target(%dma_start3A_1356 : memref<50048xf32, #tpu.memory_space<vmem>>) target_semaphore(%run_scoped3A_1350 : memref<!tpu.dma_semaphore, #tpu.memory_space<semaphore_mem>>)
            %dma_wait3A_1359 = arith.constant 0 : i32
            %dma_wait3A_1360 = tpu.memref_slice %arg7[%dma_wait3A_1359] : memref<50112xf32, #tpu.memory_space<vmem>> -> memref<50048xf32, #tpu.memory_space<vmem>>
            %dma_wait3A_1361 = tpu.memref_slice %arg2[%add3A_60, %run_scoped3A, %multiple_of3A_105] : memref<4x8x2600000xf32, #tpu.memory_space<hbm>> -> memref<1x1x50048xf32, #tpu.memory_space<hbm>>
            %dma_wait3A_1362 = tpu.memref_squeeze %dma_wait3A_1361 : memref<1x1x50048xf32, #tpu.memory_space<hbm>> -> memref<50048xf32, #tpu.memory_space<hbm>>
            %dma_wait3A_1363 = arith.constant 0 : i32
            %dma_wait3A_1364 = tpu.memref_slice %arg7[%dma_wait3A_1363] : memref<50112xf32, #tpu.memory_space<vmem>> -> memref<50048xf32, #tpu.memory_space<vmem>>
            %dma_wait3A_1365 = tpu.memref_slice %arg2[%add3A_60, %run_scoped3A, %multiple_of3A_105] : memref<4x8x2600000xf32, #tpu.memory_space<hbm>> -> memref<1x1x50048xf32, #tpu.memory_space<hbm>>
            %dma_wait3A_1366 = tpu.memref_squeeze %dma_wait3A_1365 : memref<1x1x50048xf32, #tpu.memory_space<hbm>> -> memref<50048xf32, #tpu.memory_space<hbm>>
            tpu.wait_dma2 semaphore(%run_scoped3A_1350 : memref<!tpu.dma_semaphore, #tpu.memory_space<semaphore_mem>>) src(%dma_wait3A_1366 : memref<50048xf32, #tpu.memory_space<hbm>>) dst(%dma_wait3A_1364 : memref<50048xf32, #tpu.memory_space<vmem>>)
            tpu.yield
          }) : () -> ()
        } else {
        }
        %eq3A_129 = arith.constant 5 : i32
        %eq3A_130 = arith.cmpi eq, %select_n3A_44, %eq3A_129 : i32
        %convert_element_type3A_131 = arith.extui %eq3A_130 : i1 to i32
        %cond3A_132 = arith.constant 0 : i32
        %cond3A_133 = arith.cmpi ne, %convert_element_type3A_131, %cond3A_132 : i32
        scf.if %cond3A_133 {
          %run_scoped3A = arith.constant 5 : i32
          "tpu.region"() ({
            %run_scoped3A_1350 = tpu.sem_alloc : memref<!tpu.dma_semaphore, #tpu.memory_space<semaphore_mem>>
            %dma_start3A_1351 = arith.constant 0 : i32
            %dma_start3A_1352 = tpu.memref_slice %arg7[%dma_start3A_1351] : memref<50112xf32, #tpu.memory_space<vmem>> -> memref<50048xf32, #tpu.memory_space<vmem>>
            %dma_start3A_1353 = tpu.memref_slice %arg2[%add3A_60, %run_scoped3A, %multiple_of3A_105] : memref<4x8x2600000xf32, #tpu.memory_space<hbm>> -> memref<1x1x50048xf32, #tpu.memory_space<hbm>>
            %dma_start3A_1354 = tpu.memref_squeeze %dma_start3A_1353 : memref<1x1x50048xf32, #tpu.memory_space<hbm>> -> memref<50048xf32, #tpu.memory_space<hbm>>
            %dma_start3A_1355 = arith.constant 0 : i32
            %dma_start3A_1356 = tpu.memref_slice %arg7[%dma_start3A_1355] : memref<50112xf32, #tpu.memory_space<vmem>> -> memref<50048xf32, #tpu.memory_space<vmem>>
            %dma_start3A_1357 = tpu.memref_slice %arg2[%add3A_60, %run_scoped3A, %multiple_of3A_105] : memref<4x8x2600000xf32, #tpu.memory_space<hbm>> -> memref<1x1x50048xf32, #tpu.memory_space<hbm>>
            %dma_start3A_1358 = tpu.memref_squeeze %dma_start3A_1357 : memref<1x1x50048xf32, #tpu.memory_space<hbm>> -> memref<50048xf32, #tpu.memory_space<hbm>>
            tpu.enqueue_dma source(%dma_start3A_1358 : memref<50048xf32, #tpu.memory_space<hbm>>) target(%dma_start3A_1356 : memref<50048xf32, #tpu.memory_space<vmem>>) target_semaphore(%run_scoped3A_1350 : memref<!tpu.dma_semaphore, #tpu.memory_space<semaphore_mem>>)
            %dma_wait3A_1359 = arith.constant 0 : i32
            %dma_wait3A_1360 = tpu.memref_slice %arg7[%dma_wait3A_1359] : memref<50112xf32, #tpu.memory_space<vmem>> -> memref<50048xf32, #tpu.memory_space<vmem>>
            %dma_wait3A_1361 = tpu.memref_slice %arg2[%add3A_60, %run_scoped3A, %multiple_of3A_105] : memref<4x8x2600000xf32, #tpu.memory_space<hbm>> -> memref<1x1x50048xf32, #tpu.memory_space<hbm>>
            %dma_wait3A_1362 = tpu.memref_squeeze %dma_wait3A_1361 : memref<1x1x50048xf32, #tpu.memory_space<hbm>> -> memref<50048xf32, #tpu.memory_space<hbm>>
            %dma_wait3A_1363 = arith.constant 0 : i32
            %dma_wait3A_1364 = tpu.memref_slice %arg7[%dma_wait3A_1363] : memref<50112xf32, #tpu.memory_space<vmem>> -> memref<50048xf32, #tpu.memory_space<vmem>>
            %dma_wait3A_1365 = tpu.memref_slice %arg2[%add3A_60, %run_scoped3A, %multiple_of3A_105] : memref<4x8x2600000xf32, #tpu.memory_space<hbm>> -> memref<1x1x50048xf32, #tpu.memory_space<hbm>>
            %dma_wait3A_1366 = tpu.memref_squeeze %dma_wait3A_1365 : memref<1x1x50048xf32, #tpu.memory_space<hbm>> -> memref<50048xf32, #tpu.memory_space<hbm>>
            tpu.wait_dma2 semaphore(%run_scoped3A_1350 : memref<!tpu.dma_semaphore, #tpu.memory_space<semaphore_mem>>) src(%dma_wait3A_1366 : memref<50048xf32, #tpu.memory_space<hbm>>) dst(%dma_wait3A_1364 : memref<50048xf32, #tpu.memory_space<vmem>>)
            tpu.yield
          }) : () -> ()
        } else {
        }
        %eq3A_134 = arith.constant 6 : i32
        %eq3A_135 = arith.cmpi eq, %select_n3A_44, %eq3A_134 : i32
        %convert_element_type3A_136 = arith.extui %eq3A_135 : i1 to i32
        %cond3A_137 = arith.constant 0 : i32
        %cond3A_138 = arith.cmpi ne, %convert_element_type3A_136, %cond3A_137 : i32
        scf.if %cond3A_138 {
          %run_scoped3A = arith.constant 6 : i32
          "tpu.region"() ({
            %run_scoped3A_1350 = tpu.sem_alloc : memref<!tpu.dma_semaphore, #tpu.memory_space<semaphore_mem>>
            %dma_start3A_1351 = arith.constant 0 : i32
            %dma_start3A_1352 = tpu.memref_slice %arg7[%dma_start3A_1351] : memref<50112xf32, #tpu.memory_space<vmem>> -> memref<50048xf32, #tpu.memory_space<vmem>>
            %dma_start3A_1353 = tpu.memref_slice %arg2[%add3A_60, %run_scoped3A, %multiple_of3A_105] : memref<4x8x2600000xf32, #tpu.memory_space<hbm>> -> memref<1x1x50048xf32, #tpu.memory_space<hbm>>
            %dma_start3A_1354 = tpu.memref_squeeze %dma_start3A_1353 : memref<1x1x50048xf32, #tpu.memory_space<hbm>> -> memref<50048xf32, #tpu.memory_space<hbm>>
            %dma_start3A_1355 = arith.constant 0 : i32
            %dma_start3A_1356 = tpu.memref_slice %arg7[%dma_start3A_1355] : memref<50112xf32, #tpu.memory_space<vmem>> -> memref<50048xf32, #tpu.memory_space<vmem>>
            %dma_start3A_1357 = tpu.memref_slice %arg2[%add3A_60, %run_scoped3A, %multiple_of3A_105] : memref<4x8x2600000xf32, #tpu.memory_space<hbm>> -> memref<1x1x50048xf32, #tpu.memory_space<hbm>>
            %dma_start3A_1358 = tpu.memref_squeeze %dma_start3A_1357 : memref<1x1x50048xf32, #tpu.memory_space<hbm>> -> memref<50048xf32, #tpu.memory_space<hbm>>
            tpu.enqueue_dma source(%dma_start3A_1358 : memref<50048xf32, #tpu.memory_space<hbm>>) target(%dma_start3A_1356 : memref<50048xf32, #tpu.memory_space<vmem>>) target_semaphore(%run_scoped3A_1350 : memref<!tpu.dma_semaphore, #tpu.memory_space<semaphore_mem>>)
            %dma_wait3A_1359 = arith.constant 0 : i32
            %dma_wait3A_1360 = tpu.memref_slice %arg7[%dma_wait3A_1359] : memref<50112xf32, #tpu.memory_space<vmem>> -> memref<50048xf32, #tpu.memory_space<vmem>>
            %dma_wait3A_1361 = tpu.memref_slice %arg2[%add3A_60, %run_scoped3A, %multiple_of3A_105] : memref<4x8x2600000xf32, #tpu.memory_space<hbm>> -> memref<1x1x50048xf32, #tpu.memory_space<hbm>>
            %dma_wait3A_1362 = tpu.memref_squeeze %dma_wait3A_1361 : memref<1x1x50048xf32, #tpu.memory_space<hbm>> -> memref<50048xf32, #tpu.memory_space<hbm>>
            %dma_wait3A_1363 = arith.constant 0 : i32
            %dma_wait3A_1364 = tpu.memref_slice %arg7[%dma_wait3A_1363] : memref<50112xf32, #tpu.memory_space<vmem>> -> memref<50048xf32, #tpu.memory_space<vmem>>
            %dma_wait3A_1365 = tpu.memref_slice %arg2[%add3A_60, %run_scoped3A, %multiple_of3A_105] : memref<4x8x2600000xf32, #tpu.memory_space<hbm>> -> memref<1x1x50048xf32, #tpu.memory_space<hbm>>
            %dma_wait3A_1366 = tpu.memref_squeeze %dma_wait3A_1365 : memref<1x1x50048xf32, #tpu.memory_space<hbm>> -> memref<50048xf32, #tpu.memory_space<hbm>>
            tpu.wait_dma2 semaphore(%run_scoped3A_1350 : memref<!tpu.dma_semaphore, #tpu.memory_space<semaphore_mem>>) src(%dma_wait3A_1366 : memref<50048xf32, #tpu.memory_space<hbm>>) dst(%dma_wait3A_1364 : memref<50048xf32, #tpu.memory_space<vmem>>)
            tpu.yield
          }) : () -> ()
        } else {
        }
        %eq3A_139 = arith.constant 7 : i32
        %eq3A_140 = arith.cmpi eq, %select_n3A_44, %eq3A_139 : i32
        %convert_element_type3A_141 = arith.extui %eq3A_140 : i1 to i32
        %cond3A_142 = arith.constant 0 : i32
        %cond3A_143 = arith.cmpi ne, %convert_element_type3A_141, %cond3A_142 : i32
        scf.if %cond3A_143 {
          %run_scoped3A = arith.constant 7 : i32
          "tpu.region"() ({
            %run_scoped3A_1350 = tpu.sem_alloc : memref<!tpu.dma_semaphore, #tpu.memory_space<semaphore_mem>>
            %dma_start3A_1351 = arith.constant 0 : i32
            %dma_start3A_1352 = tpu.memref_slice %arg7[%dma_start3A_1351] : memref<50112xf32, #tpu.memory_space<vmem>> -> memref<50048xf32, #tpu.memory_space<vmem>>
            %dma_start3A_1353 = tpu.memref_slice %arg2[%add3A_60, %run_scoped3A, %multiple_of3A_105] : memref<4x8x2600000xf32, #tpu.memory_space<hbm>> -> memref<1x1x50048xf32, #tpu.memory_space<hbm>>
            %dma_start3A_1354 = tpu.memref_squeeze %dma_start3A_1353 : memref<1x1x50048xf32, #tpu.memory_space<hbm>> -> memref<50048xf32, #tpu.memory_space<hbm>>
            %dma_start3A_1355 = arith.constant 0 : i32
            %dma_start3A_1356 = tpu.memref_slice %arg7[%dma_start3A_1355] : memref<50112xf32, #tpu.memory_space<vmem>> -> memref<50048xf32, #tpu.memory_space<vmem>>
            %dma_start3A_1357 = tpu.memref_slice %arg2[%add3A_60, %run_scoped3A, %multiple_of3A_105] : memref<4x8x2600000xf32, #tpu.memory_space<hbm>> -> memref<1x1x50048xf32, #tpu.memory_space<hbm>>
            %dma_start3A_1358 = tpu.memref_squeeze %dma_start3A_1357 : memref<1x1x50048xf32, #tpu.memory_space<hbm>> -> memref<50048xf32, #tpu.memory_space<hbm>>
            tpu.enqueue_dma source(%dma_start3A_1358 : memref<50048xf32, #tpu.memory_space<hbm>>) target(%dma_start3A_1356 : memref<50048xf32, #tpu.memory_space<vmem>>) target_semaphore(%run_scoped3A_1350 : memref<!tpu.dma_semaphore, #tpu.memory_space<semaphore_mem>>)
            %dma_wait3A_1359 = arith.constant 0 : i32
            %dma_wait3A_1360 = tpu.memref_slice %arg7[%dma_wait3A_1359] : memref<50112xf32, #tpu.memory_space<vmem>> -> memref<50048xf32, #tpu.memory_space<vmem>>
            %dma_wait3A_1361 = tpu.memref_slice %arg2[%add3A_60, %run_scoped3A, %multiple_of3A_105] : memref<4x8x2600000xf32, #tpu.memory_space<hbm>> -> memref<1x1x50048xf32, #tpu.memory_space<hbm>>
            %dma_wait3A_1362 = tpu.memref_squeeze %dma_wait3A_1361 : memref<1x1x50048xf32, #tpu.memory_space<hbm>> -> memref<50048xf32, #tpu.memory_space<hbm>>
            %dma_wait3A_1363 = arith.constant 0 : i32
            %dma_wait3A_1364 = tpu.memref_slice %arg7[%dma_wait3A_1363] : memref<50112xf32, #tpu.memory_space<vmem>> -> memref<50048xf32, #tpu.memory_space<vmem>>
            %dma_wait3A_1365 = tpu.memref_slice %arg2[%add3A_60, %run_scoped3A, %multiple_of3A_105] : memref<4x8x2600000xf32, #tpu.memory_space<hbm>> -> memref<1x1x50048xf32, #tpu.memory_space<hbm>>
            %dma_wait3A_1366 = tpu.memref_squeeze %dma_wait3A_1365 : memref<1x1x50048xf32, #tpu.memory_space<hbm>> -> memref<50048xf32, #tpu.memory_space<hbm>>
            tpu.wait_dma2 semaphore(%run_scoped3A_1350 : memref<!tpu.dma_semaphore, #tpu.memory_space<semaphore_mem>>) src(%dma_wait3A_1366 : memref<50048xf32, #tpu.memory_space<hbm>>) dst(%dma_wait3A_1364 : memref<50048xf32, #tpu.memory_space<vmem>>)
            tpu.yield
          }) : () -> ()
        } else {
        }
        %mul3A_144 = arith.constant 64 : i32
        %mul3A_145 = arith.muli %select_n3A_28, %mul3A_144 : i32
        %add3A_146 = arith.constant 50048 : i32
        %add3A_147 = arith.addi %add3A_146, %mul3A_145 : i32
        %mul3A_148 = arith.constant 50048 : i32
        %mul3A_149 = arith.muli %select_n3A_28, %mul3A_148 : i32
        %add3A_150 = arith.addi %mul3A_45, %mul3A_149 : i32
        "tpu.region"() ({
          %run_scoped3A = tpu.sem_alloc : memref<!tpu.dma_semaphore, #tpu.memory_space<semaphore_mem>>
          %dma_start3A_1350 = arith.constant 0 : i32
          %dma_start3A_1351 = tpu.memref_slice %arg7[%dma_start3A_1350] <%add3A_147> : memref<50112xf32, #tpu.memory_space<vmem>> -> memref<?xf32, #tpu.memory_space<vmem>>
          %dma_start3A_1352 = tpu.memref_slice %arg6[%add3A_150] <%add3A_147> : memref<801280xf32, #tpu.memory_space<vmem_shared>> -> memref<?xf32, #tpu.memory_space<vmem_shared>>
          %dma_start3A_1353 = tpu.memref_slice %arg6[%add3A_150] <%add3A_147> : memref<801280xf32, #tpu.memory_space<vmem_shared>> -> memref<?xf32, #tpu.memory_space<vmem_shared>>
          %dma_start3A_1354 = arith.constant 0 : i32
          %dma_start3A_1355 = tpu.memref_slice %arg7[%dma_start3A_1354] <%add3A_147> : memref<50112xf32, #tpu.memory_space<vmem>> -> memref<?xf32, #tpu.memory_space<vmem>>
          tpu.enqueue_dma source(%dma_start3A_1355 : memref<?xf32, #tpu.memory_space<vmem>>) target(%dma_start3A_1353 : memref<?xf32, #tpu.memory_space<vmem_shared>>) target_semaphore(%run_scoped3A : memref<!tpu.dma_semaphore, #tpu.memory_space<semaphore_mem>>)
          %dma_wait3A_1356 = arith.constant 0 : i32
          %dma_wait3A_1357 = tpu.memref_slice %arg7[%dma_wait3A_1356] <%add3A_147> : memref<50112xf32, #tpu.memory_space<vmem>> -> memref<?xf32, #tpu.memory_space<vmem>>
          %dma_wait3A_1358 = tpu.memref_slice %arg6[%add3A_150] <%add3A_147> : memref<801280xf32, #tpu.memory_space<vmem_shared>> -> memref<?xf32, #tpu.memory_space<vmem_shared>>
          %dma_wait3A_1359 = tpu.memref_slice %arg6[%add3A_150] <%add3A_147> : memref<801280xf32, #tpu.memory_space<vmem_shared>> -> memref<?xf32, #tpu.memory_space<vmem_shared>>
          %dma_wait3A_1360 = arith.constant 0 : i32
          %dma_wait3A_1361 = tpu.memref_slice %arg7[%dma_wait3A_1360] <%add3A_147> : memref<50112xf32, #tpu.memory_space<vmem>> -> memref<?xf32, #tpu.memory_space<vmem>>
          tpu.wait_dma2 semaphore(%run_scoped3A : memref<!tpu.dma_semaphore, #tpu.memory_space<semaphore_mem>>) src(%dma_wait3A_1361 : memref<?xf32, #tpu.memory_space<vmem>>) dst(%dma_wait3A_1359 : memref<?xf32, #tpu.memory_space<vmem_shared>>)
          tpu.yield
        }) : () -> ()
        %barrier3A = arith.constant 0 : index
        tpu.barrier barrier_id(%barrier3A)
        %add3A_151 = arith.addi %mul3A_45, %sub3A_101 : i32
        %mul3A_152 = arith.constant 8192 : i32
        %mul3A_153 = arith.muli %select_n3A_28, %mul3A_152 : i32
        %mul3A_154 = arith.constant 16384 : i32
        %mul3A_155 = arith.muli %scan3A_69, %mul3A_154 : i32
        %add3A_156 = arith.addi %mul3A_155, %mul3A_153 : i32
        "tpu.region"() ({
          %run_scoped3A = tpu.sem_alloc : memref<!tpu.dma_semaphore, #tpu.memory_space<semaphore_mem>>
          %dma_start3A_1350 = tpu.memref_slice %arg3[%add3A_156] : memref<425984xi32, #tpu.memory_space<hbm>> -> memref<8192xi32, #tpu.memory_space<hbm>>
          %dma_start3A_1351 = tpu.memref_slice %arg3[%add3A_156] : memref<425984xi32, #tpu.memory_space<hbm>> -> memref<8192xi32, #tpu.memory_space<hbm>>
          tpu.enqueue_dma source(%dma_start3A_1351 : memref<8192xi32, #tpu.memory_space<hbm>>) target(%arg8 : memref<8192xi32, #tpu.memory_space<vmem>>) target_semaphore(%run_scoped3A : memref<!tpu.dma_semaphore, #tpu.memory_space<semaphore_mem>>)
          %dma_wait3A_1352 = tpu.memref_slice %arg3[%add3A_156] : memref<425984xi32, #tpu.memory_space<hbm>> -> memref<8192xi32, #tpu.memory_space<hbm>>
          %dma_wait3A_1353 = tpu.memref_slice %arg3[%add3A_156] : memref<425984xi32, #tpu.memory_space<hbm>> -> memref<8192xi32, #tpu.memory_space<hbm>>
          tpu.wait_dma2 semaphore(%run_scoped3A : memref<!tpu.dma_semaphore, #tpu.memory_space<semaphore_mem>>) src(%dma_wait3A_1353 : memref<8192xi32, #tpu.memory_space<hbm>>) dst(%arg8 : memref<8192xi32, #tpu.memory_space<vmem>>)
          tpu.yield
        }) : () -> ()
        %dma_start3A = arith.constant 0 : i32
        %dma_start3A_157 = arith.constant 0 : i32
        %dma_start3A_158 = tpu.memref_slice %arg9[%dma_start3A, %dma_start3A_157] : memref<64x128xf32, #tpu.memory_space<vmem>> -> memref<1x128xf32, #tpu.memory_space<vmem>>
        %dma_start3A_159 = tpu.memref_squeeze %dma_start3A_158 : memref<1x128xf32, #tpu.memory_space<vmem>> -> memref<128xf32, #tpu.memory_space<vmem>>
        %dma_start3A_160 = arith.constant 0 : i32
        %dma_start3A_161 = tpu.memref_slice %arg8[%dma_start3A_160] : memref<8192xi32, #tpu.memory_space<vmem>> -> memref<128xi32, #tpu.memory_space<vmem>>
        %dma_start3A_162 = tpu.memref_slice %arg6[%add3A_151] : memref<801280xf32, #tpu.memory_space<vmem_shared>> -> memref<100000xf32, #tpu.memory_space<vmem_shared>>
        %dma_start3A_163 = arith.constant 0 : i32
        %dma_start3A_164 = tpu.memref_slice %dma_start3A_162[%dma_start3A_163] : memref<100000xf32, #tpu.memory_space<vmem_shared>> -> memref<100000xf32, #tpu.memory_space<vmem_shared>>
        tpu.enqueue_indirect_dma source(%dma_start3A_164 : memref<100000xf32, #tpu.memory_space<vmem_shared>>) target(%dma_start3A_159 : memref<128xf32, #tpu.memory_space<vmem>>) offsets(%dma_start3A_161 : memref<128xi32, #tpu.memory_space<vmem>>) semaphore(%arg10 : memref<!tpu.dma_semaphore, #tpu.memory_space<semaphore_mem>>)
        %dma_start3A_165 = arith.constant 1 : i32
        %dma_start3A_166 = arith.constant 0 : i32
        %dma_start3A_167 = tpu.memref_slice %arg9[%dma_start3A_165, %dma_start3A_166] : memref<64x128xf32, #tpu.memory_space<vmem>> -> memref<1x128xf32, #tpu.memory_space<vmem>>
        %dma_start3A_168 = tpu.memref_squeeze %dma_start3A_167 : memref<1x128xf32, #tpu.memory_space<vmem>> -> memref<128xf32, #tpu.memory_space<vmem>>
        %dma_start3A_169 = arith.constant 128 : i32
        %dma_start3A_170 = tpu.memref_slice %arg8[%dma_start3A_169] : memref<8192xi32, #tpu.memory_space<vmem>> -> memref<128xi32, #tpu.memory_space<vmem>>
        %dma_start3A_171 = tpu.memref_slice %arg6[%add3A_151] : memref<801280xf32, #tpu.memory_space<vmem_shared>> -> memref<100000xf32, #tpu.memory_space<vmem_shared>>
        %dma_start3A_172 = arith.constant 0 : i32
        %dma_start3A_173 = tpu.memref_slice %dma_start3A_171[%dma_start3A_172] : memref<100000xf32, #tpu.memory_space<vmem_shared>> -> memref<100000xf32, #tpu.memory_space<vmem_shared>>
        tpu.enqueue_indirect_dma source(%dma_start3A_173 : memref<100000xf32, #tpu.memory_space<vmem_shared>>) target(%dma_start3A_168 : memref<128xf32, #tpu.memory_space<vmem>>) offsets(%dma_start3A_170 : memref<128xi32, #tpu.memory_space<vmem>>) semaphore(%arg10 : memref<!tpu.dma_semaphore, #tpu.memory_space<semaphore_mem>>)
        %dma_start3A_174 = arith.constant 2 : i32
        %dma_start3A_175 = arith.constant 0 : i32
        %dma_start3A_176 = tpu.memref_slice %arg9[%dma_start3A_174, %dma_start3A_175] : memref<64x128xf32, #tpu.memory_space<vmem>> -> memref<1x128xf32, #tpu.memory_space<vmem>>
        %dma_start3A_177 = tpu.memref_squeeze %dma_start3A_176 : memref<1x128xf32, #tpu.memory_space<vmem>> -> memref<128xf32, #tpu.memory_space<vmem>>
        %dma_start3A_178 = arith.constant 256 : i32
        %dma_start3A_179 = tpu.memref_slice %arg8[%dma_start3A_178] : memref<8192xi32, #tpu.memory_space<vmem>> -> memref<128xi32, #tpu.memory_space<vmem>>
        %dma_start3A_180 = tpu.memref_slice %arg6[%add3A_151] : memref<801280xf32, #tpu.memory_space<vmem_shared>> -> memref<100000xf32, #tpu.memory_space<vmem_shared>>
        %dma_start3A_181 = arith.constant 0 : i32
        %dma_start3A_182 = tpu.memref_slice %dma_start3A_180[%dma_start3A_181] : memref<100000xf32, #tpu.memory_space<vmem_shared>> -> memref<100000xf32, #tpu.memory_space<vmem_shared>>
        tpu.enqueue_indirect_dma source(%dma_start3A_182 : memref<100000xf32, #tpu.memory_space<vmem_shared>>) target(%dma_start3A_177 : memref<128xf32, #tpu.memory_space<vmem>>) offsets(%dma_start3A_179 : memref<128xi32, #tpu.memory_space<vmem>>) semaphore(%arg10 : memref<!tpu.dma_semaphore, #tpu.memory_space<semaphore_mem>>)
        %dma_start3A_183 = arith.constant 3 : i32
        %dma_start3A_184 = arith.constant 0 : i32
        %dma_start3A_185 = tpu.memref_slice %arg9[%dma_start3A_183, %dma_start3A_184] : memref<64x128xf32, #tpu.memory_space<vmem>> -> memref<1x128xf32, #tpu.memory_space<vmem>>
        %dma_start3A_186 = tpu.memref_squeeze %dma_start3A_185 : memref<1x128xf32, #tpu.memory_space<vmem>> -> memref<128xf32, #tpu.memory_space<vmem>>
        %dma_start3A_187 = arith.constant 384 : i32
        %dma_start3A_188 = tpu.memref_slice %arg8[%dma_start3A_187] : memref<8192xi32, #tpu.memory_space<vmem>> -> memref<128xi32, #tpu.memory_space<vmem>>
        %dma_start3A_189 = tpu.memref_slice %arg6[%add3A_151] : memref<801280xf32, #tpu.memory_space<vmem_shared>> -> memref<100000xf32, #tpu.memory_space<vmem_shared>>
        %dma_start3A_190 = arith.constant 0 : i32
        %dma_start3A_191 = tpu.memref_slice %dma_start3A_189[%dma_start3A_190] : memref<100000xf32, #tpu.memory_space<vmem_shared>> -> memref<100000xf32, #tpu.memory_space<vmem_shared>>
        tpu.enqueue_indirect_dma source(%dma_start3A_191 : memref<100000xf32, #tpu.memory_space<vmem_shared>>) target(%dma_start3A_186 : memref<128xf32, #tpu.memory_space<vmem>>) offsets(%dma_start3A_188 : memref<128xi32, #tpu.memory_space<vmem>>) semaphore(%arg10 : memref<!tpu.dma_semaphore, #tpu.memory_space<semaphore_mem>>)
        %dma_start3A_192 = arith.constant 4 : i32
        %dma_start3A_193 = arith.constant 0 : i32
        %dma_start3A_194 = tpu.memref_slice %arg9[%dma_start3A_192, %dma_start3A_193] : memref<64x128xf32, #tpu.memory_space<vmem>> -> memref<1x128xf32, #tpu.memory_space<vmem>>
        %dma_start3A_195 = tpu.memref_squeeze %dma_start3A_194 : memref<1x128xf32, #tpu.memory_space<vmem>> -> memref<128xf32, #tpu.memory_space<vmem>>
        %dma_start3A_196 = arith.constant 512 : i32
        %dma_start3A_197 = tpu.memref_slice %arg8[%dma_start3A_196] : memref<8192xi32, #tpu.memory_space<vmem>> -> memref<128xi32, #tpu.memory_space<vmem>>
        %dma_start3A_198 = tpu.memref_slice %arg6[%add3A_151] : memref<801280xf32, #tpu.memory_space<vmem_shared>> -> memref<100000xf32, #tpu.memory_space<vmem_shared>>
        %dma_start3A_199 = arith.constant 0 : i32
        %dma_start3A_200 = tpu.memref_slice %dma_start3A_198[%dma_start3A_199] : memref<100000xf32, #tpu.memory_space<vmem_shared>> -> memref<100000xf32, #tpu.memory_space<vmem_shared>>
        tpu.enqueue_indirect_dma source(%dma_start3A_200 : memref<100000xf32, #tpu.memory_space<vmem_shared>>) target(%dma_start3A_195 : memref<128xf32, #tpu.memory_space<vmem>>) offsets(%dma_start3A_197 : memref<128xi32, #tpu.memory_space<vmem>>) semaphore(%arg10 : memref<!tpu.dma_semaphore, #tpu.memory_space<semaphore_mem>>)
        %dma_start3A_201 = arith.constant 5 : i32
        %dma_start3A_202 = arith.constant 0 : i32
        %dma_start3A_203 = tpu.memref_slice %arg9[%dma_start3A_201, %dma_start3A_202] : memref<64x128xf32, #tpu.memory_space<vmem>> -> memref<1x128xf32, #tpu.memory_space<vmem>>
        %dma_start3A_204 = tpu.memref_squeeze %dma_start3A_203 : memref<1x128xf32, #tpu.memory_space<vmem>> -> memref<128xf32, #tpu.memory_space<vmem>>
        %dma_start3A_205 = arith.constant 640 : i32
        %dma_start3A_206 = tpu.memref_slice %arg8[%dma_start3A_205] : memref<8192xi32, #tpu.memory_space<vmem>> -> memref<128xi32, #tpu.memory_space<vmem>>
        %dma_start3A_207 = tpu.memref_slice %arg6[%add3A_151] : memref<801280xf32, #tpu.memory_space<vmem_shared>> -> memref<100000xf32, #tpu.memory_space<vmem_shared>>
        %dma_start3A_208 = arith.constant 0 : i32
        %dma_start3A_209 = tpu.memref_slice %dma_start3A_207[%dma_start3A_208] : memref<100000xf32, #tpu.memory_space<vmem_shared>> -> memref<100000xf32, #tpu.memory_space<vmem_shared>>
        tpu.enqueue_indirect_dma source(%dma_start3A_209 : memref<100000xf32, #tpu.memory_space<vmem_shared>>) target(%dma_start3A_204 : memref<128xf32, #tpu.memory_space<vmem>>) offsets(%dma_start3A_206 : memref<128xi32, #tpu.memory_space<vmem>>) semaphore(%arg10 : memref<!tpu.dma_semaphore, #tpu.memory_space<semaphore_mem>>)
        %dma_start3A_210 = arith.constant 6 : i32
        %dma_start3A_211 = arith.constant 0 : i32
        %dma_start3A_212 = tpu.memref_slice %arg9[%dma_start3A_210, %dma_start3A_211] : memref<64x128xf32, #tpu.memory_space<vmem>> -> memref<1x128xf32, #tpu.memory_space<vmem>>
        %dma_start3A_213 = tpu.memref_squeeze %dma_start3A_212 : memref<1x128xf32, #tpu.memory_space<vmem>> -> memref<128xf32, #tpu.memory_space<vmem>>
        %dma_start3A_214 = arith.constant 768 : i32
        %dma_start3A_215 = tpu.memref_slice %arg8[%dma_start3A_214] : memref<8192xi32, #tpu.memory_space<vmem>> -> memref<128xi32, #tpu.memory_space<vmem>>
        %dma_start3A_216 = tpu.memref_slice %arg6[%add3A_151] : memref<801280xf32, #tpu.memory_space<vmem_shared>> -> memref<100000xf32, #tpu.memory_space<vmem_shared>>
        %dma_start3A_217 = arith.constant 0 : i32
        %dma_start3A_218 = tpu.memref_slice %dma_start3A_216[%dma_start3A_217] : memref<100000xf32, #tpu.memory_space<vmem_shared>> -> memref<100000xf32, #tpu.memory_space<vmem_shared>>
        tpu.enqueue_indirect_dma source(%dma_start3A_218 : memref<100000xf32, #tpu.memory_space<vmem_shared>>) target(%dma_start3A_213 : memref<128xf32, #tpu.memory_space<vmem>>) offsets(%dma_start3A_215 : memref<128xi32, #tpu.memory_space<vmem>>) semaphore(%arg10 : memref<!tpu.dma_semaphore, #tpu.memory_space<semaphore_mem>>)
        %dma_start3A_219 = arith.constant 7 : i32
        %dma_start3A_220 = arith.constant 0 : i32
        %dma_start3A_221 = tpu.memref_slice %arg9[%dma_start3A_219, %dma_start3A_220] : memref<64x128xf32, #tpu.memory_space<vmem>> -> memref<1x128xf32, #tpu.memory_space<vmem>>
        %dma_start3A_222 = tpu.memref_squeeze %dma_start3A_221 : memref<1x128xf32, #tpu.memory_space<vmem>> -> memref<128xf32, #tpu.memory_space<vmem>>
        %dma_start3A_223 = arith.constant 896 : i32
        %dma_start3A_224 = tpu.memref_slice %arg8[%dma_start3A_223] : memref<8192xi32, #tpu.memory_space<vmem>> -> memref<128xi32, #tpu.memory_space<vmem>>
        %dma_start3A_225 = tpu.memref_slice %arg6[%add3A_151] : memref<801280xf32, #tpu.memory_space<vmem_shared>> -> memref<100000xf32, #tpu.memory_space<vmem_shared>>
        %dma_start3A_226 = arith.constant 0 : i32
        %dma_start3A_227 = tpu.memref_slice %dma_start3A_225[%dma_start3A_226] : memref<100000xf32, #tpu.memory_space<vmem_shared>> -> memref<100000xf32, #tpu.memory_space<vmem_shared>>
        tpu.enqueue_indirect_dma source(%dma_start3A_227 : memref<100000xf32, #tpu.memory_space<vmem_shared>>) target(%dma_start3A_222 : memref<128xf32, #tpu.memory_space<vmem>>) offsets(%dma_start3A_224 : memref<128xi32, #tpu.memory_space<vmem>>) semaphore(%arg10 : memref<!tpu.dma_semaphore, #tpu.memory_space<semaphore_mem>>)
        %dma_start3A_228 = arith.constant 8 : i32
        %dma_start3A_229 = arith.constant 0 : i32
        %dma_start3A_230 = tpu.memref_slice %arg9[%dma_start3A_228, %dma_start3A_229] : memref<64x128xf32, #tpu.memory_space<vmem>> -> memref<1x128xf32, #tpu.memory_space<vmem>>
        %dma_start3A_231 = tpu.memref_squeeze %dma_start3A_230 : memref<1x128xf32, #tpu.memory_space<vmem>> -> memref<128xf32, #tpu.memory_space<vmem>>
        %dma_start3A_232 = arith.constant 1024 : i32
        %dma_start3A_233 = tpu.memref_slice %arg8[%dma_start3A_232] : memref<8192xi32, #tpu.memory_space<vmem>> -> memref<128xi32, #tpu.memory_space<vmem>>
        %dma_start3A_234 = tpu.memref_slice %arg6[%add3A_151] : memref<801280xf32, #tpu.memory_space<vmem_shared>> -> memref<100000xf32, #tpu.memory_space<vmem_shared>>
        %dma_start3A_235 = arith.constant 0 : i32
        %dma_start3A_236 = tpu.memref_slice %dma_start3A_234[%dma_start3A_235] : memref<100000xf32, #tpu.memory_space<vmem_shared>> -> memref<100000xf32, #tpu.memory_space<vmem_shared>>
        tpu.enqueue_indirect_dma source(%dma_start3A_236 : memref<100000xf32, #tpu.memory_space<vmem_shared>>) target(%dma_start3A_231 : memref<128xf32, #tpu.memory_space<vmem>>) offsets(%dma_start3A_233 : memref<128xi32, #tpu.memory_space<vmem>>) semaphore(%arg10 : memref<!tpu.dma_semaphore, #tpu.memory_space<semaphore_mem>>)
        %dma_start3A_237 = arith.constant 9 : i32
        %dma_start3A_238 = arith.constant 0 : i32
        %dma_start3A_239 = tpu.memref_slice %arg9[%dma_start3A_237, %dma_start3A_238] : memref<64x128xf32, #tpu.memory_space<vmem>> -> memref<1x128xf32, #tpu.memory_space<vmem>>
        %dma_start3A_240 = tpu.memref_squeeze %dma_start3A_239 : memref<1x128xf32, #tpu.memory_space<vmem>> -> memref<128xf32, #tpu.memory_space<vmem>>
        %dma_start3A_241 = arith.constant 1152 : i32
        %dma_start3A_242 = tpu.memref_slice %arg8[%dma_start3A_241] : memref<8192xi32, #tpu.memory_space<vmem>> -> memref<128xi32, #tpu.memory_space<vmem>>
        %dma_start3A_243 = tpu.memref_slice %arg6[%add3A_151] : memref<801280xf32, #tpu.memory_space<vmem_shared>> -> memref<100000xf32, #tpu.memory_space<vmem_shared>>
        %dma_start3A_244 = arith.constant 0 : i32
        %dma_start3A_245 = tpu.memref_slice %dma_start3A_243[%dma_start3A_244] : memref<100000xf32, #tpu.memory_space<vmem_shared>> -> memref<100000xf32, #tpu.memory_space<vmem_shared>>
        tpu.enqueue_indirect_dma source(%dma_start3A_245 : memref<100000xf32, #tpu.memory_space<vmem_shared>>) target(%dma_start3A_240 : memref<128xf32, #tpu.memory_space<vmem>>) offsets(%dma_start3A_242 : memref<128xi32, #tpu.memory_space<vmem>>) semaphore(%arg10 : memref<!tpu.dma_semaphore, #tpu.memory_space<semaphore_mem>>)
        %dma_start3A_246 = arith.constant 10 : i32
        %dma_start3A_247 = arith.constant 0 : i32
        %dma_start3A_248 = tpu.memref_slice %arg9[%dma_start3A_246, %dma_start3A_247] : memref<64x128xf32, #tpu.memory_space<vmem>> -> memref<1x128xf32, #tpu.memory_space<vmem>>
        %dma_start3A_249 = tpu.memref_squeeze %dma_start3A_248 : memref<1x128xf32, #tpu.memory_space<vmem>> -> memref<128xf32, #tpu.memory_space<vmem>>
        %dma_start3A_250 = arith.constant 1280 : i32
        %dma_start3A_251 = tpu.memref_slice %arg8[%dma_start3A_250] : memref<8192xi32, #tpu.memory_space<vmem>> -> memref<128xi32, #tpu.memory_space<vmem>>
        %dma_start3A_252 = tpu.memref_slice %arg6[%add3A_151] : memref<801280xf32, #tpu.memory_space<vmem_shared>> -> memref<100000xf32, #tpu.memory_space<vmem_shared>>
        %dma_start3A_253 = arith.constant 0 : i32
        %dma_start3A_254 = tpu.memref_slice %dma_start3A_252[%dma_start3A_253] : memref<100000xf32, #tpu.memory_space<vmem_shared>> -> memref<100000xf32, #tpu.memory_space<vmem_shared>>
        tpu.enqueue_indirect_dma source(%dma_start3A_254 : memref<100000xf32, #tpu.memory_space<vmem_shared>>) target(%dma_start3A_249 : memref<128xf32, #tpu.memory_space<vmem>>) offsets(%dma_start3A_251 : memref<128xi32, #tpu.memory_space<vmem>>) semaphore(%arg10 : memref<!tpu.dma_semaphore, #tpu.memory_space<semaphore_mem>>)
        %dma_start3A_255 = arith.constant 11 : i32
        %dma_start3A_256 = arith.constant 0 : i32
        %dma_start3A_257 = tpu.memref_slice %arg9[%dma_start3A_255, %dma_start3A_256] : memref<64x128xf32, #tpu.memory_space<vmem>> -> memref<1x128xf32, #tpu.memory_space<vmem>>
        %dma_start3A_258 = tpu.memref_squeeze %dma_start3A_257 : memref<1x128xf32, #tpu.memory_space<vmem>> -> memref<128xf32, #tpu.memory_space<vmem>>
        %dma_start3A_259 = arith.constant 1408 : i32
        %dma_start3A_260 = tpu.memref_slice %arg8[%dma_start3A_259] : memref<8192xi32, #tpu.memory_space<vmem>> -> memref<128xi32, #tpu.memory_space<vmem>>
        %dma_start3A_261 = tpu.memref_slice %arg6[%add3A_151] : memref<801280xf32, #tpu.memory_space<vmem_shared>> -> memref<100000xf32, #tpu.memory_space<vmem_shared>>
        %dma_start3A_262 = arith.constant 0 : i32
        %dma_start3A_263 = tpu.memref_slice %dma_start3A_261[%dma_start3A_262] : memref<100000xf32, #tpu.memory_space<vmem_shared>> -> memref<100000xf32, #tpu.memory_space<vmem_shared>>
        tpu.enqueue_indirect_dma source(%dma_start3A_263 : memref<100000xf32, #tpu.memory_space<vmem_shared>>) target(%dma_start3A_258 : memref<128xf32, #tpu.memory_space<vmem>>) offsets(%dma_start3A_260 : memref<128xi32, #tpu.memory_space<vmem>>) semaphore(%arg10 : memref<!tpu.dma_semaphore, #tpu.memory_space<semaphore_mem>>)
        %dma_start3A_264 = arith.constant 12 : i32
        %dma_start3A_265 = arith.constant 0 : i32
        %dma_start3A_266 = tpu.memref_slice %arg9[%dma_start3A_264, %dma_start3A_265] : memref<64x128xf32, #tpu.memory_space<vmem>> -> memref<1x128xf32, #tpu.memory_space<vmem>>
        %dma_start3A_267 = tpu.memref_squeeze %dma_start3A_266 : memref<1x128xf32, #tpu.memory_space<vmem>> -> memref<128xf32, #tpu.memory_space<vmem>>
        %dma_start3A_268 = arith.constant 1536 : i32
        %dma_start3A_269 = tpu.memref_slice %arg8[%dma_start3A_268] : memref<8192xi32, #tpu.memory_space<vmem>> -> memref<128xi32, #tpu.memory_space<vmem>>
        %dma_start3A_270 = tpu.memref_slice %arg6[%add3A_151] : memref<801280xf32, #tpu.memory_space<vmem_shared>> -> memref<100000xf32, #tpu.memory_space<vmem_shared>>
        %dma_start3A_271 = arith.constant 0 : i32
        %dma_start3A_272 = tpu.memref_slice %dma_start3A_270[%dma_start3A_271] : memref<100000xf32, #tpu.memory_space<vmem_shared>> -> memref<100000xf32, #tpu.memory_space<vmem_shared>>
        tpu.enqueue_indirect_dma source(%dma_start3A_272 : memref<100000xf32, #tpu.memory_space<vmem_shared>>) target(%dma_start3A_267 : memref<128xf32, #tpu.memory_space<vmem>>) offsets(%dma_start3A_269 : memref<128xi32, #tpu.memory_space<vmem>>) semaphore(%arg10 : memref<!tpu.dma_semaphore, #tpu.memory_space<semaphore_mem>>)
        %dma_start3A_273 = arith.constant 13 : i32
        %dma_start3A_274 = arith.constant 0 : i32
        %dma_start3A_275 = tpu.memref_slice %arg9[%dma_start3A_273, %dma_start3A_274] : memref<64x128xf32, #tpu.memory_space<vmem>> -> memref<1x128xf32, #tpu.memory_space<vmem>>
        %dma_start3A_276 = tpu.memref_squeeze %dma_start3A_275 : memref<1x128xf32, #tpu.memory_space<vmem>> -> memref<128xf32, #tpu.memory_space<vmem>>
        %dma_start3A_277 = arith.constant 1664 : i32
        %dma_start3A_278 = tpu.memref_slice %arg8[%dma_start3A_277] : memref<8192xi32, #tpu.memory_space<vmem>> -> memref<128xi32, #tpu.memory_space<vmem>>
        %dma_start3A_279 = tpu.memref_slice %arg6[%add3A_151] : memref<801280xf32, #tpu.memory_space<vmem_shared>> -> memref<100000xf32, #tpu.memory_space<vmem_shared>>
        %dma_start3A_280 = arith.constant 0 : i32
        %dma_start3A_281 = tpu.memref_slice %dma_start3A_279[%dma_start3A_280] : memref<100000xf32, #tpu.memory_space<vmem_shared>> -> memref<100000xf32, #tpu.memory_space<vmem_shared>>
        tpu.enqueue_indirect_dma source(%dma_start3A_281 : memref<100000xf32, #tpu.memory_space<vmem_shared>>) target(%dma_start3A_276 : memref<128xf32, #tpu.memory_space<vmem>>) offsets(%dma_start3A_278 : memref<128xi32, #tpu.memory_space<vmem>>) semaphore(%arg10 : memref<!tpu.dma_semaphore, #tpu.memory_space<semaphore_mem>>)
        %dma_start3A_282 = arith.constant 14 : i32
        %dma_start3A_283 = arith.constant 0 : i32
        %dma_start3A_284 = tpu.memref_slice %arg9[%dma_start3A_282, %dma_start3A_283] : memref<64x128xf32, #tpu.memory_space<vmem>> -> memref<1x128xf32, #tpu.memory_space<vmem>>
        %dma_start3A_285 = tpu.memref_squeeze %dma_start3A_284 : memref<1x128xf32, #tpu.memory_space<vmem>> -> memref<128xf32, #tpu.memory_space<vmem>>
        %dma_start3A_286 = arith.constant 1792 : i32
        %dma_start3A_287 = tpu.memref_slice %arg8[%dma_start3A_286] : memref<8192xi32, #tpu.memory_space<vmem>> -> memref<128xi32, #tpu.memory_space<vmem>>
        %dma_start3A_288 = tpu.memref_slice %arg6[%add3A_151] : memref<801280xf32, #tpu.memory_space<vmem_shared>> -> memref<100000xf32, #tpu.memory_space<vmem_shared>>
        %dma_start3A_289 = arith.constant 0 : i32
        %dma_start3A_290 = tpu.memref_slice %dma_start3A_288[%dma_start3A_289] : memref<100000xf32, #tpu.memory_space<vmem_shared>> -> memref<100000xf32, #tpu.memory_space<vmem_shared>>
        tpu.enqueue_indirect_dma source(%dma_start3A_290 : memref<100000xf32, #tpu.memory_space<vmem_shared>>) target(%dma_start3A_285 : memref<128xf32, #tpu.memory_space<vmem>>) offsets(%dma_start3A_287 : memref<128xi32, #tpu.memory_space<vmem>>) semaphore(%arg10 : memref<!tpu.dma_semaphore, #tpu.memory_space<semaphore_mem>>)
        %dma_start3A_291 = arith.constant 15 : i32
        %dma_start3A_292 = arith.constant 0 : i32
        %dma_start3A_293 = tpu.memref_slice %arg9[%dma_start3A_291, %dma_start3A_292] : memref<64x128xf32, #tpu.memory_space<vmem>> -> memref<1x128xf32, #tpu.memory_space<vmem>>
        %dma_start3A_294 = tpu.memref_squeeze %dma_start3A_293 : memref<1x128xf32, #tpu.memory_space<vmem>> -> memref<128xf32, #tpu.memory_space<vmem>>
        %dma_start3A_295 = arith.constant 1920 : i32
        %dma_start3A_296 = tpu.memref_slice %arg8[%dma_start3A_295] : memref<8192xi32, #tpu.memory_space<vmem>> -> memref<128xi32, #tpu.memory_space<vmem>>
        %dma_start3A_297 = tpu.memref_slice %arg6[%add3A_151] : memref<801280xf32, #tpu.memory_space<vmem_shared>> -> memref<100000xf32, #tpu.memory_space<vmem_shared>>
        %dma_start3A_298 = arith.constant 0 : i32
        %dma_start3A_299 = tpu.memref_slice %dma_start3A_297[%dma_start3A_298] : memref<100000xf32, #tpu.memory_space<vmem_shared>> -> memref<100000xf32, #tpu.memory_space<vmem_shared>>
        tpu.enqueue_indirect_dma source(%dma_start3A_299 : memref<100000xf32, #tpu.memory_space<vmem_shared>>) target(%dma_start3A_294 : memref<128xf32, #tpu.memory_space<vmem>>) offsets(%dma_start3A_296 : memref<128xi32, #tpu.memory_space<vmem>>) semaphore(%arg10 : memref<!tpu.dma_semaphore, #tpu.memory_space<semaphore_mem>>)
        %dma_start3A_300 = arith.constant 16 : i32
        %dma_start3A_301 = arith.constant 0 : i32
        %dma_start3A_302 = tpu.memref_slice %arg9[%dma_start3A_300, %dma_start3A_301] : memref<64x128xf32, #tpu.memory_space<vmem>> -> memref<1x128xf32, #tpu.memory_space<vmem>>
        %dma_start3A_303 = tpu.memref_squeeze %dma_start3A_302 : memref<1x128xf32, #tpu.memory_space<vmem>> -> memref<128xf32, #tpu.memory_space<vmem>>
        %dma_start3A_304 = arith.constant 2048 : i32
        %dma_start3A_305 = tpu.memref_slice %arg8[%dma_start3A_304] : memref<8192xi32, #tpu.memory_space<vmem>> -> memref<128xi32, #tpu.memory_space<vmem>>
        %dma_start3A_306 = tpu.memref_slice %arg6[%add3A_151] : memref<801280xf32, #tpu.memory_space<vmem_shared>> -> memref<100000xf32, #tpu.memory_space<vmem_shared>>
        %dma_start3A_307 = arith.constant 0 : i32
        %dma_start3A_308 = tpu.memref_slice %dma_start3A_306[%dma_start3A_307] : memref<100000xf32, #tpu.memory_space<vmem_shared>> -> memref<100000xf32, #tpu.memory_space<vmem_shared>>
        tpu.enqueue_indirect_dma source(%dma_start3A_308 : memref<100000xf32, #tpu.memory_space<vmem_shared>>) target(%dma_start3A_303 : memref<128xf32, #tpu.memory_space<vmem>>) offsets(%dma_start3A_305 : memref<128xi32, #tpu.memory_space<vmem>>) semaphore(%arg10 : memref<!tpu.dma_semaphore, #tpu.memory_space<semaphore_mem>>)
        %dma_start3A_309 = arith.constant 17 : i32
        %dma_start3A_310 = arith.constant 0 : i32
        %dma_start3A_311 = tpu.memref_slice %arg9[%dma_start3A_309, %dma_start3A_310] : memref<64x128xf32, #tpu.memory_space<vmem>> -> memref<1x128xf32, #tpu.memory_space<vmem>>
        %dma_start3A_312 = tpu.memref_squeeze %dma_start3A_311 : memref<1x128xf32, #tpu.memory_space<vmem>> -> memref<128xf32, #tpu.memory_space<vmem>>
        %dma_start3A_313 = arith.constant 2176 : i32
        %dma_start3A_314 = tpu.memref_slice %arg8[%dma_start3A_313] : memref<8192xi32, #tpu.memory_space<vmem>> -> memref<128xi32, #tpu.memory_space<vmem>>
        %dma_start3A_315 = tpu.memref_slice %arg6[%add3A_151] : memref<801280xf32, #tpu.memory_space<vmem_shared>> -> memref<100000xf32, #tpu.memory_space<vmem_shared>>
        %dma_start3A_316 = arith.constant 0 : i32
        %dma_start3A_317 = tpu.memref_slice %dma_start3A_315[%dma_start3A_316] : memref<100000xf32, #tpu.memory_space<vmem_shared>> -> memref<100000xf32, #tpu.memory_space<vmem_shared>>
        tpu.enqueue_indirect_dma source(%dma_start3A_317 : memref<100000xf32, #tpu.memory_space<vmem_shared>>) target(%dma_start3A_312 : memref<128xf32, #tpu.memory_space<vmem>>) offsets(%dma_start3A_314 : memref<128xi32, #tpu.memory_space<vmem>>) semaphore(%arg10 : memref<!tpu.dma_semaphore, #tpu.memory_space<semaphore_mem>>)
        %dma_start3A_318 = arith.constant 18 : i32
        %dma_start3A_319 = arith.constant 0 : i32
        %dma_start3A_320 = tpu.memref_slice %arg9[%dma_start3A_318, %dma_start3A_319] : memref<64x128xf32, #tpu.memory_space<vmem>> -> memref<1x128xf32, #tpu.memory_space<vmem>>
        %dma_start3A_321 = tpu.memref_squeeze %dma_start3A_320 : memref<1x128xf32, #tpu.memory_space<vmem>> -> memref<128xf32, #tpu.memory_space<vmem>>
        %dma_start3A_322 = arith.constant 2304 : i32
        %dma_start3A_323 = tpu.memref_slice %arg8[%dma_start3A_322] : memref<8192xi32, #tpu.memory_space<vmem>> -> memref<128xi32, #tpu.memory_space<vmem>>
        %dma_start3A_324 = tpu.memref_slice %arg6[%add3A_151] : memref<801280xf32, #tpu.memory_space<vmem_shared>> -> memref<100000xf32, #tpu.memory_space<vmem_shared>>
        %dma_start3A_325 = arith.constant 0 : i32
        %dma_start3A_326 = tpu.memref_slice %dma_start3A_324[%dma_start3A_325] : memref<100000xf32, #tpu.memory_space<vmem_shared>> -> memref<100000xf32, #tpu.memory_space<vmem_shared>>
        tpu.enqueue_indirect_dma source(%dma_start3A_326 : memref<100000xf32, #tpu.memory_space<vmem_shared>>) target(%dma_start3A_321 : memref<128xf32, #tpu.memory_space<vmem>>) offsets(%dma_start3A_323 : memref<128xi32, #tpu.memory_space<vmem>>) semaphore(%arg10 : memref<!tpu.dma_semaphore, #tpu.memory_space<semaphore_mem>>)
        %dma_start3A_327 = arith.constant 19 : i32
        %dma_start3A_328 = arith.constant 0 : i32
        %dma_start3A_329 = tpu.memref_slice %arg9[%dma_start3A_327, %dma_start3A_328] : memref<64x128xf32, #tpu.memory_space<vmem>> -> memref<1x128xf32, #tpu.memory_space<vmem>>
        %dma_start3A_330 = tpu.memref_squeeze %dma_start3A_329 : memref<1x128xf32, #tpu.memory_space<vmem>> -> memref<128xf32, #tpu.memory_space<vmem>>
        %dma_start3A_331 = arith.constant 2432 : i32
        %dma_start3A_332 = tpu.memref_slice %arg8[%dma_start3A_331] : memref<8192xi32, #tpu.memory_space<vmem>> -> memref<128xi32, #tpu.memory_space<vmem>>
        %dma_start3A_333 = tpu.memref_slice %arg6[%add3A_151] : memref<801280xf32, #tpu.memory_space<vmem_shared>> -> memref<100000xf32, #tpu.memory_space<vmem_shared>>
        %dma_start3A_334 = arith.constant 0 : i32
        %dma_start3A_335 = tpu.memref_slice %dma_start3A_333[%dma_start3A_334] : memref<100000xf32, #tpu.memory_space<vmem_shared>> -> memref<100000xf32, #tpu.memory_space<vmem_shared>>
        tpu.enqueue_indirect_dma source(%dma_start3A_335 : memref<100000xf32, #tpu.memory_space<vmem_shared>>) target(%dma_start3A_330 : memref<128xf32, #tpu.memory_space<vmem>>) offsets(%dma_start3A_332 : memref<128xi32, #tpu.memory_space<vmem>>) semaphore(%arg10 : memref<!tpu.dma_semaphore, #tpu.memory_space<semaphore_mem>>)
        %dma_start3A_336 = arith.constant 20 : i32
        %dma_start3A_337 = arith.constant 0 : i32
        %dma_start3A_338 = tpu.memref_slice %arg9[%dma_start3A_336, %dma_start3A_337] : memref<64x128xf32, #tpu.memory_space<vmem>> -> memref<1x128xf32, #tpu.memory_space<vmem>>
        %dma_start3A_339 = tpu.memref_squeeze %dma_start3A_338 : memref<1x128xf32, #tpu.memory_space<vmem>> -> memref<128xf32, #tpu.memory_space<vmem>>
        %dma_start3A_340 = arith.constant 2560 : i32
        %dma_start3A_341 = tpu.memref_slice %arg8[%dma_start3A_340] : memref<8192xi32, #tpu.memory_space<vmem>> -> memref<128xi32, #tpu.memory_space<vmem>>
        %dma_start3A_342 = tpu.memref_slice %arg6[%add3A_151] : memref<801280xf32, #tpu.memory_space<vmem_shared>> -> memref<100000xf32, #tpu.memory_space<vmem_shared>>
        %dma_start3A_343 = arith.constant 0 : i32
        %dma_start3A_344 = tpu.memref_slice %dma_start3A_342[%dma_start3A_343] : memref<100000xf32, #tpu.memory_space<vmem_shared>> -> memref<100000xf32, #tpu.memory_space<vmem_shared>>
        tpu.enqueue_indirect_dma source(%dma_start3A_344 : memref<100000xf32, #tpu.memory_space<vmem_shared>>) target(%dma_start3A_339 : memref<128xf32, #tpu.memory_space<vmem>>) offsets(%dma_start3A_341 : memref<128xi32, #tpu.memory_space<vmem>>) semaphore(%arg10 : memref<!tpu.dma_semaphore, #tpu.memory_space<semaphore_mem>>)
        %dma_start3A_345 = arith.constant 21 : i32
        %dma_start3A_346 = arith.constant 0 : i32
        %dma_start3A_347 = tpu.memref_slice %arg9[%dma_start3A_345, %dma_start3A_346] : memref<64x128xf32, #tpu.memory_space<vmem>> -> memref<1x128xf32, #tpu.memory_space<vmem>>
        %dma_start3A_348 = tpu.memref_squeeze %dma_start3A_347 : memref<1x128xf32, #tpu.memory_space<vmem>> -> memref<128xf32, #tpu.memory_space<vmem>>
        %dma_start3A_349 = arith.constant 2688 : i32
        %dma_start3A_350 = tpu.memref_slice %arg8[%dma_start3A_349] : memref<8192xi32, #tpu.memory_space<vmem>> -> memref<128xi32, #tpu.memory_space<vmem>>
        %dma_start3A_351 = tpu.memref_slice %arg6[%add3A_151] : memref<801280xf32, #tpu.memory_space<vmem_shared>> -> memref<100000xf32, #tpu.memory_space<vmem_shared>>
        %dma_start3A_352 = arith.constant 0 : i32
        %dma_start3A_353 = tpu.memref_slice %dma_start3A_351[%dma_start3A_352] : memref<100000xf32, #tpu.memory_space<vmem_shared>> -> memref<100000xf32, #tpu.memory_space<vmem_shared>>
        tpu.enqueue_indirect_dma source(%dma_start3A_353 : memref<100000xf32, #tpu.memory_space<vmem_shared>>) target(%dma_start3A_348 : memref<128xf32, #tpu.memory_space<vmem>>) offsets(%dma_start3A_350 : memref<128xi32, #tpu.memory_space<vmem>>) semaphore(%arg10 : memref<!tpu.dma_semaphore, #tpu.memory_space<semaphore_mem>>)
        %dma_start3A_354 = arith.constant 22 : i32
        %dma_start3A_355 = arith.constant 0 : i32
        %dma_start3A_356 = tpu.memref_slice %arg9[%dma_start3A_354, %dma_start3A_355] : memref<64x128xf32, #tpu.memory_space<vmem>> -> memref<1x128xf32, #tpu.memory_space<vmem>>
        %dma_start3A_357 = tpu.memref_squeeze %dma_start3A_356 : memref<1x128xf32, #tpu.memory_space<vmem>> -> memref<128xf32, #tpu.memory_space<vmem>>
        %dma_start3A_358 = arith.constant 2816 : i32
        %dma_start3A_359 = tpu.memref_slice %arg8[%dma_start3A_358] : memref<8192xi32, #tpu.memory_space<vmem>> -> memref<128xi32, #tpu.memory_space<vmem>>
        %dma_start3A_360 = tpu.memref_slice %arg6[%add3A_151] : memref<801280xf32, #tpu.memory_space<vmem_shared>> -> memref<100000xf32, #tpu.memory_space<vmem_shared>>
        %dma_start3A_361 = arith.constant 0 : i32
        %dma_start3A_362 = tpu.memref_slice %dma_start3A_360[%dma_start3A_361] : memref<100000xf32, #tpu.memory_space<vmem_shared>> -> memref<100000xf32, #tpu.memory_space<vmem_shared>>
        tpu.enqueue_indirect_dma source(%dma_start3A_362 : memref<100000xf32, #tpu.memory_space<vmem_shared>>) target(%dma_start3A_357 : memref<128xf32, #tpu.memory_space<vmem>>) offsets(%dma_start3A_359 : memref<128xi32, #tpu.memory_space<vmem>>) semaphore(%arg10 : memref<!tpu.dma_semaphore, #tpu.memory_space<semaphore_mem>>)
        %dma_start3A_363 = arith.constant 23 : i32
        %dma_start3A_364 = arith.constant 0 : i32
        %dma_start3A_365 = tpu.memref_slice %arg9[%dma_start3A_363, %dma_start3A_364] : memref<64x128xf32, #tpu.memory_space<vmem>> -> memref<1x128xf32, #tpu.memory_space<vmem>>
        %dma_start3A_366 = tpu.memref_squeeze %dma_start3A_365 : memref<1x128xf32, #tpu.memory_space<vmem>> -> memref<128xf32, #tpu.memory_space<vmem>>
        %dma_start3A_367 = arith.constant 2944 : i32
        %dma_start3A_368 = tpu.memref_slice %arg8[%dma_start3A_367] : memref<8192xi32, #tpu.memory_space<vmem>> -> memref<128xi32, #tpu.memory_space<vmem>>
        %dma_start3A_369 = tpu.memref_slice %arg6[%add3A_151] : memref<801280xf32, #tpu.memory_space<vmem_shared>> -> memref<100000xf32, #tpu.memory_space<vmem_shared>>
        %dma_start3A_370 = arith.constant 0 : i32
        %dma_start3A_371 = tpu.memref_slice %dma_start3A_369[%dma_start3A_370] : memref<100000xf32, #tpu.memory_space<vmem_shared>> -> memref<100000xf32, #tpu.memory_space<vmem_shared>>
        tpu.enqueue_indirect_dma source(%dma_start3A_371 : memref<100000xf32, #tpu.memory_space<vmem_shared>>) target(%dma_start3A_366 : memref<128xf32, #tpu.memory_space<vmem>>) offsets(%dma_start3A_368 : memref<128xi32, #tpu.memory_space<vmem>>) semaphore(%arg10 : memref<!tpu.dma_semaphore, #tpu.memory_space<semaphore_mem>>)
        %dma_start3A_372 = arith.constant 24 : i32
        %dma_start3A_373 = arith.constant 0 : i32
        %dma_start3A_374 = tpu.memref_slice %arg9[%dma_start3A_372, %dma_start3A_373] : memref<64x128xf32, #tpu.memory_space<vmem>> -> memref<1x128xf32, #tpu.memory_space<vmem>>
        %dma_start3A_375 = tpu.memref_squeeze %dma_start3A_374 : memref<1x128xf32, #tpu.memory_space<vmem>> -> memref<128xf32, #tpu.memory_space<vmem>>
        %dma_start3A_376 = arith.constant 3072 : i32
        %dma_start3A_377 = tpu.memref_slice %arg8[%dma_start3A_376] : memref<8192xi32, #tpu.memory_space<vmem>> -> memref<128xi32, #tpu.memory_space<vmem>>
        %dma_start3A_378 = tpu.memref_slice %arg6[%add3A_151] : memref<801280xf32, #tpu.memory_space<vmem_shared>> -> memref<100000xf32, #tpu.memory_space<vmem_shared>>
        %dma_start3A_379 = arith.constant 0 : i32
        %dma_start3A_380 = tpu.memref_slice %dma_start3A_378[%dma_start3A_379] : memref<100000xf32, #tpu.memory_space<vmem_shared>> -> memref<100000xf32, #tpu.memory_space<vmem_shared>>
        tpu.enqueue_indirect_dma source(%dma_start3A_380 : memref<100000xf32, #tpu.memory_space<vmem_shared>>) target(%dma_start3A_375 : memref<128xf32, #tpu.memory_space<vmem>>) offsets(%dma_start3A_377 : memref<128xi32, #tpu.memory_space<vmem>>) semaphore(%arg10 : memref<!tpu.dma_semaphore, #tpu.memory_space<semaphore_mem>>)
        %dma_start3A_381 = arith.constant 25 : i32
        %dma_start3A_382 = arith.constant 0 : i32
        %dma_start3A_383 = tpu.memref_slice %arg9[%dma_start3A_381, %dma_start3A_382] : memref<64x128xf32, #tpu.memory_space<vmem>> -> memref<1x128xf32, #tpu.memory_space<vmem>>
        %dma_start3A_384 = tpu.memref_squeeze %dma_start3A_383 : memref<1x128xf32, #tpu.memory_space<vmem>> -> memref<128xf32, #tpu.memory_space<vmem>>
        %dma_start3A_385 = arith.constant 3200 : i32
        %dma_start3A_386 = tpu.memref_slice %arg8[%dma_start3A_385] : memref<8192xi32, #tpu.memory_space<vmem>> -> memref<128xi32, #tpu.memory_space<vmem>>
        %dma_start3A_387 = tpu.memref_slice %arg6[%add3A_151] : memref<801280xf32, #tpu.memory_space<vmem_shared>> -> memref<100000xf32, #tpu.memory_space<vmem_shared>>
        %dma_start3A_388 = arith.constant 0 : i32
        %dma_start3A_389 = tpu.memref_slice %dma_start3A_387[%dma_start3A_388] : memref<100000xf32, #tpu.memory_space<vmem_shared>> -> memref<100000xf32, #tpu.memory_space<vmem_shared>>
        tpu.enqueue_indirect_dma source(%dma_start3A_389 : memref<100000xf32, #tpu.memory_space<vmem_shared>>) target(%dma_start3A_384 : memref<128xf32, #tpu.memory_space<vmem>>) offsets(%dma_start3A_386 : memref<128xi32, #tpu.memory_space<vmem>>) semaphore(%arg10 : memref<!tpu.dma_semaphore, #tpu.memory_space<semaphore_mem>>)
        %dma_start3A_390 = arith.constant 26 : i32
        %dma_start3A_391 = arith.constant 0 : i32
        %dma_start3A_392 = tpu.memref_slice %arg9[%dma_start3A_390, %dma_start3A_391] : memref<64x128xf32, #tpu.memory_space<vmem>> -> memref<1x128xf32, #tpu.memory_space<vmem>>
        %dma_start3A_393 = tpu.memref_squeeze %dma_start3A_392 : memref<1x128xf32, #tpu.memory_space<vmem>> -> memref<128xf32, #tpu.memory_space<vmem>>
        %dma_start3A_394 = arith.constant 3328 : i32
        %dma_start3A_395 = tpu.memref_slice %arg8[%dma_start3A_394] : memref<8192xi32, #tpu.memory_space<vmem>> -> memref<128xi32, #tpu.memory_space<vmem>>
        %dma_start3A_396 = tpu.memref_slice %arg6[%add3A_151] : memref<801280xf32, #tpu.memory_space<vmem_shared>> -> memref<100000xf32, #tpu.memory_space<vmem_shared>>
        %dma_start3A_397 = arith.constant 0 : i32
        %dma_start3A_398 = tpu.memref_slice %dma_start3A_396[%dma_start3A_397] : memref<100000xf32, #tpu.memory_space<vmem_shared>> -> memref<100000xf32, #tpu.memory_space<vmem_shared>>
        tpu.enqueue_indirect_dma source(%dma_start3A_398 : memref<100000xf32, #tpu.memory_space<vmem_shared>>) target(%dma_start3A_393 : memref<128xf32, #tpu.memory_space<vmem>>) offsets(%dma_start3A_395 : memref<128xi32, #tpu.memory_space<vmem>>) semaphore(%arg10 : memref<!tpu.dma_semaphore, #tpu.memory_space<semaphore_mem>>)
        %dma_start3A_399 = arith.constant 27 : i32
        %dma_start3A_400 = arith.constant 0 : i32
        %dma_start3A_401 = tpu.memref_slice %arg9[%dma_start3A_399, %dma_start3A_400] : memref<64x128xf32, #tpu.memory_space<vmem>> -> memref<1x128xf32, #tpu.memory_space<vmem>>
        %dma_start3A_402 = tpu.memref_squeeze %dma_start3A_401 : memref<1x128xf32, #tpu.memory_space<vmem>> -> memref<128xf32, #tpu.memory_space<vmem>>
        %dma_start3A_403 = arith.constant 3456 : i32
        %dma_start3A_404 = tpu.memref_slice %arg8[%dma_start3A_403] : memref<8192xi32, #tpu.memory_space<vmem>> -> memref<128xi32, #tpu.memory_space<vmem>>
        %dma_start3A_405 = tpu.memref_slice %arg6[%add3A_151] : memref<801280xf32, #tpu.memory_space<vmem_shared>> -> memref<100000xf32, #tpu.memory_space<vmem_shared>>
        %dma_start3A_406 = arith.constant 0 : i32
        %dma_start3A_407 = tpu.memref_slice %dma_start3A_405[%dma_start3A_406] : memref<100000xf32, #tpu.memory_space<vmem_shared>> -> memref<100000xf32, #tpu.memory_space<vmem_shared>>
        tpu.enqueue_indirect_dma source(%dma_start3A_407 : memref<100000xf32, #tpu.memory_space<vmem_shared>>) target(%dma_start3A_402 : memref<128xf32, #tpu.memory_space<vmem>>) offsets(%dma_start3A_404 : memref<128xi32, #tpu.memory_space<vmem>>) semaphore(%arg10 : memref<!tpu.dma_semaphore, #tpu.memory_space<semaphore_mem>>)
        %dma_start3A_408 = arith.constant 28 : i32
        %dma_start3A_409 = arith.constant 0 : i32
        %dma_start3A_410 = tpu.memref_slice %arg9[%dma_start3A_408, %dma_start3A_409] : memref<64x128xf32, #tpu.memory_space<vmem>> -> memref<1x128xf32, #tpu.memory_space<vmem>>
        %dma_start3A_411 = tpu.memref_squeeze %dma_start3A_410 : memref<1x128xf32, #tpu.memory_space<vmem>> -> memref<128xf32, #tpu.memory_space<vmem>>
        %dma_start3A_412 = arith.constant 3584 : i32
        %dma_start3A_413 = tpu.memref_slice %arg8[%dma_start3A_412] : memref<8192xi32, #tpu.memory_space<vmem>> -> memref<128xi32, #tpu.memory_space<vmem>>
        %dma_start3A_414 = tpu.memref_slice %arg6[%add3A_151] : memref<801280xf32, #tpu.memory_space<vmem_shared>> -> memref<100000xf32, #tpu.memory_space<vmem_shared>>
        %dma_start3A_415 = arith.constant 0 : i32
        %dma_start3A_416 = tpu.memref_slice %dma_start3A_414[%dma_start3A_415] : memref<100000xf32, #tpu.memory_space<vmem_shared>> -> memref<100000xf32, #tpu.memory_space<vmem_shared>>
        tpu.enqueue_indirect_dma source(%dma_start3A_416 : memref<100000xf32, #tpu.memory_space<vmem_shared>>) target(%dma_start3A_411 : memref<128xf32, #tpu.memory_space<vmem>>) offsets(%dma_start3A_413 : memref<128xi32, #tpu.memory_space<vmem>>) semaphore(%arg10 : memref<!tpu.dma_semaphore, #tpu.memory_space<semaphore_mem>>)
        %dma_start3A_417 = arith.constant 29 : i32
        %dma_start3A_418 = arith.constant 0 : i32
        %dma_start3A_419 = tpu.memref_slice %arg9[%dma_start3A_417, %dma_start3A_418] : memref<64x128xf32, #tpu.memory_space<vmem>> -> memref<1x128xf32, #tpu.memory_space<vmem>>
        %dma_start3A_420 = tpu.memref_squeeze %dma_start3A_419 : memref<1x128xf32, #tpu.memory_space<vmem>> -> memref<128xf32, #tpu.memory_space<vmem>>
        %dma_start3A_421 = arith.constant 3712 : i32
        %dma_start3A_422 = tpu.memref_slice %arg8[%dma_start3A_421] : memref<8192xi32, #tpu.memory_space<vmem>> -> memref<128xi32, #tpu.memory_space<vmem>>
        %dma_start3A_423 = tpu.memref_slice %arg6[%add3A_151] : memref<801280xf32, #tpu.memory_space<vmem_shared>> -> memref<100000xf32, #tpu.memory_space<vmem_shared>>
        %dma_start3A_424 = arith.constant 0 : i32
        %dma_start3A_425 = tpu.memref_slice %dma_start3A_423[%dma_start3A_424] : memref<100000xf32, #tpu.memory_space<vmem_shared>> -> memref<100000xf32, #tpu.memory_space<vmem_shared>>
        tpu.enqueue_indirect_dma source(%dma_start3A_425 : memref<100000xf32, #tpu.memory_space<vmem_shared>>) target(%dma_start3A_420 : memref<128xf32, #tpu.memory_space<vmem>>) offsets(%dma_start3A_422 : memref<128xi32, #tpu.memory_space<vmem>>) semaphore(%arg10 : memref<!tpu.dma_semaphore, #tpu.memory_space<semaphore_mem>>)
        %dma_start3A_426 = arith.constant 30 : i32
        %dma_start3A_427 = arith.constant 0 : i32
        %dma_start3A_428 = tpu.memref_slice %arg9[%dma_start3A_426, %dma_start3A_427] : memref<64x128xf32, #tpu.memory_space<vmem>> -> memref<1x128xf32, #tpu.memory_space<vmem>>
        %dma_start3A_429 = tpu.memref_squeeze %dma_start3A_428 : memref<1x128xf32, #tpu.memory_space<vmem>> -> memref<128xf32, #tpu.memory_space<vmem>>
        %dma_start3A_430 = arith.constant 3840 : i32
        %dma_start3A_431 = tpu.memref_slice %arg8[%dma_start3A_430] : memref<8192xi32, #tpu.memory_space<vmem>> -> memref<128xi32, #tpu.memory_space<vmem>>
        %dma_start3A_432 = tpu.memref_slice %arg6[%add3A_151] : memref<801280xf32, #tpu.memory_space<vmem_shared>> -> memref<100000xf32, #tpu.memory_space<vmem_shared>>
        %dma_start3A_433 = arith.constant 0 : i32
        %dma_start3A_434 = tpu.memref_slice %dma_start3A_432[%dma_start3A_433] : memref<100000xf32, #tpu.memory_space<vmem_shared>> -> memref<100000xf32, #tpu.memory_space<vmem_shared>>
        tpu.enqueue_indirect_dma source(%dma_start3A_434 : memref<100000xf32, #tpu.memory_space<vmem_shared>>) target(%dma_start3A_429 : memref<128xf32, #tpu.memory_space<vmem>>) offsets(%dma_start3A_431 : memref<128xi32, #tpu.memory_space<vmem>>) semaphore(%arg10 : memref<!tpu.dma_semaphore, #tpu.memory_space<semaphore_mem>>)
        %dma_start3A_435 = arith.constant 31 : i32
        %dma_start3A_436 = arith.constant 0 : i32
        %dma_start3A_437 = tpu.memref_slice %arg9[%dma_start3A_435, %dma_start3A_436] : memref<64x128xf32, #tpu.memory_space<vmem>> -> memref<1x128xf32, #tpu.memory_space<vmem>>
        %dma_start3A_438 = tpu.memref_squeeze %dma_start3A_437 : memref<1x128xf32, #tpu.memory_space<vmem>> -> memref<128xf32, #tpu.memory_space<vmem>>
        %dma_start3A_439 = arith.constant 3968 : i32
        %dma_start3A_440 = tpu.memref_slice %arg8[%dma_start3A_439] : memref<8192xi32, #tpu.memory_space<vmem>> -> memref<128xi32, #tpu.memory_space<vmem>>
        %dma_start3A_441 = tpu.memref_slice %arg6[%add3A_151] : memref<801280xf32, #tpu.memory_space<vmem_shared>> -> memref<100000xf32, #tpu.memory_space<vmem_shared>>
        %dma_start3A_442 = arith.constant 0 : i32
        %dma_start3A_443 = tpu.memref_slice %dma_start3A_441[%dma_start3A_442] : memref<100000xf32, #tpu.memory_space<vmem_shared>> -> memref<100000xf32, #tpu.memory_space<vmem_shared>>
        tpu.enqueue_indirect_dma source(%dma_start3A_443 : memref<100000xf32, #tpu.memory_space<vmem_shared>>) target(%dma_start3A_438 : memref<128xf32, #tpu.memory_space<vmem>>) offsets(%dma_start3A_440 : memref<128xi32, #tpu.memory_space<vmem>>) semaphore(%arg10 : memref<!tpu.dma_semaphore, #tpu.memory_space<semaphore_mem>>)
        %dma_start3A_444 = arith.constant 32 : i32
        %dma_start3A_445 = arith.constant 0 : i32
        %dma_start3A_446 = tpu.memref_slice %arg9[%dma_start3A_444, %dma_start3A_445] : memref<64x128xf32, #tpu.memory_space<vmem>> -> memref<1x128xf32, #tpu.memory_space<vmem>>
        %dma_start3A_447 = tpu.memref_squeeze %dma_start3A_446 : memref<1x128xf32, #tpu.memory_space<vmem>> -> memref<128xf32, #tpu.memory_space<vmem>>
        %dma_start3A_448 = arith.constant 4096 : i32
        %dma_start3A_449 = tpu.memref_slice %arg8[%dma_start3A_448] : memref<8192xi32, #tpu.memory_space<vmem>> -> memref<128xi32, #tpu.memory_space<vmem>>
        %dma_start3A_450 = tpu.memref_slice %arg6[%add3A_151] : memref<801280xf32, #tpu.memory_space<vmem_shared>> -> memref<100000xf32, #tpu.memory_space<vmem_shared>>
        %dma_start3A_451 = arith.constant 0 : i32
        %dma_start3A_452 = tpu.memref_slice %dma_start3A_450[%dma_start3A_451] : memref<100000xf32, #tpu.memory_space<vmem_shared>> -> memref<100000xf32, #tpu.memory_space<vmem_shared>>
        tpu.enqueue_indirect_dma source(%dma_start3A_452 : memref<100000xf32, #tpu.memory_space<vmem_shared>>) target(%dma_start3A_447 : memref<128xf32, #tpu.memory_space<vmem>>) offsets(%dma_start3A_449 : memref<128xi32, #tpu.memory_space<vmem>>) semaphore(%arg10 : memref<!tpu.dma_semaphore, #tpu.memory_space<semaphore_mem>>)
        %dma_start3A_453 = arith.constant 33 : i32
        %dma_start3A_454 = arith.constant 0 : i32
        %dma_start3A_455 = tpu.memref_slice %arg9[%dma_start3A_453, %dma_start3A_454] : memref<64x128xf32, #tpu.memory_space<vmem>> -> memref<1x128xf32, #tpu.memory_space<vmem>>
        %dma_start3A_456 = tpu.memref_squeeze %dma_start3A_455 : memref<1x128xf32, #tpu.memory_space<vmem>> -> memref<128xf32, #tpu.memory_space<vmem>>
        %dma_start3A_457 = arith.constant 4224 : i32
        %dma_start3A_458 = tpu.memref_slice %arg8[%dma_start3A_457] : memref<8192xi32, #tpu.memory_space<vmem>> -> memref<128xi32, #tpu.memory_space<vmem>>
        %dma_start3A_459 = tpu.memref_slice %arg6[%add3A_151] : memref<801280xf32, #tpu.memory_space<vmem_shared>> -> memref<100000xf32, #tpu.memory_space<vmem_shared>>
        %dma_start3A_460 = arith.constant 0 : i32
        %dma_start3A_461 = tpu.memref_slice %dma_start3A_459[%dma_start3A_460] : memref<100000xf32, #tpu.memory_space<vmem_shared>> -> memref<100000xf32, #tpu.memory_space<vmem_shared>>
        tpu.enqueue_indirect_dma source(%dma_start3A_461 : memref<100000xf32, #tpu.memory_space<vmem_shared>>) target(%dma_start3A_456 : memref<128xf32, #tpu.memory_space<vmem>>) offsets(%dma_start3A_458 : memref<128xi32, #tpu.memory_space<vmem>>) semaphore(%arg10 : memref<!tpu.dma_semaphore, #tpu.memory_space<semaphore_mem>>)
        %dma_start3A_462 = arith.constant 34 : i32
        %dma_start3A_463 = arith.constant 0 : i32
        %dma_start3A_464 = tpu.memref_slice %arg9[%dma_start3A_462, %dma_start3A_463] : memref<64x128xf32, #tpu.memory_space<vmem>> -> memref<1x128xf32, #tpu.memory_space<vmem>>
        %dma_start3A_465 = tpu.memref_squeeze %dma_start3A_464 : memref<1x128xf32, #tpu.memory_space<vmem>> -> memref<128xf32, #tpu.memory_space<vmem>>
        %dma_start3A_466 = arith.constant 4352 : i32
        %dma_start3A_467 = tpu.memref_slice %arg8[%dma_start3A_466] : memref<8192xi32, #tpu.memory_space<vmem>> -> memref<128xi32, #tpu.memory_space<vmem>>
        %dma_start3A_468 = tpu.memref_slice %arg6[%add3A_151] : memref<801280xf32, #tpu.memory_space<vmem_shared>> -> memref<100000xf32, #tpu.memory_space<vmem_shared>>
        %dma_start3A_469 = arith.constant 0 : i32
        %dma_start3A_470 = tpu.memref_slice %dma_start3A_468[%dma_start3A_469] : memref<100000xf32, #tpu.memory_space<vmem_shared>> -> memref<100000xf32, #tpu.memory_space<vmem_shared>>
        tpu.enqueue_indirect_dma source(%dma_start3A_470 : memref<100000xf32, #tpu.memory_space<vmem_shared>>) target(%dma_start3A_465 : memref<128xf32, #tpu.memory_space<vmem>>) offsets(%dma_start3A_467 : memref<128xi32, #tpu.memory_space<vmem>>) semaphore(%arg10 : memref<!tpu.dma_semaphore, #tpu.memory_space<semaphore_mem>>)
        %dma_start3A_471 = arith.constant 35 : i32
        %dma_start3A_472 = arith.constant 0 : i32
        %dma_start3A_473 = tpu.memref_slice %arg9[%dma_start3A_471, %dma_start3A_472] : memref<64x128xf32, #tpu.memory_space<vmem>> -> memref<1x128xf32, #tpu.memory_space<vmem>>
        %dma_start3A_474 = tpu.memref_squeeze %dma_start3A_473 : memref<1x128xf32, #tpu.memory_space<vmem>> -> memref<128xf32, #tpu.memory_space<vmem>>
        %dma_start3A_475 = arith.constant 4480 : i32
        %dma_start3A_476 = tpu.memref_slice %arg8[%dma_start3A_475] : memref<8192xi32, #tpu.memory_space<vmem>> -> memref<128xi32, #tpu.memory_space<vmem>>
        %dma_start3A_477 = tpu.memref_slice %arg6[%add3A_151] : memref<801280xf32, #tpu.memory_space<vmem_shared>> -> memref<100000xf32, #tpu.memory_space<vmem_shared>>
        %dma_start3A_478 = arith.constant 0 : i32
        %dma_start3A_479 = tpu.memref_slice %dma_start3A_477[%dma_start3A_478] : memref<100000xf32, #tpu.memory_space<vmem_shared>> -> memref<100000xf32, #tpu.memory_space<vmem_shared>>
        tpu.enqueue_indirect_dma source(%dma_start3A_479 : memref<100000xf32, #tpu.memory_space<vmem_shared>>) target(%dma_start3A_474 : memref<128xf32, #tpu.memory_space<vmem>>) offsets(%dma_start3A_476 : memref<128xi32, #tpu.memory_space<vmem>>) semaphore(%arg10 : memref<!tpu.dma_semaphore, #tpu.memory_space<semaphore_mem>>)
        %dma_start3A_480 = arith.constant 36 : i32
        %dma_start3A_481 = arith.constant 0 : i32
        %dma_start3A_482 = tpu.memref_slice %arg9[%dma_start3A_480, %dma_start3A_481] : memref<64x128xf32, #tpu.memory_space<vmem>> -> memref<1x128xf32, #tpu.memory_space<vmem>>
        %dma_start3A_483 = tpu.memref_squeeze %dma_start3A_482 : memref<1x128xf32, #tpu.memory_space<vmem>> -> memref<128xf32, #tpu.memory_space<vmem>>
        %dma_start3A_484 = arith.constant 4608 : i32
        %dma_start3A_485 = tpu.memref_slice %arg8[%dma_start3A_484] : memref<8192xi32, #tpu.memory_space<vmem>> -> memref<128xi32, #tpu.memory_space<vmem>>
        %dma_start3A_486 = tpu.memref_slice %arg6[%add3A_151] : memref<801280xf32, #tpu.memory_space<vmem_shared>> -> memref<100000xf32, #tpu.memory_space<vmem_shared>>
        %dma_start3A_487 = arith.constant 0 : i32
        %dma_start3A_488 = tpu.memref_slice %dma_start3A_486[%dma_start3A_487] : memref<100000xf32, #tpu.memory_space<vmem_shared>> -> memref<100000xf32, #tpu.memory_space<vmem_shared>>
        tpu.enqueue_indirect_dma source(%dma_start3A_488 : memref<100000xf32, #tpu.memory_space<vmem_shared>>) target(%dma_start3A_483 : memref<128xf32, #tpu.memory_space<vmem>>) offsets(%dma_start3A_485 : memref<128xi32, #tpu.memory_space<vmem>>) semaphore(%arg10 : memref<!tpu.dma_semaphore, #tpu.memory_space<semaphore_mem>>)
        %dma_start3A_489 = arith.constant 37 : i32
        %dma_start3A_490 = arith.constant 0 : i32
        %dma_start3A_491 = tpu.memref_slice %arg9[%dma_start3A_489, %dma_start3A_490] : memref<64x128xf32, #tpu.memory_space<vmem>> -> memref<1x128xf32, #tpu.memory_space<vmem>>
        %dma_start3A_492 = tpu.memref_squeeze %dma_start3A_491 : memref<1x128xf32, #tpu.memory_space<vmem>> -> memref<128xf32, #tpu.memory_space<vmem>>
        %dma_start3A_493 = arith.constant 4736 : i32
        %dma_start3A_494 = tpu.memref_slice %arg8[%dma_start3A_493] : memref<8192xi32, #tpu.memory_space<vmem>> -> memref<128xi32, #tpu.memory_space<vmem>>
        %dma_start3A_495 = tpu.memref_slice %arg6[%add3A_151] : memref<801280xf32, #tpu.memory_space<vmem_shared>> -> memref<100000xf32, #tpu.memory_space<vmem_shared>>
        %dma_start3A_496 = arith.constant 0 : i32
        %dma_start3A_497 = tpu.memref_slice %dma_start3A_495[%dma_start3A_496] : memref<100000xf32, #tpu.memory_space<vmem_shared>> -> memref<100000xf32, #tpu.memory_space<vmem_shared>>
        tpu.enqueue_indirect_dma source(%dma_start3A_497 : memref<100000xf32, #tpu.memory_space<vmem_shared>>) target(%dma_start3A_492 : memref<128xf32, #tpu.memory_space<vmem>>) offsets(%dma_start3A_494 : memref<128xi32, #tpu.memory_space<vmem>>) semaphore(%arg10 : memref<!tpu.dma_semaphore, #tpu.memory_space<semaphore_mem>>)
        %dma_start3A_498 = arith.constant 38 : i32
        %dma_start3A_499 = arith.constant 0 : i32
        %dma_start3A_500 = tpu.memref_slice %arg9[%dma_start3A_498, %dma_start3A_499] : memref<64x128xf32, #tpu.memory_space<vmem>> -> memref<1x128xf32, #tpu.memory_space<vmem>>
        %dma_start3A_501 = tpu.memref_squeeze %dma_start3A_500 : memref<1x128xf32, #tpu.memory_space<vmem>> -> memref<128xf32, #tpu.memory_space<vmem>>
        %dma_start3A_502 = arith.constant 4864 : i32
        %dma_start3A_503 = tpu.memref_slice %arg8[%dma_start3A_502] : memref<8192xi32, #tpu.memory_space<vmem>> -> memref<128xi32, #tpu.memory_space<vmem>>
        %dma_start3A_504 = tpu.memref_slice %arg6[%add3A_151] : memref<801280xf32, #tpu.memory_space<vmem_shared>> -> memref<100000xf32, #tpu.memory_space<vmem_shared>>
        %dma_start3A_505 = arith.constant 0 : i32
        %dma_start3A_506 = tpu.memref_slice %dma_start3A_504[%dma_start3A_505] : memref<100000xf32, #tpu.memory_space<vmem_shared>> -> memref<100000xf32, #tpu.memory_space<vmem_shared>>
        tpu.enqueue_indirect_dma source(%dma_start3A_506 : memref<100000xf32, #tpu.memory_space<vmem_shared>>) target(%dma_start3A_501 : memref<128xf32, #tpu.memory_space<vmem>>) offsets(%dma_start3A_503 : memref<128xi32, #tpu.memory_space<vmem>>) semaphore(%arg10 : memref<!tpu.dma_semaphore, #tpu.memory_space<semaphore_mem>>)
        %dma_start3A_507 = arith.constant 39 : i32
        %dma_start3A_508 = arith.constant 0 : i32
        %dma_start3A_509 = tpu.memref_slice %arg9[%dma_start3A_507, %dma_start3A_508] : memref<64x128xf32, #tpu.memory_space<vmem>> -> memref<1x128xf32, #tpu.memory_space<vmem>>
        %dma_start3A_510 = tpu.memref_squeeze %dma_start3A_509 : memref<1x128xf32, #tpu.memory_space<vmem>> -> memref<128xf32, #tpu.memory_space<vmem>>
        %dma_start3A_511 = arith.constant 4992 : i32
        %dma_start3A_512 = tpu.memref_slice %arg8[%dma_start3A_511] : memref<8192xi32, #tpu.memory_space<vmem>> -> memref<128xi32, #tpu.memory_space<vmem>>
        %dma_start3A_513 = tpu.memref_slice %arg6[%add3A_151] : memref<801280xf32, #tpu.memory_space<vmem_shared>> -> memref<100000xf32, #tpu.memory_space<vmem_shared>>
        %dma_start3A_514 = arith.constant 0 : i32
        %dma_start3A_515 = tpu.memref_slice %dma_start3A_513[%dma_start3A_514] : memref<100000xf32, #tpu.memory_space<vmem_shared>> -> memref<100000xf32, #tpu.memory_space<vmem_shared>>
        tpu.enqueue_indirect_dma source(%dma_start3A_515 : memref<100000xf32, #tpu.memory_space<vmem_shared>>) target(%dma_start3A_510 : memref<128xf32, #tpu.memory_space<vmem>>) offsets(%dma_start3A_512 : memref<128xi32, #tpu.memory_space<vmem>>) semaphore(%arg10 : memref<!tpu.dma_semaphore, #tpu.memory_space<semaphore_mem>>)
        %dma_start3A_516 = arith.constant 40 : i32
        %dma_start3A_517 = arith.constant 0 : i32
        %dma_start3A_518 = tpu.memref_slice %arg9[%dma_start3A_516, %dma_start3A_517] : memref<64x128xf32, #tpu.memory_space<vmem>> -> memref<1x128xf32, #tpu.memory_space<vmem>>
        %dma_start3A_519 = tpu.memref_squeeze %dma_start3A_518 : memref<1x128xf32, #tpu.memory_space<vmem>> -> memref<128xf32, #tpu.memory_space<vmem>>
        %dma_start3A_520 = arith.constant 5120 : i32
        %dma_start3A_521 = tpu.memref_slice %arg8[%dma_start3A_520] : memref<8192xi32, #tpu.memory_space<vmem>> -> memref<128xi32, #tpu.memory_space<vmem>>
        %dma_start3A_522 = tpu.memref_slice %arg6[%add3A_151] : memref<801280xf32, #tpu.memory_space<vmem_shared>> -> memref<100000xf32, #tpu.memory_space<vmem_shared>>
        %dma_start3A_523 = arith.constant 0 : i32
        %dma_start3A_524 = tpu.memref_slice %dma_start3A_522[%dma_start3A_523] : memref<100000xf32, #tpu.memory_space<vmem_shared>> -> memref<100000xf32, #tpu.memory_space<vmem_shared>>
        tpu.enqueue_indirect_dma source(%dma_start3A_524 : memref<100000xf32, #tpu.memory_space<vmem_shared>>) target(%dma_start3A_519 : memref<128xf32, #tpu.memory_space<vmem>>) offsets(%dma_start3A_521 : memref<128xi32, #tpu.memory_space<vmem>>) semaphore(%arg10 : memref<!tpu.dma_semaphore, #tpu.memory_space<semaphore_mem>>)
        %dma_start3A_525 = arith.constant 41 : i32
        %dma_start3A_526 = arith.constant 0 : i32
        %dma_start3A_527 = tpu.memref_slice %arg9[%dma_start3A_525, %dma_start3A_526] : memref<64x128xf32, #tpu.memory_space<vmem>> -> memref<1x128xf32, #tpu.memory_space<vmem>>
        %dma_start3A_528 = tpu.memref_squeeze %dma_start3A_527 : memref<1x128xf32, #tpu.memory_space<vmem>> -> memref<128xf32, #tpu.memory_space<vmem>>
        %dma_start3A_529 = arith.constant 5248 : i32
        %dma_start3A_530 = tpu.memref_slice %arg8[%dma_start3A_529] : memref<8192xi32, #tpu.memory_space<vmem>> -> memref<128xi32, #tpu.memory_space<vmem>>
        %dma_start3A_531 = tpu.memref_slice %arg6[%add3A_151] : memref<801280xf32, #tpu.memory_space<vmem_shared>> -> memref<100000xf32, #tpu.memory_space<vmem_shared>>
        %dma_start3A_532 = arith.constant 0 : i32
        %dma_start3A_533 = tpu.memref_slice %dma_start3A_531[%dma_start3A_532] : memref<100000xf32, #tpu.memory_space<vmem_shared>> -> memref<100000xf32, #tpu.memory_space<vmem_shared>>
        tpu.enqueue_indirect_dma source(%dma_start3A_533 : memref<100000xf32, #tpu.memory_space<vmem_shared>>) target(%dma_start3A_528 : memref<128xf32, #tpu.memory_space<vmem>>) offsets(%dma_start3A_530 : memref<128xi32, #tpu.memory_space<vmem>>) semaphore(%arg10 : memref<!tpu.dma_semaphore, #tpu.memory_space<semaphore_mem>>)
        %dma_start3A_534 = arith.constant 42 : i32
        %dma_start3A_535 = arith.constant 0 : i32
        %dma_start3A_536 = tpu.memref_slice %arg9[%dma_start3A_534, %dma_start3A_535] : memref<64x128xf32, #tpu.memory_space<vmem>> -> memref<1x128xf32, #tpu.memory_space<vmem>>
        %dma_start3A_537 = tpu.memref_squeeze %dma_start3A_536 : memref<1x128xf32, #tpu.memory_space<vmem>> -> memref<128xf32, #tpu.memory_space<vmem>>
        %dma_start3A_538 = arith.constant 5376 : i32
        %dma_start3A_539 = tpu.memref_slice %arg8[%dma_start3A_538] : memref<8192xi32, #tpu.memory_space<vmem>> -> memref<128xi32, #tpu.memory_space<vmem>>
        %dma_start3A_540 = tpu.memref_slice %arg6[%add3A_151] : memref<801280xf32, #tpu.memory_space<vmem_shared>> -> memref<100000xf32, #tpu.memory_space<vmem_shared>>
        %dma_start3A_541 = arith.constant 0 : i32
        %dma_start3A_542 = tpu.memref_slice %dma_start3A_540[%dma_start3A_541] : memref<100000xf32, #tpu.memory_space<vmem_shared>> -> memref<100000xf32, #tpu.memory_space<vmem_shared>>
        tpu.enqueue_indirect_dma source(%dma_start3A_542 : memref<100000xf32, #tpu.memory_space<vmem_shared>>) target(%dma_start3A_537 : memref<128xf32, #tpu.memory_space<vmem>>) offsets(%dma_start3A_539 : memref<128xi32, #tpu.memory_space<vmem>>) semaphore(%arg10 : memref<!tpu.dma_semaphore, #tpu.memory_space<semaphore_mem>>)
        %dma_start3A_543 = arith.constant 43 : i32
        %dma_start3A_544 = arith.constant 0 : i32
        %dma_start3A_545 = tpu.memref_slice %arg9[%dma_start3A_543, %dma_start3A_544] : memref<64x128xf32, #tpu.memory_space<vmem>> -> memref<1x128xf32, #tpu.memory_space<vmem>>
        %dma_start3A_546 = tpu.memref_squeeze %dma_start3A_545 : memref<1x128xf32, #tpu.memory_space<vmem>> -> memref<128xf32, #tpu.memory_space<vmem>>
        %dma_start3A_547 = arith.constant 5504 : i32
        %dma_start3A_548 = tpu.memref_slice %arg8[%dma_start3A_547] : memref<8192xi32, #tpu.memory_space<vmem>> -> memref<128xi32, #tpu.memory_space<vmem>>
        %dma_start3A_549 = tpu.memref_slice %arg6[%add3A_151] : memref<801280xf32, #tpu.memory_space<vmem_shared>> -> memref<100000xf32, #tpu.memory_space<vmem_shared>>
        %dma_start3A_550 = arith.constant 0 : i32
        %dma_start3A_551 = tpu.memref_slice %dma_start3A_549[%dma_start3A_550] : memref<100000xf32, #tpu.memory_space<vmem_shared>> -> memref<100000xf32, #tpu.memory_space<vmem_shared>>
        tpu.enqueue_indirect_dma source(%dma_start3A_551 : memref<100000xf32, #tpu.memory_space<vmem_shared>>) target(%dma_start3A_546 : memref<128xf32, #tpu.memory_space<vmem>>) offsets(%dma_start3A_548 : memref<128xi32, #tpu.memory_space<vmem>>) semaphore(%arg10 : memref<!tpu.dma_semaphore, #tpu.memory_space<semaphore_mem>>)
        %dma_start3A_552 = arith.constant 44 : i32
        %dma_start3A_553 = arith.constant 0 : i32
        %dma_start3A_554 = tpu.memref_slice %arg9[%dma_start3A_552, %dma_start3A_553] : memref<64x128xf32, #tpu.memory_space<vmem>> -> memref<1x128xf32, #tpu.memory_space<vmem>>
        %dma_start3A_555 = tpu.memref_squeeze %dma_start3A_554 : memref<1x128xf32, #tpu.memory_space<vmem>> -> memref<128xf32, #tpu.memory_space<vmem>>
        %dma_start3A_556 = arith.constant 5632 : i32
        %dma_start3A_557 = tpu.memref_slice %arg8[%dma_start3A_556] : memref<8192xi32, #tpu.memory_space<vmem>> -> memref<128xi32, #tpu.memory_space<vmem>>
        %dma_start3A_558 = tpu.memref_slice %arg6[%add3A_151] : memref<801280xf32, #tpu.memory_space<vmem_shared>> -> memref<100000xf32, #tpu.memory_space<vmem_shared>>
        %dma_start3A_559 = arith.constant 0 : i32
        %dma_start3A_560 = tpu.memref_slice %dma_start3A_558[%dma_start3A_559] : memref<100000xf32, #tpu.memory_space<vmem_shared>> -> memref<100000xf32, #tpu.memory_space<vmem_shared>>
        tpu.enqueue_indirect_dma source(%dma_start3A_560 : memref<100000xf32, #tpu.memory_space<vmem_shared>>) target(%dma_start3A_555 : memref<128xf32, #tpu.memory_space<vmem>>) offsets(%dma_start3A_557 : memref<128xi32, #tpu.memory_space<vmem>>) semaphore(%arg10 : memref<!tpu.dma_semaphore, #tpu.memory_space<semaphore_mem>>)
        %dma_start3A_561 = arith.constant 45 : i32
        %dma_start3A_562 = arith.constant 0 : i32
        %dma_start3A_563 = tpu.memref_slice %arg9[%dma_start3A_561, %dma_start3A_562] : memref<64x128xf32, #tpu.memory_space<vmem>> -> memref<1x128xf32, #tpu.memory_space<vmem>>
        %dma_start3A_564 = tpu.memref_squeeze %dma_start3A_563 : memref<1x128xf32, #tpu.memory_space<vmem>> -> memref<128xf32, #tpu.memory_space<vmem>>
        %dma_start3A_565 = arith.constant 5760 : i32
        %dma_start3A_566 = tpu.memref_slice %arg8[%dma_start3A_565] : memref<8192xi32, #tpu.memory_space<vmem>> -> memref<128xi32, #tpu.memory_space<vmem>>
        %dma_start3A_567 = tpu.memref_slice %arg6[%add3A_151] : memref<801280xf32, #tpu.memory_space<vmem_shared>> -> memref<100000xf32, #tpu.memory_space<vmem_shared>>
        %dma_start3A_568 = arith.constant 0 : i32
        %dma_start3A_569 = tpu.memref_slice %dma_start3A_567[%dma_start3A_568] : memref<100000xf32, #tpu.memory_space<vmem_shared>> -> memref<100000xf32, #tpu.memory_space<vmem_shared>>
        tpu.enqueue_indirect_dma source(%dma_start3A_569 : memref<100000xf32, #tpu.memory_space<vmem_shared>>) target(%dma_start3A_564 : memref<128xf32, #tpu.memory_space<vmem>>) offsets(%dma_start3A_566 : memref<128xi32, #tpu.memory_space<vmem>>) semaphore(%arg10 : memref<!tpu.dma_semaphore, #tpu.memory_space<semaphore_mem>>)
        %dma_start3A_570 = arith.constant 46 : i32
        %dma_start3A_571 = arith.constant 0 : i32
        %dma_start3A_572 = tpu.memref_slice %arg9[%dma_start3A_570, %dma_start3A_571] : memref<64x128xf32, #tpu.memory_space<vmem>> -> memref<1x128xf32, #tpu.memory_space<vmem>>
        %dma_start3A_573 = tpu.memref_squeeze %dma_start3A_572 : memref<1x128xf32, #tpu.memory_space<vmem>> -> memref<128xf32, #tpu.memory_space<vmem>>
        %dma_start3A_574 = arith.constant 5888 : i32
        %dma_start3A_575 = tpu.memref_slice %arg8[%dma_start3A_574] : memref<8192xi32, #tpu.memory_space<vmem>> -> memref<128xi32, #tpu.memory_space<vmem>>
        %dma_start3A_576 = tpu.memref_slice %arg6[%add3A_151] : memref<801280xf32, #tpu.memory_space<vmem_shared>> -> memref<100000xf32, #tpu.memory_space<vmem_shared>>
        %dma_start3A_577 = arith.constant 0 : i32
        %dma_start3A_578 = tpu.memref_slice %dma_start3A_576[%dma_start3A_577] : memref<100000xf32, #tpu.memory_space<vmem_shared>> -> memref<100000xf32, #tpu.memory_space<vmem_shared>>
        tpu.enqueue_indirect_dma source(%dma_start3A_578 : memref<100000xf32, #tpu.memory_space<vmem_shared>>) target(%dma_start3A_573 : memref<128xf32, #tpu.memory_space<vmem>>) offsets(%dma_start3A_575 : memref<128xi32, #tpu.memory_space<vmem>>) semaphore(%arg10 : memref<!tpu.dma_semaphore, #tpu.memory_space<semaphore_mem>>)
        %dma_start3A_579 = arith.constant 47 : i32
        %dma_start3A_580 = arith.constant 0 : i32
        %dma_start3A_581 = tpu.memref_slice %arg9[%dma_start3A_579, %dma_start3A_580] : memref<64x128xf32, #tpu.memory_space<vmem>> -> memref<1x128xf32, #tpu.memory_space<vmem>>
        %dma_start3A_582 = tpu.memref_squeeze %dma_start3A_581 : memref<1x128xf32, #tpu.memory_space<vmem>> -> memref<128xf32, #tpu.memory_space<vmem>>
        %dma_start3A_583 = arith.constant 6016 : i32
        %dma_start3A_584 = tpu.memref_slice %arg8[%dma_start3A_583] : memref<8192xi32, #tpu.memory_space<vmem>> -> memref<128xi32, #tpu.memory_space<vmem>>
        %dma_start3A_585 = tpu.memref_slice %arg6[%add3A_151] : memref<801280xf32, #tpu.memory_space<vmem_shared>> -> memref<100000xf32, #tpu.memory_space<vmem_shared>>
        %dma_start3A_586 = arith.constant 0 : i32
        %dma_start3A_587 = tpu.memref_slice %dma_start3A_585[%dma_start3A_586] : memref<100000xf32, #tpu.memory_space<vmem_shared>> -> memref<100000xf32, #tpu.memory_space<vmem_shared>>
        tpu.enqueue_indirect_dma source(%dma_start3A_587 : memref<100000xf32, #tpu.memory_space<vmem_shared>>) target(%dma_start3A_582 : memref<128xf32, #tpu.memory_space<vmem>>) offsets(%dma_start3A_584 : memref<128xi32, #tpu.memory_space<vmem>>) semaphore(%arg10 : memref<!tpu.dma_semaphore, #tpu.memory_space<semaphore_mem>>)
        %dma_start3A_588 = arith.constant 48 : i32
        %dma_start3A_589 = arith.constant 0 : i32
        %dma_start3A_590 = tpu.memref_slice %arg9[%dma_start3A_588, %dma_start3A_589] : memref<64x128xf32, #tpu.memory_space<vmem>> -> memref<1x128xf32, #tpu.memory_space<vmem>>
        %dma_start3A_591 = tpu.memref_squeeze %dma_start3A_590 : memref<1x128xf32, #tpu.memory_space<vmem>> -> memref<128xf32, #tpu.memory_space<vmem>>
        %dma_start3A_592 = arith.constant 6144 : i32
        %dma_start3A_593 = tpu.memref_slice %arg8[%dma_start3A_592] : memref<8192xi32, #tpu.memory_space<vmem>> -> memref<128xi32, #tpu.memory_space<vmem>>
        %dma_start3A_594 = tpu.memref_slice %arg6[%add3A_151] : memref<801280xf32, #tpu.memory_space<vmem_shared>> -> memref<100000xf32, #tpu.memory_space<vmem_shared>>
        %dma_start3A_595 = arith.constant 0 : i32
        %dma_start3A_596 = tpu.memref_slice %dma_start3A_594[%dma_start3A_595] : memref<100000xf32, #tpu.memory_space<vmem_shared>> -> memref<100000xf32, #tpu.memory_space<vmem_shared>>
        tpu.enqueue_indirect_dma source(%dma_start3A_596 : memref<100000xf32, #tpu.memory_space<vmem_shared>>) target(%dma_start3A_591 : memref<128xf32, #tpu.memory_space<vmem>>) offsets(%dma_start3A_593 : memref<128xi32, #tpu.memory_space<vmem>>) semaphore(%arg10 : memref<!tpu.dma_semaphore, #tpu.memory_space<semaphore_mem>>)
        %dma_start3A_597 = arith.constant 49 : i32
        %dma_start3A_598 = arith.constant 0 : i32
        %dma_start3A_599 = tpu.memref_slice %arg9[%dma_start3A_597, %dma_start3A_598] : memref<64x128xf32, #tpu.memory_space<vmem>> -> memref<1x128xf32, #tpu.memory_space<vmem>>
        %dma_start3A_600 = tpu.memref_squeeze %dma_start3A_599 : memref<1x128xf32, #tpu.memory_space<vmem>> -> memref<128xf32, #tpu.memory_space<vmem>>
        %dma_start3A_601 = arith.constant 6272 : i32
        %dma_start3A_602 = tpu.memref_slice %arg8[%dma_start3A_601] : memref<8192xi32, #tpu.memory_space<vmem>> -> memref<128xi32, #tpu.memory_space<vmem>>
        %dma_start3A_603 = tpu.memref_slice %arg6[%add3A_151] : memref<801280xf32, #tpu.memory_space<vmem_shared>> -> memref<100000xf32, #tpu.memory_space<vmem_shared>>
        %dma_start3A_604 = arith.constant 0 : i32
        %dma_start3A_605 = tpu.memref_slice %dma_start3A_603[%dma_start3A_604] : memref<100000xf32, #tpu.memory_space<vmem_shared>> -> memref<100000xf32, #tpu.memory_space<vmem_shared>>
        tpu.enqueue_indirect_dma source(%dma_start3A_605 : memref<100000xf32, #tpu.memory_space<vmem_shared>>) target(%dma_start3A_600 : memref<128xf32, #tpu.memory_space<vmem>>) offsets(%dma_start3A_602 : memref<128xi32, #tpu.memory_space<vmem>>) semaphore(%arg10 : memref<!tpu.dma_semaphore, #tpu.memory_space<semaphore_mem>>)
        %dma_start3A_606 = arith.constant 50 : i32
        %dma_start3A_607 = arith.constant 0 : i32
        %dma_start3A_608 = tpu.memref_slice %arg9[%dma_start3A_606, %dma_start3A_607] : memref<64x128xf32, #tpu.memory_space<vmem>> -> memref<1x128xf32, #tpu.memory_space<vmem>>
        %dma_start3A_609 = tpu.memref_squeeze %dma_start3A_608 : memref<1x128xf32, #tpu.memory_space<vmem>> -> memref<128xf32, #tpu.memory_space<vmem>>
        %dma_start3A_610 = arith.constant 6400 : i32
        %dma_start3A_611 = tpu.memref_slice %arg8[%dma_start3A_610] : memref<8192xi32, #tpu.memory_space<vmem>> -> memref<128xi32, #tpu.memory_space<vmem>>
        %dma_start3A_612 = tpu.memref_slice %arg6[%add3A_151] : memref<801280xf32, #tpu.memory_space<vmem_shared>> -> memref<100000xf32, #tpu.memory_space<vmem_shared>>
        %dma_start3A_613 = arith.constant 0 : i32
        %dma_start3A_614 = tpu.memref_slice %dma_start3A_612[%dma_start3A_613] : memref<100000xf32, #tpu.memory_space<vmem_shared>> -> memref<100000xf32, #tpu.memory_space<vmem_shared>>
        tpu.enqueue_indirect_dma source(%dma_start3A_614 : memref<100000xf32, #tpu.memory_space<vmem_shared>>) target(%dma_start3A_609 : memref<128xf32, #tpu.memory_space<vmem>>) offsets(%dma_start3A_611 : memref<128xi32, #tpu.memory_space<vmem>>) semaphore(%arg10 : memref<!tpu.dma_semaphore, #tpu.memory_space<semaphore_mem>>)
        %dma_start3A_615 = arith.constant 51 : i32
        %dma_start3A_616 = arith.constant 0 : i32
        %dma_start3A_617 = tpu.memref_slice %arg9[%dma_start3A_615, %dma_start3A_616] : memref<64x128xf32, #tpu.memory_space<vmem>> -> memref<1x128xf32, #tpu.memory_space<vmem>>
        %dma_start3A_618 = tpu.memref_squeeze %dma_start3A_617 : memref<1x128xf32, #tpu.memory_space<vmem>> -> memref<128xf32, #tpu.memory_space<vmem>>
        %dma_start3A_619 = arith.constant 6528 : i32
        %dma_start3A_620 = tpu.memref_slice %arg8[%dma_start3A_619] : memref<8192xi32, #tpu.memory_space<vmem>> -> memref<128xi32, #tpu.memory_space<vmem>>
        %dma_start3A_621 = tpu.memref_slice %arg6[%add3A_151] : memref<801280xf32, #tpu.memory_space<vmem_shared>> -> memref<100000xf32, #tpu.memory_space<vmem_shared>>
        %dma_start3A_622 = arith.constant 0 : i32
        %dma_start3A_623 = tpu.memref_slice %dma_start3A_621[%dma_start3A_622] : memref<100000xf32, #tpu.memory_space<vmem_shared>> -> memref<100000xf32, #tpu.memory_space<vmem_shared>>
        tpu.enqueue_indirect_dma source(%dma_start3A_623 : memref<100000xf32, #tpu.memory_space<vmem_shared>>) target(%dma_start3A_618 : memref<128xf32, #tpu.memory_space<vmem>>) offsets(%dma_start3A_620 : memref<128xi32, #tpu.memory_space<vmem>>) semaphore(%arg10 : memref<!tpu.dma_semaphore, #tpu.memory_space<semaphore_mem>>)
        %dma_start3A_624 = arith.constant 52 : i32
        %dma_start3A_625 = arith.constant 0 : i32
        %dma_start3A_626 = tpu.memref_slice %arg9[%dma_start3A_624, %dma_start3A_625] : memref<64x128xf32, #tpu.memory_space<vmem>> -> memref<1x128xf32, #tpu.memory_space<vmem>>
        %dma_start3A_627 = tpu.memref_squeeze %dma_start3A_626 : memref<1x128xf32, #tpu.memory_space<vmem>> -> memref<128xf32, #tpu.memory_space<vmem>>
        %dma_start3A_628 = arith.constant 6656 : i32
        %dma_start3A_629 = tpu.memref_slice %arg8[%dma_start3A_628] : memref<8192xi32, #tpu.memory_space<vmem>> -> memref<128xi32, #tpu.memory_space<vmem>>
        %dma_start3A_630 = tpu.memref_slice %arg6[%add3A_151] : memref<801280xf32, #tpu.memory_space<vmem_shared>> -> memref<100000xf32, #tpu.memory_space<vmem_shared>>
        %dma_start3A_631 = arith.constant 0 : i32
        %dma_start3A_632 = tpu.memref_slice %dma_start3A_630[%dma_start3A_631] : memref<100000xf32, #tpu.memory_space<vmem_shared>> -> memref<100000xf32, #tpu.memory_space<vmem_shared>>
        tpu.enqueue_indirect_dma source(%dma_start3A_632 : memref<100000xf32, #tpu.memory_space<vmem_shared>>) target(%dma_start3A_627 : memref<128xf32, #tpu.memory_space<vmem>>) offsets(%dma_start3A_629 : memref<128xi32, #tpu.memory_space<vmem>>) semaphore(%arg10 : memref<!tpu.dma_semaphore, #tpu.memory_space<semaphore_mem>>)
        %dma_start3A_633 = arith.constant 53 : i32
        %dma_start3A_634 = arith.constant 0 : i32
        %dma_start3A_635 = tpu.memref_slice %arg9[%dma_start3A_633, %dma_start3A_634] : memref<64x128xf32, #tpu.memory_space<vmem>> -> memref<1x128xf32, #tpu.memory_space<vmem>>
        %dma_start3A_636 = tpu.memref_squeeze %dma_start3A_635 : memref<1x128xf32, #tpu.memory_space<vmem>> -> memref<128xf32, #tpu.memory_space<vmem>>
        %dma_start3A_637 = arith.constant 6784 : i32
        %dma_start3A_638 = tpu.memref_slice %arg8[%dma_start3A_637] : memref<8192xi32, #tpu.memory_space<vmem>> -> memref<128xi32, #tpu.memory_space<vmem>>
        %dma_start3A_639 = tpu.memref_slice %arg6[%add3A_151] : memref<801280xf32, #tpu.memory_space<vmem_shared>> -> memref<100000xf32, #tpu.memory_space<vmem_shared>>
        %dma_start3A_640 = arith.constant 0 : i32
        %dma_start3A_641 = tpu.memref_slice %dma_start3A_639[%dma_start3A_640] : memref<100000xf32, #tpu.memory_space<vmem_shared>> -> memref<100000xf32, #tpu.memory_space<vmem_shared>>
        tpu.enqueue_indirect_dma source(%dma_start3A_641 : memref<100000xf32, #tpu.memory_space<vmem_shared>>) target(%dma_start3A_636 : memref<128xf32, #tpu.memory_space<vmem>>) offsets(%dma_start3A_638 : memref<128xi32, #tpu.memory_space<vmem>>) semaphore(%arg10 : memref<!tpu.dma_semaphore, #tpu.memory_space<semaphore_mem>>)
        %dma_start3A_642 = arith.constant 54 : i32
        %dma_start3A_643 = arith.constant 0 : i32
        %dma_start3A_644 = tpu.memref_slice %arg9[%dma_start3A_642, %dma_start3A_643] : memref<64x128xf32, #tpu.memory_space<vmem>> -> memref<1x128xf32, #tpu.memory_space<vmem>>
        %dma_start3A_645 = tpu.memref_squeeze %dma_start3A_644 : memref<1x128xf32, #tpu.memory_space<vmem>> -> memref<128xf32, #tpu.memory_space<vmem>>
        %dma_start3A_646 = arith.constant 6912 : i32
        %dma_start3A_647 = tpu.memref_slice %arg8[%dma_start3A_646] : memref<8192xi32, #tpu.memory_space<vmem>> -> memref<128xi32, #tpu.memory_space<vmem>>
        %dma_start3A_648 = tpu.memref_slice %arg6[%add3A_151] : memref<801280xf32, #tpu.memory_space<vmem_shared>> -> memref<100000xf32, #tpu.memory_space<vmem_shared>>
        %dma_start3A_649 = arith.constant 0 : i32
        %dma_start3A_650 = tpu.memref_slice %dma_start3A_648[%dma_start3A_649] : memref<100000xf32, #tpu.memory_space<vmem_shared>> -> memref<100000xf32, #tpu.memory_space<vmem_shared>>
        tpu.enqueue_indirect_dma source(%dma_start3A_650 : memref<100000xf32, #tpu.memory_space<vmem_shared>>) target(%dma_start3A_645 : memref<128xf32, #tpu.memory_space<vmem>>) offsets(%dma_start3A_647 : memref<128xi32, #tpu.memory_space<vmem>>) semaphore(%arg10 : memref<!tpu.dma_semaphore, #tpu.memory_space<semaphore_mem>>)
        %dma_start3A_651 = arith.constant 55 : i32
        %dma_start3A_652 = arith.constant 0 : i32
        %dma_start3A_653 = tpu.memref_slice %arg9[%dma_start3A_651, %dma_start3A_652] : memref<64x128xf32, #tpu.memory_space<vmem>> -> memref<1x128xf32, #tpu.memory_space<vmem>>
        %dma_start3A_654 = tpu.memref_squeeze %dma_start3A_653 : memref<1x128xf32, #tpu.memory_space<vmem>> -> memref<128xf32, #tpu.memory_space<vmem>>
        %dma_start3A_655 = arith.constant 7040 : i32
        %dma_start3A_656 = tpu.memref_slice %arg8[%dma_start3A_655] : memref<8192xi32, #tpu.memory_space<vmem>> -> memref<128xi32, #tpu.memory_space<vmem>>
        %dma_start3A_657 = tpu.memref_slice %arg6[%add3A_151] : memref<801280xf32, #tpu.memory_space<vmem_shared>> -> memref<100000xf32, #tpu.memory_space<vmem_shared>>
        %dma_start3A_658 = arith.constant 0 : i32
        %dma_start3A_659 = tpu.memref_slice %dma_start3A_657[%dma_start3A_658] : memref<100000xf32, #tpu.memory_space<vmem_shared>> -> memref<100000xf32, #tpu.memory_space<vmem_shared>>
        tpu.enqueue_indirect_dma source(%dma_start3A_659 : memref<100000xf32, #tpu.memory_space<vmem_shared>>) target(%dma_start3A_654 : memref<128xf32, #tpu.memory_space<vmem>>) offsets(%dma_start3A_656 : memref<128xi32, #tpu.memory_space<vmem>>) semaphore(%arg10 : memref<!tpu.dma_semaphore, #tpu.memory_space<semaphore_mem>>)
        %dma_start3A_660 = arith.constant 56 : i32
        %dma_start3A_661 = arith.constant 0 : i32
        %dma_start3A_662 = tpu.memref_slice %arg9[%dma_start3A_660, %dma_start3A_661] : memref<64x128xf32, #tpu.memory_space<vmem>> -> memref<1x128xf32, #tpu.memory_space<vmem>>
        %dma_start3A_663 = tpu.memref_squeeze %dma_start3A_662 : memref<1x128xf32, #tpu.memory_space<vmem>> -> memref<128xf32, #tpu.memory_space<vmem>>
        %dma_start3A_664 = arith.constant 7168 : i32
        %dma_start3A_665 = tpu.memref_slice %arg8[%dma_start3A_664] : memref<8192xi32, #tpu.memory_space<vmem>> -> memref<128xi32, #tpu.memory_space<vmem>>
        %dma_start3A_666 = tpu.memref_slice %arg6[%add3A_151] : memref<801280xf32, #tpu.memory_space<vmem_shared>> -> memref<100000xf32, #tpu.memory_space<vmem_shared>>
        %dma_start3A_667 = arith.constant 0 : i32
        %dma_start3A_668 = tpu.memref_slice %dma_start3A_666[%dma_start3A_667] : memref<100000xf32, #tpu.memory_space<vmem_shared>> -> memref<100000xf32, #tpu.memory_space<vmem_shared>>
        tpu.enqueue_indirect_dma source(%dma_start3A_668 : memref<100000xf32, #tpu.memory_space<vmem_shared>>) target(%dma_start3A_663 : memref<128xf32, #tpu.memory_space<vmem>>) offsets(%dma_start3A_665 : memref<128xi32, #tpu.memory_space<vmem>>) semaphore(%arg10 : memref<!tpu.dma_semaphore, #tpu.memory_space<semaphore_mem>>)
        %dma_start3A_669 = arith.constant 57 : i32
        %dma_start3A_670 = arith.constant 0 : i32
        %dma_start3A_671 = tpu.memref_slice %arg9[%dma_start3A_669, %dma_start3A_670] : memref<64x128xf32, #tpu.memory_space<vmem>> -> memref<1x128xf32, #tpu.memory_space<vmem>>
        %dma_start3A_672 = tpu.memref_squeeze %dma_start3A_671 : memref<1x128xf32, #tpu.memory_space<vmem>> -> memref<128xf32, #tpu.memory_space<vmem>>
        %dma_start3A_673 = arith.constant 7296 : i32
        %dma_start3A_674 = tpu.memref_slice %arg8[%dma_start3A_673] : memref<8192xi32, #tpu.memory_space<vmem>> -> memref<128xi32, #tpu.memory_space<vmem>>
        %dma_start3A_675 = tpu.memref_slice %arg6[%add3A_151] : memref<801280xf32, #tpu.memory_space<vmem_shared>> -> memref<100000xf32, #tpu.memory_space<vmem_shared>>
        %dma_start3A_676 = arith.constant 0 : i32
        %dma_start3A_677 = tpu.memref_slice %dma_start3A_675[%dma_start3A_676] : memref<100000xf32, #tpu.memory_space<vmem_shared>> -> memref<100000xf32, #tpu.memory_space<vmem_shared>>
        tpu.enqueue_indirect_dma source(%dma_start3A_677 : memref<100000xf32, #tpu.memory_space<vmem_shared>>) target(%dma_start3A_672 : memref<128xf32, #tpu.memory_space<vmem>>) offsets(%dma_start3A_674 : memref<128xi32, #tpu.memory_space<vmem>>) semaphore(%arg10 : memref<!tpu.dma_semaphore, #tpu.memory_space<semaphore_mem>>)
        %dma_start3A_678 = arith.constant 58 : i32
        %dma_start3A_679 = arith.constant 0 : i32
        %dma_start3A_680 = tpu.memref_slice %arg9[%dma_start3A_678, %dma_start3A_679] : memref<64x128xf32, #tpu.memory_space<vmem>> -> memref<1x128xf32, #tpu.memory_space<vmem>>
        %dma_start3A_681 = tpu.memref_squeeze %dma_start3A_680 : memref<1x128xf32, #tpu.memory_space<vmem>> -> memref<128xf32, #tpu.memory_space<vmem>>
        %dma_start3A_682 = arith.constant 7424 : i32
        %dma_start3A_683 = tpu.memref_slice %arg8[%dma_start3A_682] : memref<8192xi32, #tpu.memory_space<vmem>> -> memref<128xi32, #tpu.memory_space<vmem>>
        %dma_start3A_684 = tpu.memref_slice %arg6[%add3A_151] : memref<801280xf32, #tpu.memory_space<vmem_shared>> -> memref<100000xf32, #tpu.memory_space<vmem_shared>>
        %dma_start3A_685 = arith.constant 0 : i32
        %dma_start3A_686 = tpu.memref_slice %dma_start3A_684[%dma_start3A_685] : memref<100000xf32, #tpu.memory_space<vmem_shared>> -> memref<100000xf32, #tpu.memory_space<vmem_shared>>
        tpu.enqueue_indirect_dma source(%dma_start3A_686 : memref<100000xf32, #tpu.memory_space<vmem_shared>>) target(%dma_start3A_681 : memref<128xf32, #tpu.memory_space<vmem>>) offsets(%dma_start3A_683 : memref<128xi32, #tpu.memory_space<vmem>>) semaphore(%arg10 : memref<!tpu.dma_semaphore, #tpu.memory_space<semaphore_mem>>)
        %dma_start3A_687 = arith.constant 59 : i32
        %dma_start3A_688 = arith.constant 0 : i32
        %dma_start3A_689 = tpu.memref_slice %arg9[%dma_start3A_687, %dma_start3A_688] : memref<64x128xf32, #tpu.memory_space<vmem>> -> memref<1x128xf32, #tpu.memory_space<vmem>>
        %dma_start3A_690 = tpu.memref_squeeze %dma_start3A_689 : memref<1x128xf32, #tpu.memory_space<vmem>> -> memref<128xf32, #tpu.memory_space<vmem>>
        %dma_start3A_691 = arith.constant 7552 : i32
        %dma_start3A_692 = tpu.memref_slice %arg8[%dma_start3A_691] : memref<8192xi32, #tpu.memory_space<vmem>> -> memref<128xi32, #tpu.memory_space<vmem>>
        %dma_start3A_693 = tpu.memref_slice %arg6[%add3A_151] : memref<801280xf32, #tpu.memory_space<vmem_shared>> -> memref<100000xf32, #tpu.memory_space<vmem_shared>>
        %dma_start3A_694 = arith.constant 0 : i32
        %dma_start3A_695 = tpu.memref_slice %dma_start3A_693[%dma_start3A_694] : memref<100000xf32, #tpu.memory_space<vmem_shared>> -> memref<100000xf32, #tpu.memory_space<vmem_shared>>
        tpu.enqueue_indirect_dma source(%dma_start3A_695 : memref<100000xf32, #tpu.memory_space<vmem_shared>>) target(%dma_start3A_690 : memref<128xf32, #tpu.memory_space<vmem>>) offsets(%dma_start3A_692 : memref<128xi32, #tpu.memory_space<vmem>>) semaphore(%arg10 : memref<!tpu.dma_semaphore, #tpu.memory_space<semaphore_mem>>)
        %dma_start3A_696 = arith.constant 60 : i32
        %dma_start3A_697 = arith.constant 0 : i32
        %dma_start3A_698 = tpu.memref_slice %arg9[%dma_start3A_696, %dma_start3A_697] : memref<64x128xf32, #tpu.memory_space<vmem>> -> memref<1x128xf32, #tpu.memory_space<vmem>>
        %dma_start3A_699 = tpu.memref_squeeze %dma_start3A_698 : memref<1x128xf32, #tpu.memory_space<vmem>> -> memref<128xf32, #tpu.memory_space<vmem>>
        %dma_start3A_700 = arith.constant 7680 : i32
        %dma_start3A_701 = tpu.memref_slice %arg8[%dma_start3A_700] : memref<8192xi32, #tpu.memory_space<vmem>> -> memref<128xi32, #tpu.memory_space<vmem>>
        %dma_start3A_702 = tpu.memref_slice %arg6[%add3A_151] : memref<801280xf32, #tpu.memory_space<vmem_shared>> -> memref<100000xf32, #tpu.memory_space<vmem_shared>>
        %dma_start3A_703 = arith.constant 0 : i32
        %dma_start3A_704 = tpu.memref_slice %dma_start3A_702[%dma_start3A_703] : memref<100000xf32, #tpu.memory_space<vmem_shared>> -> memref<100000xf32, #tpu.memory_space<vmem_shared>>
        tpu.enqueue_indirect_dma source(%dma_start3A_704 : memref<100000xf32, #tpu.memory_space<vmem_shared>>) target(%dma_start3A_699 : memref<128xf32, #tpu.memory_space<vmem>>) offsets(%dma_start3A_701 : memref<128xi32, #tpu.memory_space<vmem>>) semaphore(%arg10 : memref<!tpu.dma_semaphore, #tpu.memory_space<semaphore_mem>>)
        %dma_start3A_705 = arith.constant 61 : i32
        %dma_start3A_706 = arith.constant 0 : i32
        %dma_start3A_707 = tpu.memref_slice %arg9[%dma_start3A_705, %dma_start3A_706] : memref<64x128xf32, #tpu.memory_space<vmem>> -> memref<1x128xf32, #tpu.memory_space<vmem>>
        %dma_start3A_708 = tpu.memref_squeeze %dma_start3A_707 : memref<1x128xf32, #tpu.memory_space<vmem>> -> memref<128xf32, #tpu.memory_space<vmem>>
        %dma_start3A_709 = arith.constant 7808 : i32
        %dma_start3A_710 = tpu.memref_slice %arg8[%dma_start3A_709] : memref<8192xi32, #tpu.memory_space<vmem>> -> memref<128xi32, #tpu.memory_space<vmem>>
        %dma_start3A_711 = tpu.memref_slice %arg6[%add3A_151] : memref<801280xf32, #tpu.memory_space<vmem_shared>> -> memref<100000xf32, #tpu.memory_space<vmem_shared>>
        %dma_start3A_712 = arith.constant 0 : i32
        %dma_start3A_713 = tpu.memref_slice %dma_start3A_711[%dma_start3A_712] : memref<100000xf32, #tpu.memory_space<vmem_shared>> -> memref<100000xf32, #tpu.memory_space<vmem_shared>>
        tpu.enqueue_indirect_dma source(%dma_start3A_713 : memref<100000xf32, #tpu.memory_space<vmem_shared>>) target(%dma_start3A_708 : memref<128xf32, #tpu.memory_space<vmem>>) offsets(%dma_start3A_710 : memref<128xi32, #tpu.memory_space<vmem>>) semaphore(%arg10 : memref<!tpu.dma_semaphore, #tpu.memory_space<semaphore_mem>>)
        %dma_start3A_714 = arith.constant 62 : i32
        %dma_start3A_715 = arith.constant 0 : i32
        %dma_start3A_716 = tpu.memref_slice %arg9[%dma_start3A_714, %dma_start3A_715] : memref<64x128xf32, #tpu.memory_space<vmem>> -> memref<1x128xf32, #tpu.memory_space<vmem>>
        %dma_start3A_717 = tpu.memref_squeeze %dma_start3A_716 : memref<1x128xf32, #tpu.memory_space<vmem>> -> memref<128xf32, #tpu.memory_space<vmem>>
        %dma_start3A_718 = arith.constant 7936 : i32
        %dma_start3A_719 = tpu.memref_slice %arg8[%dma_start3A_718] : memref<8192xi32, #tpu.memory_space<vmem>> -> memref<128xi32, #tpu.memory_space<vmem>>
        %dma_start3A_720 = tpu.memref_slice %arg6[%add3A_151] : memref<801280xf32, #tpu.memory_space<vmem_shared>> -> memref<100000xf32, #tpu.memory_space<vmem_shared>>
        %dma_start3A_721 = arith.constant 0 : i32
        %dma_start3A_722 = tpu.memref_slice %dma_start3A_720[%dma_start3A_721] : memref<100000xf32, #tpu.memory_space<vmem_shared>> -> memref<100000xf32, #tpu.memory_space<vmem_shared>>
        tpu.enqueue_indirect_dma source(%dma_start3A_722 : memref<100000xf32, #tpu.memory_space<vmem_shared>>) target(%dma_start3A_717 : memref<128xf32, #tpu.memory_space<vmem>>) offsets(%dma_start3A_719 : memref<128xi32, #tpu.memory_space<vmem>>) semaphore(%arg10 : memref<!tpu.dma_semaphore, #tpu.memory_space<semaphore_mem>>)
        %dma_start3A_723 = arith.constant 63 : i32
        %dma_start3A_724 = arith.constant 0 : i32
        %dma_start3A_725 = tpu.memref_slice %arg9[%dma_start3A_723, %dma_start3A_724] : memref<64x128xf32, #tpu.memory_space<vmem>> -> memref<1x128xf32, #tpu.memory_space<vmem>>
        %dma_start3A_726 = tpu.memref_squeeze %dma_start3A_725 : memref<1x128xf32, #tpu.memory_space<vmem>> -> memref<128xf32, #tpu.memory_space<vmem>>
        %dma_start3A_727 = arith.constant 8064 : i32
        %dma_start3A_728 = tpu.memref_slice %arg8[%dma_start3A_727] : memref<8192xi32, #tpu.memory_space<vmem>> -> memref<128xi32, #tpu.memory_space<vmem>>
        %dma_start3A_729 = tpu.memref_slice %arg6[%add3A_151] : memref<801280xf32, #tpu.memory_space<vmem_shared>> -> memref<100000xf32, #tpu.memory_space<vmem_shared>>
        %dma_start3A_730 = arith.constant 0 : i32
        %dma_start3A_731 = tpu.memref_slice %dma_start3A_729[%dma_start3A_730] : memref<100000xf32, #tpu.memory_space<vmem_shared>> -> memref<100000xf32, #tpu.memory_space<vmem_shared>>
        tpu.enqueue_indirect_dma source(%dma_start3A_731 : memref<100000xf32, #tpu.memory_space<vmem_shared>>) target(%dma_start3A_726 : memref<128xf32, #tpu.memory_space<vmem>>) offsets(%dma_start3A_728 : memref<128xi32, #tpu.memory_space<vmem>>) semaphore(%arg10 : memref<!tpu.dma_semaphore, #tpu.memory_space<semaphore_mem>>)
        %dma_wait3A = arith.constant 0 : i32
        %dma_wait3A_732 = arith.constant 0 : i32
        %dma_wait3A_733 = tpu.memref_slice %arg9[%dma_wait3A, %dma_wait3A_732] : memref<64x128xf32, #tpu.memory_space<vmem>> -> memref<1x128xf32, #tpu.memory_space<vmem>>
        %dma_wait3A_734 = tpu.memref_squeeze %dma_wait3A_733 : memref<1x128xf32, #tpu.memory_space<vmem>> -> memref<128xf32, #tpu.memory_space<vmem>>
        %dma_wait3A_735 = arith.constant 0 : i32
        %dma_wait3A_736 = tpu.memref_slice %arg8[%dma_wait3A_735] : memref<8192xi32, #tpu.memory_space<vmem>> -> memref<128xi32, #tpu.memory_space<vmem>>
        %dma_wait3A_737 = tpu.memref_slice %arg6[%add3A_151] : memref<801280xf32, #tpu.memory_space<vmem_shared>> -> memref<100000xf32, #tpu.memory_space<vmem_shared>>
        %dma_wait3A_738 = arith.constant 0 : i32
        %dma_wait3A_739 = tpu.memref_slice %dma_wait3A_737[%dma_wait3A_738] : memref<100000xf32, #tpu.memory_space<vmem_shared>> -> memref<100000xf32, #tpu.memory_space<vmem_shared>>
        tpu.wait_indirect_dma semaphore(%arg10 : memref<!tpu.dma_semaphore, #tpu.memory_space<semaphore_mem>>) src(%dma_wait3A_739 : memref<100000xf32, #tpu.memory_space<vmem_shared>>) dst(%dma_wait3A_734 : memref<128xf32, #tpu.memory_space<vmem>>)
        %dma_wait3A_740 = arith.constant 1 : i32
        %dma_wait3A_741 = arith.constant 0 : i32
        %dma_wait3A_742 = tpu.memref_slice %arg9[%dma_wait3A_740, %dma_wait3A_741] : memref<64x128xf32, #tpu.memory_space<vmem>> -> memref<1x128xf32, #tpu.memory_space<vmem>>
        %dma_wait3A_743 = tpu.memref_squeeze %dma_wait3A_742 : memref<1x128xf32, #tpu.memory_space<vmem>> -> memref<128xf32, #tpu.memory_space<vmem>>
        %dma_wait3A_744 = arith.constant 128 : i32
        %dma_wait3A_745 = tpu.memref_slice %arg8[%dma_wait3A_744] : memref<8192xi32, #tpu.memory_space<vmem>> -> memref<128xi32, #tpu.memory_space<vmem>>
        %dma_wait3A_746 = tpu.memref_slice %arg6[%add3A_151] : memref<801280xf32, #tpu.memory_space<vmem_shared>> -> memref<100000xf32, #tpu.memory_space<vmem_shared>>
        %dma_wait3A_747 = arith.constant 0 : i32
        %dma_wait3A_748 = tpu.memref_slice %dma_wait3A_746[%dma_wait3A_747] : memref<100000xf32, #tpu.memory_space<vmem_shared>> -> memref<100000xf32, #tpu.memory_space<vmem_shared>>
        tpu.wait_indirect_dma semaphore(%arg10 : memref<!tpu.dma_semaphore, #tpu.memory_space<semaphore_mem>>) src(%dma_wait3A_748 : memref<100000xf32, #tpu.memory_space<vmem_shared>>) dst(%dma_wait3A_743 : memref<128xf32, #tpu.memory_space<vmem>>)
        %dma_wait3A_749 = arith.constant 2 : i32
        %dma_wait3A_750 = arith.constant 0 : i32
        %dma_wait3A_751 = tpu.memref_slice %arg9[%dma_wait3A_749, %dma_wait3A_750] : memref<64x128xf32, #tpu.memory_space<vmem>> -> memref<1x128xf32, #tpu.memory_space<vmem>>
        %dma_wait3A_752 = tpu.memref_squeeze %dma_wait3A_751 : memref<1x128xf32, #tpu.memory_space<vmem>> -> memref<128xf32, #tpu.memory_space<vmem>>
        %dma_wait3A_753 = arith.constant 256 : i32
        %dma_wait3A_754 = tpu.memref_slice %arg8[%dma_wait3A_753] : memref<8192xi32, #tpu.memory_space<vmem>> -> memref<128xi32, #tpu.memory_space<vmem>>
        %dma_wait3A_755 = tpu.memref_slice %arg6[%add3A_151] : memref<801280xf32, #tpu.memory_space<vmem_shared>> -> memref<100000xf32, #tpu.memory_space<vmem_shared>>
        %dma_wait3A_756 = arith.constant 0 : i32
        %dma_wait3A_757 = tpu.memref_slice %dma_wait3A_755[%dma_wait3A_756] : memref<100000xf32, #tpu.memory_space<vmem_shared>> -> memref<100000xf32, #tpu.memory_space<vmem_shared>>
        tpu.wait_indirect_dma semaphore(%arg10 : memref<!tpu.dma_semaphore, #tpu.memory_space<semaphore_mem>>) src(%dma_wait3A_757 : memref<100000xf32, #tpu.memory_space<vmem_shared>>) dst(%dma_wait3A_752 : memref<128xf32, #tpu.memory_space<vmem>>)
        %dma_wait3A_758 = arith.constant 3 : i32
        %dma_wait3A_759 = arith.constant 0 : i32
        %dma_wait3A_760 = tpu.memref_slice %arg9[%dma_wait3A_758, %dma_wait3A_759] : memref<64x128xf32, #tpu.memory_space<vmem>> -> memref<1x128xf32, #tpu.memory_space<vmem>>
        %dma_wait3A_761 = tpu.memref_squeeze %dma_wait3A_760 : memref<1x128xf32, #tpu.memory_space<vmem>> -> memref<128xf32, #tpu.memory_space<vmem>>
        %dma_wait3A_762 = arith.constant 384 : i32
        %dma_wait3A_763 = tpu.memref_slice %arg8[%dma_wait3A_762] : memref<8192xi32, #tpu.memory_space<vmem>> -> memref<128xi32, #tpu.memory_space<vmem>>
        %dma_wait3A_764 = tpu.memref_slice %arg6[%add3A_151] : memref<801280xf32, #tpu.memory_space<vmem_shared>> -> memref<100000xf32, #tpu.memory_space<vmem_shared>>
        %dma_wait3A_765 = arith.constant 0 : i32
        %dma_wait3A_766 = tpu.memref_slice %dma_wait3A_764[%dma_wait3A_765] : memref<100000xf32, #tpu.memory_space<vmem_shared>> -> memref<100000xf32, #tpu.memory_space<vmem_shared>>
        tpu.wait_indirect_dma semaphore(%arg10 : memref<!tpu.dma_semaphore, #tpu.memory_space<semaphore_mem>>) src(%dma_wait3A_766 : memref<100000xf32, #tpu.memory_space<vmem_shared>>) dst(%dma_wait3A_761 : memref<128xf32, #tpu.memory_space<vmem>>)
        %dma_wait3A_767 = arith.constant 4 : i32
        %dma_wait3A_768 = arith.constant 0 : i32
        %dma_wait3A_769 = tpu.memref_slice %arg9[%dma_wait3A_767, %dma_wait3A_768] : memref<64x128xf32, #tpu.memory_space<vmem>> -> memref<1x128xf32, #tpu.memory_space<vmem>>
        %dma_wait3A_770 = tpu.memref_squeeze %dma_wait3A_769 : memref<1x128xf32, #tpu.memory_space<vmem>> -> memref<128xf32, #tpu.memory_space<vmem>>
        %dma_wait3A_771 = arith.constant 512 : i32
        %dma_wait3A_772 = tpu.memref_slice %arg8[%dma_wait3A_771] : memref<8192xi32, #tpu.memory_space<vmem>> -> memref<128xi32, #tpu.memory_space<vmem>>
        %dma_wait3A_773 = tpu.memref_slice %arg6[%add3A_151] : memref<801280xf32, #tpu.memory_space<vmem_shared>> -> memref<100000xf32, #tpu.memory_space<vmem_shared>>
        %dma_wait3A_774 = arith.constant 0 : i32
        %dma_wait3A_775 = tpu.memref_slice %dma_wait3A_773[%dma_wait3A_774] : memref<100000xf32, #tpu.memory_space<vmem_shared>> -> memref<100000xf32, #tpu.memory_space<vmem_shared>>
        tpu.wait_indirect_dma semaphore(%arg10 : memref<!tpu.dma_semaphore, #tpu.memory_space<semaphore_mem>>) src(%dma_wait3A_775 : memref<100000xf32, #tpu.memory_space<vmem_shared>>) dst(%dma_wait3A_770 : memref<128xf32, #tpu.memory_space<vmem>>)
        %dma_wait3A_776 = arith.constant 5 : i32
        %dma_wait3A_777 = arith.constant 0 : i32
        %dma_wait3A_778 = tpu.memref_slice %arg9[%dma_wait3A_776, %dma_wait3A_777] : memref<64x128xf32, #tpu.memory_space<vmem>> -> memref<1x128xf32, #tpu.memory_space<vmem>>
        %dma_wait3A_779 = tpu.memref_squeeze %dma_wait3A_778 : memref<1x128xf32, #tpu.memory_space<vmem>> -> memref<128xf32, #tpu.memory_space<vmem>>
        %dma_wait3A_780 = arith.constant 640 : i32
        %dma_wait3A_781 = tpu.memref_slice %arg8[%dma_wait3A_780] : memref<8192xi32, #tpu.memory_space<vmem>> -> memref<128xi32, #tpu.memory_space<vmem>>
        %dma_wait3A_782 = tpu.memref_slice %arg6[%add3A_151] : memref<801280xf32, #tpu.memory_space<vmem_shared>> -> memref<100000xf32, #tpu.memory_space<vmem_shared>>
        %dma_wait3A_783 = arith.constant 0 : i32
        %dma_wait3A_784 = tpu.memref_slice %dma_wait3A_782[%dma_wait3A_783] : memref<100000xf32, #tpu.memory_space<vmem_shared>> -> memref<100000xf32, #tpu.memory_space<vmem_shared>>
        tpu.wait_indirect_dma semaphore(%arg10 : memref<!tpu.dma_semaphore, #tpu.memory_space<semaphore_mem>>) src(%dma_wait3A_784 : memref<100000xf32, #tpu.memory_space<vmem_shared>>) dst(%dma_wait3A_779 : memref<128xf32, #tpu.memory_space<vmem>>)
        %dma_wait3A_785 = arith.constant 6 : i32
        %dma_wait3A_786 = arith.constant 0 : i32
        %dma_wait3A_787 = tpu.memref_slice %arg9[%dma_wait3A_785, %dma_wait3A_786] : memref<64x128xf32, #tpu.memory_space<vmem>> -> memref<1x128xf32, #tpu.memory_space<vmem>>
        %dma_wait3A_788 = tpu.memref_squeeze %dma_wait3A_787 : memref<1x128xf32, #tpu.memory_space<vmem>> -> memref<128xf32, #tpu.memory_space<vmem>>
        %dma_wait3A_789 = arith.constant 768 : i32
        %dma_wait3A_790 = tpu.memref_slice %arg8[%dma_wait3A_789] : memref<8192xi32, #tpu.memory_space<vmem>> -> memref<128xi32, #tpu.memory_space<vmem>>
        %dma_wait3A_791 = tpu.memref_slice %arg6[%add3A_151] : memref<801280xf32, #tpu.memory_space<vmem_shared>> -> memref<100000xf32, #tpu.memory_space<vmem_shared>>
        %dma_wait3A_792 = arith.constant 0 : i32
        %dma_wait3A_793 = tpu.memref_slice %dma_wait3A_791[%dma_wait3A_792] : memref<100000xf32, #tpu.memory_space<vmem_shared>> -> memref<100000xf32, #tpu.memory_space<vmem_shared>>
        tpu.wait_indirect_dma semaphore(%arg10 : memref<!tpu.dma_semaphore, #tpu.memory_space<semaphore_mem>>) src(%dma_wait3A_793 : memref<100000xf32, #tpu.memory_space<vmem_shared>>) dst(%dma_wait3A_788 : memref<128xf32, #tpu.memory_space<vmem>>)
        %dma_wait3A_794 = arith.constant 7 : i32
        %dma_wait3A_795 = arith.constant 0 : i32
        %dma_wait3A_796 = tpu.memref_slice %arg9[%dma_wait3A_794, %dma_wait3A_795] : memref<64x128xf32, #tpu.memory_space<vmem>> -> memref<1x128xf32, #tpu.memory_space<vmem>>
        %dma_wait3A_797 = tpu.memref_squeeze %dma_wait3A_796 : memref<1x128xf32, #tpu.memory_space<vmem>> -> memref<128xf32, #tpu.memory_space<vmem>>
        %dma_wait3A_798 = arith.constant 896 : i32
        %dma_wait3A_799 = tpu.memref_slice %arg8[%dma_wait3A_798] : memref<8192xi32, #tpu.memory_space<vmem>> -> memref<128xi32, #tpu.memory_space<vmem>>
        %dma_wait3A_800 = tpu.memref_slice %arg6[%add3A_151] : memref<801280xf32, #tpu.memory_space<vmem_shared>> -> memref<100000xf32, #tpu.memory_space<vmem_shared>>
        %dma_wait3A_801 = arith.constant 0 : i32
        %dma_wait3A_802 = tpu.memref_slice %dma_wait3A_800[%dma_wait3A_801] : memref<100000xf32, #tpu.memory_space<vmem_shared>> -> memref<100000xf32, #tpu.memory_space<vmem_shared>>
        tpu.wait_indirect_dma semaphore(%arg10 : memref<!tpu.dma_semaphore, #tpu.memory_space<semaphore_mem>>) src(%dma_wait3A_802 : memref<100000xf32, #tpu.memory_space<vmem_shared>>) dst(%dma_wait3A_797 : memref<128xf32, #tpu.memory_space<vmem>>)
        %dma_wait3A_803 = arith.constant 8 : i32
        %dma_wait3A_804 = arith.constant 0 : i32
        %dma_wait3A_805 = tpu.memref_slice %arg9[%dma_wait3A_803, %dma_wait3A_804] : memref<64x128xf32, #tpu.memory_space<vmem>> -> memref<1x128xf32, #tpu.memory_space<vmem>>
        %dma_wait3A_806 = tpu.memref_squeeze %dma_wait3A_805 : memref<1x128xf32, #tpu.memory_space<vmem>> -> memref<128xf32, #tpu.memory_space<vmem>>
        %dma_wait3A_807 = arith.constant 1024 : i32
        %dma_wait3A_808 = tpu.memref_slice %arg8[%dma_wait3A_807] : memref<8192xi32, #tpu.memory_space<vmem>> -> memref<128xi32, #tpu.memory_space<vmem>>
        %dma_wait3A_809 = tpu.memref_slice %arg6[%add3A_151] : memref<801280xf32, #tpu.memory_space<vmem_shared>> -> memref<100000xf32, #tpu.memory_space<vmem_shared>>
        %dma_wait3A_810 = arith.constant 0 : i32
        %dma_wait3A_811 = tpu.memref_slice %dma_wait3A_809[%dma_wait3A_810] : memref<100000xf32, #tpu.memory_space<vmem_shared>> -> memref<100000xf32, #tpu.memory_space<vmem_shared>>
        tpu.wait_indirect_dma semaphore(%arg10 : memref<!tpu.dma_semaphore, #tpu.memory_space<semaphore_mem>>) src(%dma_wait3A_811 : memref<100000xf32, #tpu.memory_space<vmem_shared>>) dst(%dma_wait3A_806 : memref<128xf32, #tpu.memory_space<vmem>>)
        %dma_wait3A_812 = arith.constant 9 : i32
        %dma_wait3A_813 = arith.constant 0 : i32
        %dma_wait3A_814 = tpu.memref_slice %arg9[%dma_wait3A_812, %dma_wait3A_813] : memref<64x128xf32, #tpu.memory_space<vmem>> -> memref<1x128xf32, #tpu.memory_space<vmem>>
        %dma_wait3A_815 = tpu.memref_squeeze %dma_wait3A_814 : memref<1x128xf32, #tpu.memory_space<vmem>> -> memref<128xf32, #tpu.memory_space<vmem>>
        %dma_wait3A_816 = arith.constant 1152 : i32
        %dma_wait3A_817 = tpu.memref_slice %arg8[%dma_wait3A_816] : memref<8192xi32, #tpu.memory_space<vmem>> -> memref<128xi32, #tpu.memory_space<vmem>>
        %dma_wait3A_818 = tpu.memref_slice %arg6[%add3A_151] : memref<801280xf32, #tpu.memory_space<vmem_shared>> -> memref<100000xf32, #tpu.memory_space<vmem_shared>>
        %dma_wait3A_819 = arith.constant 0 : i32
        %dma_wait3A_820 = tpu.memref_slice %dma_wait3A_818[%dma_wait3A_819] : memref<100000xf32, #tpu.memory_space<vmem_shared>> -> memref<100000xf32, #tpu.memory_space<vmem_shared>>
        tpu.wait_indirect_dma semaphore(%arg10 : memref<!tpu.dma_semaphore, #tpu.memory_space<semaphore_mem>>) src(%dma_wait3A_820 : memref<100000xf32, #tpu.memory_space<vmem_shared>>) dst(%dma_wait3A_815 : memref<128xf32, #tpu.memory_space<vmem>>)
        %dma_wait3A_821 = arith.constant 10 : i32
        %dma_wait3A_822 = arith.constant 0 : i32
        %dma_wait3A_823 = tpu.memref_slice %arg9[%dma_wait3A_821, %dma_wait3A_822] : memref<64x128xf32, #tpu.memory_space<vmem>> -> memref<1x128xf32, #tpu.memory_space<vmem>>
        %dma_wait3A_824 = tpu.memref_squeeze %dma_wait3A_823 : memref<1x128xf32, #tpu.memory_space<vmem>> -> memref<128xf32, #tpu.memory_space<vmem>>
        %dma_wait3A_825 = arith.constant 1280 : i32
        %dma_wait3A_826 = tpu.memref_slice %arg8[%dma_wait3A_825] : memref<8192xi32, #tpu.memory_space<vmem>> -> memref<128xi32, #tpu.memory_space<vmem>>
        %dma_wait3A_827 = tpu.memref_slice %arg6[%add3A_151] : memref<801280xf32, #tpu.memory_space<vmem_shared>> -> memref<100000xf32, #tpu.memory_space<vmem_shared>>
        %dma_wait3A_828 = arith.constant 0 : i32
        %dma_wait3A_829 = tpu.memref_slice %dma_wait3A_827[%dma_wait3A_828] : memref<100000xf32, #tpu.memory_space<vmem_shared>> -> memref<100000xf32, #tpu.memory_space<vmem_shared>>
        tpu.wait_indirect_dma semaphore(%arg10 : memref<!tpu.dma_semaphore, #tpu.memory_space<semaphore_mem>>) src(%dma_wait3A_829 : memref<100000xf32, #tpu.memory_space<vmem_shared>>) dst(%dma_wait3A_824 : memref<128xf32, #tpu.memory_space<vmem>>)
        %dma_wait3A_830 = arith.constant 11 : i32
        %dma_wait3A_831 = arith.constant 0 : i32
        %dma_wait3A_832 = tpu.memref_slice %arg9[%dma_wait3A_830, %dma_wait3A_831] : memref<64x128xf32, #tpu.memory_space<vmem>> -> memref<1x128xf32, #tpu.memory_space<vmem>>
        %dma_wait3A_833 = tpu.memref_squeeze %dma_wait3A_832 : memref<1x128xf32, #tpu.memory_space<vmem>> -> memref<128xf32, #tpu.memory_space<vmem>>
        %dma_wait3A_834 = arith.constant 1408 : i32
        %dma_wait3A_835 = tpu.memref_slice %arg8[%dma_wait3A_834] : memref<8192xi32, #tpu.memory_space<vmem>> -> memref<128xi32, #tpu.memory_space<vmem>>
        %dma_wait3A_836 = tpu.memref_slice %arg6[%add3A_151] : memref<801280xf32, #tpu.memory_space<vmem_shared>> -> memref<100000xf32, #tpu.memory_space<vmem_shared>>
        %dma_wait3A_837 = arith.constant 0 : i32
        %dma_wait3A_838 = tpu.memref_slice %dma_wait3A_836[%dma_wait3A_837] : memref<100000xf32, #tpu.memory_space<vmem_shared>> -> memref<100000xf32, #tpu.memory_space<vmem_shared>>
        tpu.wait_indirect_dma semaphore(%arg10 : memref<!tpu.dma_semaphore, #tpu.memory_space<semaphore_mem>>) src(%dma_wait3A_838 : memref<100000xf32, #tpu.memory_space<vmem_shared>>) dst(%dma_wait3A_833 : memref<128xf32, #tpu.memory_space<vmem>>)
        %dma_wait3A_839 = arith.constant 12 : i32
        %dma_wait3A_840 = arith.constant 0 : i32
        %dma_wait3A_841 = tpu.memref_slice %arg9[%dma_wait3A_839, %dma_wait3A_840] : memref<64x128xf32, #tpu.memory_space<vmem>> -> memref<1x128xf32, #tpu.memory_space<vmem>>
        %dma_wait3A_842 = tpu.memref_squeeze %dma_wait3A_841 : memref<1x128xf32, #tpu.memory_space<vmem>> -> memref<128xf32, #tpu.memory_space<vmem>>
        %dma_wait3A_843 = arith.constant 1536 : i32
        %dma_wait3A_844 = tpu.memref_slice %arg8[%dma_wait3A_843] : memref<8192xi32, #tpu.memory_space<vmem>> -> memref<128xi32, #tpu.memory_space<vmem>>
        %dma_wait3A_845 = tpu.memref_slice %arg6[%add3A_151] : memref<801280xf32, #tpu.memory_space<vmem_shared>> -> memref<100000xf32, #tpu.memory_space<vmem_shared>>
        %dma_wait3A_846 = arith.constant 0 : i32
        %dma_wait3A_847 = tpu.memref_slice %dma_wait3A_845[%dma_wait3A_846] : memref<100000xf32, #tpu.memory_space<vmem_shared>> -> memref<100000xf32, #tpu.memory_space<vmem_shared>>
        tpu.wait_indirect_dma semaphore(%arg10 : memref<!tpu.dma_semaphore, #tpu.memory_space<semaphore_mem>>) src(%dma_wait3A_847 : memref<100000xf32, #tpu.memory_space<vmem_shared>>) dst(%dma_wait3A_842 : memref<128xf32, #tpu.memory_space<vmem>>)
        %dma_wait3A_848 = arith.constant 13 : i32
        %dma_wait3A_849 = arith.constant 0 : i32
        %dma_wait3A_850 = tpu.memref_slice %arg9[%dma_wait3A_848, %dma_wait3A_849] : memref<64x128xf32, #tpu.memory_space<vmem>> -> memref<1x128xf32, #tpu.memory_space<vmem>>
        %dma_wait3A_851 = tpu.memref_squeeze %dma_wait3A_850 : memref<1x128xf32, #tpu.memory_space<vmem>> -> memref<128xf32, #tpu.memory_space<vmem>>
        %dma_wait3A_852 = arith.constant 1664 : i32
        %dma_wait3A_853 = tpu.memref_slice %arg8[%dma_wait3A_852] : memref<8192xi32, #tpu.memory_space<vmem>> -> memref<128xi32, #tpu.memory_space<vmem>>
        %dma_wait3A_854 = tpu.memref_slice %arg6[%add3A_151] : memref<801280xf32, #tpu.memory_space<vmem_shared>> -> memref<100000xf32, #tpu.memory_space<vmem_shared>>
        %dma_wait3A_855 = arith.constant 0 : i32
        %dma_wait3A_856 = tpu.memref_slice %dma_wait3A_854[%dma_wait3A_855] : memref<100000xf32, #tpu.memory_space<vmem_shared>> -> memref<100000xf32, #tpu.memory_space<vmem_shared>>
        tpu.wait_indirect_dma semaphore(%arg10 : memref<!tpu.dma_semaphore, #tpu.memory_space<semaphore_mem>>) src(%dma_wait3A_856 : memref<100000xf32, #tpu.memory_space<vmem_shared>>) dst(%dma_wait3A_851 : memref<128xf32, #tpu.memory_space<vmem>>)
        %dma_wait3A_857 = arith.constant 14 : i32
        %dma_wait3A_858 = arith.constant 0 : i32
        %dma_wait3A_859 = tpu.memref_slice %arg9[%dma_wait3A_857, %dma_wait3A_858] : memref<64x128xf32, #tpu.memory_space<vmem>> -> memref<1x128xf32, #tpu.memory_space<vmem>>
        %dma_wait3A_860 = tpu.memref_squeeze %dma_wait3A_859 : memref<1x128xf32, #tpu.memory_space<vmem>> -> memref<128xf32, #tpu.memory_space<vmem>>
        %dma_wait3A_861 = arith.constant 1792 : i32
        %dma_wait3A_862 = tpu.memref_slice %arg8[%dma_wait3A_861] : memref<8192xi32, #tpu.memory_space<vmem>> -> memref<128xi32, #tpu.memory_space<vmem>>
        %dma_wait3A_863 = tpu.memref_slice %arg6[%add3A_151] : memref<801280xf32, #tpu.memory_space<vmem_shared>> -> memref<100000xf32, #tpu.memory_space<vmem_shared>>
        %dma_wait3A_864 = arith.constant 0 : i32
        %dma_wait3A_865 = tpu.memref_slice %dma_wait3A_863[%dma_wait3A_864] : memref<100000xf32, #tpu.memory_space<vmem_shared>> -> memref<100000xf32, #tpu.memory_space<vmem_shared>>
        tpu.wait_indirect_dma semaphore(%arg10 : memref<!tpu.dma_semaphore, #tpu.memory_space<semaphore_mem>>) src(%dma_wait3A_865 : memref<100000xf32, #tpu.memory_space<vmem_shared>>) dst(%dma_wait3A_860 : memref<128xf32, #tpu.memory_space<vmem>>)
        %dma_wait3A_866 = arith.constant 15 : i32
        %dma_wait3A_867 = arith.constant 0 : i32
        %dma_wait3A_868 = tpu.memref_slice %arg9[%dma_wait3A_866, %dma_wait3A_867] : memref<64x128xf32, #tpu.memory_space<vmem>> -> memref<1x128xf32, #tpu.memory_space<vmem>>
        %dma_wait3A_869 = tpu.memref_squeeze %dma_wait3A_868 : memref<1x128xf32, #tpu.memory_space<vmem>> -> memref<128xf32, #tpu.memory_space<vmem>>
        %dma_wait3A_870 = arith.constant 1920 : i32
        %dma_wait3A_871 = tpu.memref_slice %arg8[%dma_wait3A_870] : memref<8192xi32, #tpu.memory_space<vmem>> -> memref<128xi32, #tpu.memory_space<vmem>>
        %dma_wait3A_872 = tpu.memref_slice %arg6[%add3A_151] : memref<801280xf32, #tpu.memory_space<vmem_shared>> -> memref<100000xf32, #tpu.memory_space<vmem_shared>>
        %dma_wait3A_873 = arith.constant 0 : i32
        %dma_wait3A_874 = tpu.memref_slice %dma_wait3A_872[%dma_wait3A_873] : memref<100000xf32, #tpu.memory_space<vmem_shared>> -> memref<100000xf32, #tpu.memory_space<vmem_shared>>
        tpu.wait_indirect_dma semaphore(%arg10 : memref<!tpu.dma_semaphore, #tpu.memory_space<semaphore_mem>>) src(%dma_wait3A_874 : memref<100000xf32, #tpu.memory_space<vmem_shared>>) dst(%dma_wait3A_869 : memref<128xf32, #tpu.memory_space<vmem>>)
        %dma_wait3A_875 = arith.constant 16 : i32
        %dma_wait3A_876 = arith.constant 0 : i32
        %dma_wait3A_877 = tpu.memref_slice %arg9[%dma_wait3A_875, %dma_wait3A_876] : memref<64x128xf32, #tpu.memory_space<vmem>> -> memref<1x128xf32, #tpu.memory_space<vmem>>
        %dma_wait3A_878 = tpu.memref_squeeze %dma_wait3A_877 : memref<1x128xf32, #tpu.memory_space<vmem>> -> memref<128xf32, #tpu.memory_space<vmem>>
        %dma_wait3A_879 = arith.constant 2048 : i32
        %dma_wait3A_880 = tpu.memref_slice %arg8[%dma_wait3A_879] : memref<8192xi32, #tpu.memory_space<vmem>> -> memref<128xi32, #tpu.memory_space<vmem>>
        %dma_wait3A_881 = tpu.memref_slice %arg6[%add3A_151] : memref<801280xf32, #tpu.memory_space<vmem_shared>> -> memref<100000xf32, #tpu.memory_space<vmem_shared>>
        %dma_wait3A_882 = arith.constant 0 : i32
        %dma_wait3A_883 = tpu.memref_slice %dma_wait3A_881[%dma_wait3A_882] : memref<100000xf32, #tpu.memory_space<vmem_shared>> -> memref<100000xf32, #tpu.memory_space<vmem_shared>>
        tpu.wait_indirect_dma semaphore(%arg10 : memref<!tpu.dma_semaphore, #tpu.memory_space<semaphore_mem>>) src(%dma_wait3A_883 : memref<100000xf32, #tpu.memory_space<vmem_shared>>) dst(%dma_wait3A_878 : memref<128xf32, #tpu.memory_space<vmem>>)
        %dma_wait3A_884 = arith.constant 17 : i32
        %dma_wait3A_885 = arith.constant 0 : i32
        %dma_wait3A_886 = tpu.memref_slice %arg9[%dma_wait3A_884, %dma_wait3A_885] : memref<64x128xf32, #tpu.memory_space<vmem>> -> memref<1x128xf32, #tpu.memory_space<vmem>>
        %dma_wait3A_887 = tpu.memref_squeeze %dma_wait3A_886 : memref<1x128xf32, #tpu.memory_space<vmem>> -> memref<128xf32, #tpu.memory_space<vmem>>
        %dma_wait3A_888 = arith.constant 2176 : i32
        %dma_wait3A_889 = tpu.memref_slice %arg8[%dma_wait3A_888] : memref<8192xi32, #tpu.memory_space<vmem>> -> memref<128xi32, #tpu.memory_space<vmem>>
        %dma_wait3A_890 = tpu.memref_slice %arg6[%add3A_151] : memref<801280xf32, #tpu.memory_space<vmem_shared>> -> memref<100000xf32, #tpu.memory_space<vmem_shared>>
        %dma_wait3A_891 = arith.constant 0 : i32
        %dma_wait3A_892 = tpu.memref_slice %dma_wait3A_890[%dma_wait3A_891] : memref<100000xf32, #tpu.memory_space<vmem_shared>> -> memref<100000xf32, #tpu.memory_space<vmem_shared>>
        tpu.wait_indirect_dma semaphore(%arg10 : memref<!tpu.dma_semaphore, #tpu.memory_space<semaphore_mem>>) src(%dma_wait3A_892 : memref<100000xf32, #tpu.memory_space<vmem_shared>>) dst(%dma_wait3A_887 : memref<128xf32, #tpu.memory_space<vmem>>)
        %dma_wait3A_893 = arith.constant 18 : i32
        %dma_wait3A_894 = arith.constant 0 : i32
        %dma_wait3A_895 = tpu.memref_slice %arg9[%dma_wait3A_893, %dma_wait3A_894] : memref<64x128xf32, #tpu.memory_space<vmem>> -> memref<1x128xf32, #tpu.memory_space<vmem>>
        %dma_wait3A_896 = tpu.memref_squeeze %dma_wait3A_895 : memref<1x128xf32, #tpu.memory_space<vmem>> -> memref<128xf32, #tpu.memory_space<vmem>>
        %dma_wait3A_897 = arith.constant 2304 : i32
        %dma_wait3A_898 = tpu.memref_slice %arg8[%dma_wait3A_897] : memref<8192xi32, #tpu.memory_space<vmem>> -> memref<128xi32, #tpu.memory_space<vmem>>
        %dma_wait3A_899 = tpu.memref_slice %arg6[%add3A_151] : memref<801280xf32, #tpu.memory_space<vmem_shared>> -> memref<100000xf32, #tpu.memory_space<vmem_shared>>
        %dma_wait3A_900 = arith.constant 0 : i32
        %dma_wait3A_901 = tpu.memref_slice %dma_wait3A_899[%dma_wait3A_900] : memref<100000xf32, #tpu.memory_space<vmem_shared>> -> memref<100000xf32, #tpu.memory_space<vmem_shared>>
        tpu.wait_indirect_dma semaphore(%arg10 : memref<!tpu.dma_semaphore, #tpu.memory_space<semaphore_mem>>) src(%dma_wait3A_901 : memref<100000xf32, #tpu.memory_space<vmem_shared>>) dst(%dma_wait3A_896 : memref<128xf32, #tpu.memory_space<vmem>>)
        %dma_wait3A_902 = arith.constant 19 : i32
        %dma_wait3A_903 = arith.constant 0 : i32
        %dma_wait3A_904 = tpu.memref_slice %arg9[%dma_wait3A_902, %dma_wait3A_903] : memref<64x128xf32, #tpu.memory_space<vmem>> -> memref<1x128xf32, #tpu.memory_space<vmem>>
        %dma_wait3A_905 = tpu.memref_squeeze %dma_wait3A_904 : memref<1x128xf32, #tpu.memory_space<vmem>> -> memref<128xf32, #tpu.memory_space<vmem>>
        %dma_wait3A_906 = arith.constant 2432 : i32
        %dma_wait3A_907 = tpu.memref_slice %arg8[%dma_wait3A_906] : memref<8192xi32, #tpu.memory_space<vmem>> -> memref<128xi32, #tpu.memory_space<vmem>>
        %dma_wait3A_908 = tpu.memref_slice %arg6[%add3A_151] : memref<801280xf32, #tpu.memory_space<vmem_shared>> -> memref<100000xf32, #tpu.memory_space<vmem_shared>>
        %dma_wait3A_909 = arith.constant 0 : i32
        %dma_wait3A_910 = tpu.memref_slice %dma_wait3A_908[%dma_wait3A_909] : memref<100000xf32, #tpu.memory_space<vmem_shared>> -> memref<100000xf32, #tpu.memory_space<vmem_shared>>
        tpu.wait_indirect_dma semaphore(%arg10 : memref<!tpu.dma_semaphore, #tpu.memory_space<semaphore_mem>>) src(%dma_wait3A_910 : memref<100000xf32, #tpu.memory_space<vmem_shared>>) dst(%dma_wait3A_905 : memref<128xf32, #tpu.memory_space<vmem>>)
        %dma_wait3A_911 = arith.constant 20 : i32
        %dma_wait3A_912 = arith.constant 0 : i32
        %dma_wait3A_913 = tpu.memref_slice %arg9[%dma_wait3A_911, %dma_wait3A_912] : memref<64x128xf32, #tpu.memory_space<vmem>> -> memref<1x128xf32, #tpu.memory_space<vmem>>
        %dma_wait3A_914 = tpu.memref_squeeze %dma_wait3A_913 : memref<1x128xf32, #tpu.memory_space<vmem>> -> memref<128xf32, #tpu.memory_space<vmem>>
        %dma_wait3A_915 = arith.constant 2560 : i32
        %dma_wait3A_916 = tpu.memref_slice %arg8[%dma_wait3A_915] : memref<8192xi32, #tpu.memory_space<vmem>> -> memref<128xi32, #tpu.memory_space<vmem>>
        %dma_wait3A_917 = tpu.memref_slice %arg6[%add3A_151] : memref<801280xf32, #tpu.memory_space<vmem_shared>> -> memref<100000xf32, #tpu.memory_space<vmem_shared>>
        %dma_wait3A_918 = arith.constant 0 : i32
        %dma_wait3A_919 = tpu.memref_slice %dma_wait3A_917[%dma_wait3A_918] : memref<100000xf32, #tpu.memory_space<vmem_shared>> -> memref<100000xf32, #tpu.memory_space<vmem_shared>>
        tpu.wait_indirect_dma semaphore(%arg10 : memref<!tpu.dma_semaphore, #tpu.memory_space<semaphore_mem>>) src(%dma_wait3A_919 : memref<100000xf32, #tpu.memory_space<vmem_shared>>) dst(%dma_wait3A_914 : memref<128xf32, #tpu.memory_space<vmem>>)
        %dma_wait3A_920 = arith.constant 21 : i32
        %dma_wait3A_921 = arith.constant 0 : i32
        %dma_wait3A_922 = tpu.memref_slice %arg9[%dma_wait3A_920, %dma_wait3A_921] : memref<64x128xf32, #tpu.memory_space<vmem>> -> memref<1x128xf32, #tpu.memory_space<vmem>>
        %dma_wait3A_923 = tpu.memref_squeeze %dma_wait3A_922 : memref<1x128xf32, #tpu.memory_space<vmem>> -> memref<128xf32, #tpu.memory_space<vmem>>
        %dma_wait3A_924 = arith.constant 2688 : i32
        %dma_wait3A_925 = tpu.memref_slice %arg8[%dma_wait3A_924] : memref<8192xi32, #tpu.memory_space<vmem>> -> memref<128xi32, #tpu.memory_space<vmem>>
        %dma_wait3A_926 = tpu.memref_slice %arg6[%add3A_151] : memref<801280xf32, #tpu.memory_space<vmem_shared>> -> memref<100000xf32, #tpu.memory_space<vmem_shared>>
        %dma_wait3A_927 = arith.constant 0 : i32
        %dma_wait3A_928 = tpu.memref_slice %dma_wait3A_926[%dma_wait3A_927] : memref<100000xf32, #tpu.memory_space<vmem_shared>> -> memref<100000xf32, #tpu.memory_space<vmem_shared>>
        tpu.wait_indirect_dma semaphore(%arg10 : memref<!tpu.dma_semaphore, #tpu.memory_space<semaphore_mem>>) src(%dma_wait3A_928 : memref<100000xf32, #tpu.memory_space<vmem_shared>>) dst(%dma_wait3A_923 : memref<128xf32, #tpu.memory_space<vmem>>)
        %dma_wait3A_929 = arith.constant 22 : i32
        %dma_wait3A_930 = arith.constant 0 : i32
        %dma_wait3A_931 = tpu.memref_slice %arg9[%dma_wait3A_929, %dma_wait3A_930] : memref<64x128xf32, #tpu.memory_space<vmem>> -> memref<1x128xf32, #tpu.memory_space<vmem>>
        %dma_wait3A_932 = tpu.memref_squeeze %dma_wait3A_931 : memref<1x128xf32, #tpu.memory_space<vmem>> -> memref<128xf32, #tpu.memory_space<vmem>>
        %dma_wait3A_933 = arith.constant 2816 : i32
        %dma_wait3A_934 = tpu.memref_slice %arg8[%dma_wait3A_933] : memref<8192xi32, #tpu.memory_space<vmem>> -> memref<128xi32, #tpu.memory_space<vmem>>
        %dma_wait3A_935 = tpu.memref_slice %arg6[%add3A_151] : memref<801280xf32, #tpu.memory_space<vmem_shared>> -> memref<100000xf32, #tpu.memory_space<vmem_shared>>
        %dma_wait3A_936 = arith.constant 0 : i32
        %dma_wait3A_937 = tpu.memref_slice %dma_wait3A_935[%dma_wait3A_936] : memref<100000xf32, #tpu.memory_space<vmem_shared>> -> memref<100000xf32, #tpu.memory_space<vmem_shared>>
        tpu.wait_indirect_dma semaphore(%arg10 : memref<!tpu.dma_semaphore, #tpu.memory_space<semaphore_mem>>) src(%dma_wait3A_937 : memref<100000xf32, #tpu.memory_space<vmem_shared>>) dst(%dma_wait3A_932 : memref<128xf32, #tpu.memory_space<vmem>>)
        %dma_wait3A_938 = arith.constant 23 : i32
        %dma_wait3A_939 = arith.constant 0 : i32
        %dma_wait3A_940 = tpu.memref_slice %arg9[%dma_wait3A_938, %dma_wait3A_939] : memref<64x128xf32, #tpu.memory_space<vmem>> -> memref<1x128xf32, #tpu.memory_space<vmem>>
        %dma_wait3A_941 = tpu.memref_squeeze %dma_wait3A_940 : memref<1x128xf32, #tpu.memory_space<vmem>> -> memref<128xf32, #tpu.memory_space<vmem>>
        %dma_wait3A_942 = arith.constant 2944 : i32
        %dma_wait3A_943 = tpu.memref_slice %arg8[%dma_wait3A_942] : memref<8192xi32, #tpu.memory_space<vmem>> -> memref<128xi32, #tpu.memory_space<vmem>>
        %dma_wait3A_944 = tpu.memref_slice %arg6[%add3A_151] : memref<801280xf32, #tpu.memory_space<vmem_shared>> -> memref<100000xf32, #tpu.memory_space<vmem_shared>>
        %dma_wait3A_945 = arith.constant 0 : i32
        %dma_wait3A_946 = tpu.memref_slice %dma_wait3A_944[%dma_wait3A_945] : memref<100000xf32, #tpu.memory_space<vmem_shared>> -> memref<100000xf32, #tpu.memory_space<vmem_shared>>
        tpu.wait_indirect_dma semaphore(%arg10 : memref<!tpu.dma_semaphore, #tpu.memory_space<semaphore_mem>>) src(%dma_wait3A_946 : memref<100000xf32, #tpu.memory_space<vmem_shared>>) dst(%dma_wait3A_941 : memref<128xf32, #tpu.memory_space<vmem>>)
        %dma_wait3A_947 = arith.constant 24 : i32
        %dma_wait3A_948 = arith.constant 0 : i32
        %dma_wait3A_949 = tpu.memref_slice %arg9[%dma_wait3A_947, %dma_wait3A_948] : memref<64x128xf32, #tpu.memory_space<vmem>> -> memref<1x128xf32, #tpu.memory_space<vmem>>
        %dma_wait3A_950 = tpu.memref_squeeze %dma_wait3A_949 : memref<1x128xf32, #tpu.memory_space<vmem>> -> memref<128xf32, #tpu.memory_space<vmem>>
        %dma_wait3A_951 = arith.constant 3072 : i32
        %dma_wait3A_952 = tpu.memref_slice %arg8[%dma_wait3A_951] : memref<8192xi32, #tpu.memory_space<vmem>> -> memref<128xi32, #tpu.memory_space<vmem>>
        %dma_wait3A_953 = tpu.memref_slice %arg6[%add3A_151] : memref<801280xf32, #tpu.memory_space<vmem_shared>> -> memref<100000xf32, #tpu.memory_space<vmem_shared>>
        %dma_wait3A_954 = arith.constant 0 : i32
        %dma_wait3A_955 = tpu.memref_slice %dma_wait3A_953[%dma_wait3A_954] : memref<100000xf32, #tpu.memory_space<vmem_shared>> -> memref<100000xf32, #tpu.memory_space<vmem_shared>>
        tpu.wait_indirect_dma semaphore(%arg10 : memref<!tpu.dma_semaphore, #tpu.memory_space<semaphore_mem>>) src(%dma_wait3A_955 : memref<100000xf32, #tpu.memory_space<vmem_shared>>) dst(%dma_wait3A_950 : memref<128xf32, #tpu.memory_space<vmem>>)
        %dma_wait3A_956 = arith.constant 25 : i32
        %dma_wait3A_957 = arith.constant 0 : i32
        %dma_wait3A_958 = tpu.memref_slice %arg9[%dma_wait3A_956, %dma_wait3A_957] : memref<64x128xf32, #tpu.memory_space<vmem>> -> memref<1x128xf32, #tpu.memory_space<vmem>>
        %dma_wait3A_959 = tpu.memref_squeeze %dma_wait3A_958 : memref<1x128xf32, #tpu.memory_space<vmem>> -> memref<128xf32, #tpu.memory_space<vmem>>
        %dma_wait3A_960 = arith.constant 3200 : i32
        %dma_wait3A_961 = tpu.memref_slice %arg8[%dma_wait3A_960] : memref<8192xi32, #tpu.memory_space<vmem>> -> memref<128xi32, #tpu.memory_space<vmem>>
        %dma_wait3A_962 = tpu.memref_slice %arg6[%add3A_151] : memref<801280xf32, #tpu.memory_space<vmem_shared>> -> memref<100000xf32, #tpu.memory_space<vmem_shared>>
        %dma_wait3A_963 = arith.constant 0 : i32
        %dma_wait3A_964 = tpu.memref_slice %dma_wait3A_962[%dma_wait3A_963] : memref<100000xf32, #tpu.memory_space<vmem_shared>> -> memref<100000xf32, #tpu.memory_space<vmem_shared>>
        tpu.wait_indirect_dma semaphore(%arg10 : memref<!tpu.dma_semaphore, #tpu.memory_space<semaphore_mem>>) src(%dma_wait3A_964 : memref<100000xf32, #tpu.memory_space<vmem_shared>>) dst(%dma_wait3A_959 : memref<128xf32, #tpu.memory_space<vmem>>)
        %dma_wait3A_965 = arith.constant 26 : i32
        %dma_wait3A_966 = arith.constant 0 : i32
        %dma_wait3A_967 = tpu.memref_slice %arg9[%dma_wait3A_965, %dma_wait3A_966] : memref<64x128xf32, #tpu.memory_space<vmem>> -> memref<1x128xf32, #tpu.memory_space<vmem>>
        %dma_wait3A_968 = tpu.memref_squeeze %dma_wait3A_967 : memref<1x128xf32, #tpu.memory_space<vmem>> -> memref<128xf32, #tpu.memory_space<vmem>>
        %dma_wait3A_969 = arith.constant 3328 : i32
        %dma_wait3A_970 = tpu.memref_slice %arg8[%dma_wait3A_969] : memref<8192xi32, #tpu.memory_space<vmem>> -> memref<128xi32, #tpu.memory_space<vmem>>
        %dma_wait3A_971 = tpu.memref_slice %arg6[%add3A_151] : memref<801280xf32, #tpu.memory_space<vmem_shared>> -> memref<100000xf32, #tpu.memory_space<vmem_shared>>
        %dma_wait3A_972 = arith.constant 0 : i32
        %dma_wait3A_973 = tpu.memref_slice %dma_wait3A_971[%dma_wait3A_972] : memref<100000xf32, #tpu.memory_space<vmem_shared>> -> memref<100000xf32, #tpu.memory_space<vmem_shared>>
        tpu.wait_indirect_dma semaphore(%arg10 : memref<!tpu.dma_semaphore, #tpu.memory_space<semaphore_mem>>) src(%dma_wait3A_973 : memref<100000xf32, #tpu.memory_space<vmem_shared>>) dst(%dma_wait3A_968 : memref<128xf32, #tpu.memory_space<vmem>>)
        %dma_wait3A_974 = arith.constant 27 : i32
        %dma_wait3A_975 = arith.constant 0 : i32
        %dma_wait3A_976 = tpu.memref_slice %arg9[%dma_wait3A_974, %dma_wait3A_975] : memref<64x128xf32, #tpu.memory_space<vmem>> -> memref<1x128xf32, #tpu.memory_space<vmem>>
        %dma_wait3A_977 = tpu.memref_squeeze %dma_wait3A_976 : memref<1x128xf32, #tpu.memory_space<vmem>> -> memref<128xf32, #tpu.memory_space<vmem>>
        %dma_wait3A_978 = arith.constant 3456 : i32
        %dma_wait3A_979 = tpu.memref_slice %arg8[%dma_wait3A_978] : memref<8192xi32, #tpu.memory_space<vmem>> -> memref<128xi32, #tpu.memory_space<vmem>>
        %dma_wait3A_980 = tpu.memref_slice %arg6[%add3A_151] : memref<801280xf32, #tpu.memory_space<vmem_shared>> -> memref<100000xf32, #tpu.memory_space<vmem_shared>>
        %dma_wait3A_981 = arith.constant 0 : i32
        %dma_wait3A_982 = tpu.memref_slice %dma_wait3A_980[%dma_wait3A_981] : memref<100000xf32, #tpu.memory_space<vmem_shared>> -> memref<100000xf32, #tpu.memory_space<vmem_shared>>
        tpu.wait_indirect_dma semaphore(%arg10 : memref<!tpu.dma_semaphore, #tpu.memory_space<semaphore_mem>>) src(%dma_wait3A_982 : memref<100000xf32, #tpu.memory_space<vmem_shared>>) dst(%dma_wait3A_977 : memref<128xf32, #tpu.memory_space<vmem>>)
        %dma_wait3A_983 = arith.constant 28 : i32
        %dma_wait3A_984 = arith.constant 0 : i32
        %dma_wait3A_985 = tpu.memref_slice %arg9[%dma_wait3A_983, %dma_wait3A_984] : memref<64x128xf32, #tpu.memory_space<vmem>> -> memref<1x128xf32, #tpu.memory_space<vmem>>
        %dma_wait3A_986 = tpu.memref_squeeze %dma_wait3A_985 : memref<1x128xf32, #tpu.memory_space<vmem>> -> memref<128xf32, #tpu.memory_space<vmem>>
        %dma_wait3A_987 = arith.constant 3584 : i32
        %dma_wait3A_988 = tpu.memref_slice %arg8[%dma_wait3A_987] : memref<8192xi32, #tpu.memory_space<vmem>> -> memref<128xi32, #tpu.memory_space<vmem>>
        %dma_wait3A_989 = tpu.memref_slice %arg6[%add3A_151] : memref<801280xf32, #tpu.memory_space<vmem_shared>> -> memref<100000xf32, #tpu.memory_space<vmem_shared>>
        %dma_wait3A_990 = arith.constant 0 : i32
        %dma_wait3A_991 = tpu.memref_slice %dma_wait3A_989[%dma_wait3A_990] : memref<100000xf32, #tpu.memory_space<vmem_shared>> -> memref<100000xf32, #tpu.memory_space<vmem_shared>>
        tpu.wait_indirect_dma semaphore(%arg10 : memref<!tpu.dma_semaphore, #tpu.memory_space<semaphore_mem>>) src(%dma_wait3A_991 : memref<100000xf32, #tpu.memory_space<vmem_shared>>) dst(%dma_wait3A_986 : memref<128xf32, #tpu.memory_space<vmem>>)
        %dma_wait3A_992 = arith.constant 29 : i32
        %dma_wait3A_993 = arith.constant 0 : i32
        %dma_wait3A_994 = tpu.memref_slice %arg9[%dma_wait3A_992, %dma_wait3A_993] : memref<64x128xf32, #tpu.memory_space<vmem>> -> memref<1x128xf32, #tpu.memory_space<vmem>>
        %dma_wait3A_995 = tpu.memref_squeeze %dma_wait3A_994 : memref<1x128xf32, #tpu.memory_space<vmem>> -> memref<128xf32, #tpu.memory_space<vmem>>
        %dma_wait3A_996 = arith.constant 3712 : i32
        %dma_wait3A_997 = tpu.memref_slice %arg8[%dma_wait3A_996] : memref<8192xi32, #tpu.memory_space<vmem>> -> memref<128xi32, #tpu.memory_space<vmem>>
        %dma_wait3A_998 = tpu.memref_slice %arg6[%add3A_151] : memref<801280xf32, #tpu.memory_space<vmem_shared>> -> memref<100000xf32, #tpu.memory_space<vmem_shared>>
        %dma_wait3A_999 = arith.constant 0 : i32
        %dma_wait3A_1000 = tpu.memref_slice %dma_wait3A_998[%dma_wait3A_999] : memref<100000xf32, #tpu.memory_space<vmem_shared>> -> memref<100000xf32, #tpu.memory_space<vmem_shared>>
        tpu.wait_indirect_dma semaphore(%arg10 : memref<!tpu.dma_semaphore, #tpu.memory_space<semaphore_mem>>) src(%dma_wait3A_1000 : memref<100000xf32, #tpu.memory_space<vmem_shared>>) dst(%dma_wait3A_995 : memref<128xf32, #tpu.memory_space<vmem>>)
        %dma_wait3A_1001 = arith.constant 30 : i32
        %dma_wait3A_1002 = arith.constant 0 : i32
        %dma_wait3A_1003 = tpu.memref_slice %arg9[%dma_wait3A_1001, %dma_wait3A_1002] : memref<64x128xf32, #tpu.memory_space<vmem>> -> memref<1x128xf32, #tpu.memory_space<vmem>>
        %dma_wait3A_1004 = tpu.memref_squeeze %dma_wait3A_1003 : memref<1x128xf32, #tpu.memory_space<vmem>> -> memref<128xf32, #tpu.memory_space<vmem>>
        %dma_wait3A_1005 = arith.constant 3840 : i32
        %dma_wait3A_1006 = tpu.memref_slice %arg8[%dma_wait3A_1005] : memref<8192xi32, #tpu.memory_space<vmem>> -> memref<128xi32, #tpu.memory_space<vmem>>
        %dma_wait3A_1007 = tpu.memref_slice %arg6[%add3A_151] : memref<801280xf32, #tpu.memory_space<vmem_shared>> -> memref<100000xf32, #tpu.memory_space<vmem_shared>>
        %dma_wait3A_1008 = arith.constant 0 : i32
        %dma_wait3A_1009 = tpu.memref_slice %dma_wait3A_1007[%dma_wait3A_1008] : memref<100000xf32, #tpu.memory_space<vmem_shared>> -> memref<100000xf32, #tpu.memory_space<vmem_shared>>
        tpu.wait_indirect_dma semaphore(%arg10 : memref<!tpu.dma_semaphore, #tpu.memory_space<semaphore_mem>>) src(%dma_wait3A_1009 : memref<100000xf32, #tpu.memory_space<vmem_shared>>) dst(%dma_wait3A_1004 : memref<128xf32, #tpu.memory_space<vmem>>)
        %dma_wait3A_1010 = arith.constant 31 : i32
        %dma_wait3A_1011 = arith.constant 0 : i32
        %dma_wait3A_1012 = tpu.memref_slice %arg9[%dma_wait3A_1010, %dma_wait3A_1011] : memref<64x128xf32, #tpu.memory_space<vmem>> -> memref<1x128xf32, #tpu.memory_space<vmem>>
        %dma_wait3A_1013 = tpu.memref_squeeze %dma_wait3A_1012 : memref<1x128xf32, #tpu.memory_space<vmem>> -> memref<128xf32, #tpu.memory_space<vmem>>
        %dma_wait3A_1014 = arith.constant 3968 : i32
        %dma_wait3A_1015 = tpu.memref_slice %arg8[%dma_wait3A_1014] : memref<8192xi32, #tpu.memory_space<vmem>> -> memref<128xi32, #tpu.memory_space<vmem>>
        %dma_wait3A_1016 = tpu.memref_slice %arg6[%add3A_151] : memref<801280xf32, #tpu.memory_space<vmem_shared>> -> memref<100000xf32, #tpu.memory_space<vmem_shared>>
        %dma_wait3A_1017 = arith.constant 0 : i32
        %dma_wait3A_1018 = tpu.memref_slice %dma_wait3A_1016[%dma_wait3A_1017] : memref<100000xf32, #tpu.memory_space<vmem_shared>> -> memref<100000xf32, #tpu.memory_space<vmem_shared>>
        tpu.wait_indirect_dma semaphore(%arg10 : memref<!tpu.dma_semaphore, #tpu.memory_space<semaphore_mem>>) src(%dma_wait3A_1018 : memref<100000xf32, #tpu.memory_space<vmem_shared>>) dst(%dma_wait3A_1013 : memref<128xf32, #tpu.memory_space<vmem>>)
        %dma_wait3A_1019 = arith.constant 32 : i32
        %dma_wait3A_1020 = arith.constant 0 : i32
        %dma_wait3A_1021 = tpu.memref_slice %arg9[%dma_wait3A_1019, %dma_wait3A_1020] : memref<64x128xf32, #tpu.memory_space<vmem>> -> memref<1x128xf32, #tpu.memory_space<vmem>>
        %dma_wait3A_1022 = tpu.memref_squeeze %dma_wait3A_1021 : memref<1x128xf32, #tpu.memory_space<vmem>> -> memref<128xf32, #tpu.memory_space<vmem>>
        %dma_wait3A_1023 = arith.constant 4096 : i32
        %dma_wait3A_1024 = tpu.memref_slice %arg8[%dma_wait3A_1023] : memref<8192xi32, #tpu.memory_space<vmem>> -> memref<128xi32, #tpu.memory_space<vmem>>
        %dma_wait3A_1025 = tpu.memref_slice %arg6[%add3A_151] : memref<801280xf32, #tpu.memory_space<vmem_shared>> -> memref<100000xf32, #tpu.memory_space<vmem_shared>>
        %dma_wait3A_1026 = arith.constant 0 : i32
        %dma_wait3A_1027 = tpu.memref_slice %dma_wait3A_1025[%dma_wait3A_1026] : memref<100000xf32, #tpu.memory_space<vmem_shared>> -> memref<100000xf32, #tpu.memory_space<vmem_shared>>
        tpu.wait_indirect_dma semaphore(%arg10 : memref<!tpu.dma_semaphore, #tpu.memory_space<semaphore_mem>>) src(%dma_wait3A_1027 : memref<100000xf32, #tpu.memory_space<vmem_shared>>) dst(%dma_wait3A_1022 : memref<128xf32, #tpu.memory_space<vmem>>)
        %dma_wait3A_1028 = arith.constant 33 : i32
        %dma_wait3A_1029 = arith.constant 0 : i32
        %dma_wait3A_1030 = tpu.memref_slice %arg9[%dma_wait3A_1028, %dma_wait3A_1029] : memref<64x128xf32, #tpu.memory_space<vmem>> -> memref<1x128xf32, #tpu.memory_space<vmem>>
        %dma_wait3A_1031 = tpu.memref_squeeze %dma_wait3A_1030 : memref<1x128xf32, #tpu.memory_space<vmem>> -> memref<128xf32, #tpu.memory_space<vmem>>
        %dma_wait3A_1032 = arith.constant 4224 : i32
        %dma_wait3A_1033 = tpu.memref_slice %arg8[%dma_wait3A_1032] : memref<8192xi32, #tpu.memory_space<vmem>> -> memref<128xi32, #tpu.memory_space<vmem>>
        %dma_wait3A_1034 = tpu.memref_slice %arg6[%add3A_151] : memref<801280xf32, #tpu.memory_space<vmem_shared>> -> memref<100000xf32, #tpu.memory_space<vmem_shared>>
        %dma_wait3A_1035 = arith.constant 0 : i32
        %dma_wait3A_1036 = tpu.memref_slice %dma_wait3A_1034[%dma_wait3A_1035] : memref<100000xf32, #tpu.memory_space<vmem_shared>> -> memref<100000xf32, #tpu.memory_space<vmem_shared>>
        tpu.wait_indirect_dma semaphore(%arg10 : memref<!tpu.dma_semaphore, #tpu.memory_space<semaphore_mem>>) src(%dma_wait3A_1036 : memref<100000xf32, #tpu.memory_space<vmem_shared>>) dst(%dma_wait3A_1031 : memref<128xf32, #tpu.memory_space<vmem>>)
        %dma_wait3A_1037 = arith.constant 34 : i32
        %dma_wait3A_1038 = arith.constant 0 : i32
        %dma_wait3A_1039 = tpu.memref_slice %arg9[%dma_wait3A_1037, %dma_wait3A_1038] : memref<64x128xf32, #tpu.memory_space<vmem>> -> memref<1x128xf32, #tpu.memory_space<vmem>>
        %dma_wait3A_1040 = tpu.memref_squeeze %dma_wait3A_1039 : memref<1x128xf32, #tpu.memory_space<vmem>> -> memref<128xf32, #tpu.memory_space<vmem>>
        %dma_wait3A_1041 = arith.constant 4352 : i32
        %dma_wait3A_1042 = tpu.memref_slice %arg8[%dma_wait3A_1041] : memref<8192xi32, #tpu.memory_space<vmem>> -> memref<128xi32, #tpu.memory_space<vmem>>
        %dma_wait3A_1043 = tpu.memref_slice %arg6[%add3A_151] : memref<801280xf32, #tpu.memory_space<vmem_shared>> -> memref<100000xf32, #tpu.memory_space<vmem_shared>>
        %dma_wait3A_1044 = arith.constant 0 : i32
        %dma_wait3A_1045 = tpu.memref_slice %dma_wait3A_1043[%dma_wait3A_1044] : memref<100000xf32, #tpu.memory_space<vmem_shared>> -> memref<100000xf32, #tpu.memory_space<vmem_shared>>
        tpu.wait_indirect_dma semaphore(%arg10 : memref<!tpu.dma_semaphore, #tpu.memory_space<semaphore_mem>>) src(%dma_wait3A_1045 : memref<100000xf32, #tpu.memory_space<vmem_shared>>) dst(%dma_wait3A_1040 : memref<128xf32, #tpu.memory_space<vmem>>)
        %dma_wait3A_1046 = arith.constant 35 : i32
        %dma_wait3A_1047 = arith.constant 0 : i32
        %dma_wait3A_1048 = tpu.memref_slice %arg9[%dma_wait3A_1046, %dma_wait3A_1047] : memref<64x128xf32, #tpu.memory_space<vmem>> -> memref<1x128xf32, #tpu.memory_space<vmem>>
        %dma_wait3A_1049 = tpu.memref_squeeze %dma_wait3A_1048 : memref<1x128xf32, #tpu.memory_space<vmem>> -> memref<128xf32, #tpu.memory_space<vmem>>
        %dma_wait3A_1050 = arith.constant 4480 : i32
        %dma_wait3A_1051 = tpu.memref_slice %arg8[%dma_wait3A_1050] : memref<8192xi32, #tpu.memory_space<vmem>> -> memref<128xi32, #tpu.memory_space<vmem>>
        %dma_wait3A_1052 = tpu.memref_slice %arg6[%add3A_151] : memref<801280xf32, #tpu.memory_space<vmem_shared>> -> memref<100000xf32, #tpu.memory_space<vmem_shared>>
        %dma_wait3A_1053 = arith.constant 0 : i32
        %dma_wait3A_1054 = tpu.memref_slice %dma_wait3A_1052[%dma_wait3A_1053] : memref<100000xf32, #tpu.memory_space<vmem_shared>> -> memref<100000xf32, #tpu.memory_space<vmem_shared>>
        tpu.wait_indirect_dma semaphore(%arg10 : memref<!tpu.dma_semaphore, #tpu.memory_space<semaphore_mem>>) src(%dma_wait3A_1054 : memref<100000xf32, #tpu.memory_space<vmem_shared>>) dst(%dma_wait3A_1049 : memref<128xf32, #tpu.memory_space<vmem>>)
        %dma_wait3A_1055 = arith.constant 36 : i32
        %dma_wait3A_1056 = arith.constant 0 : i32
        %dma_wait3A_1057 = tpu.memref_slice %arg9[%dma_wait3A_1055, %dma_wait3A_1056] : memref<64x128xf32, #tpu.memory_space<vmem>> -> memref<1x128xf32, #tpu.memory_space<vmem>>
        %dma_wait3A_1058 = tpu.memref_squeeze %dma_wait3A_1057 : memref<1x128xf32, #tpu.memory_space<vmem>> -> memref<128xf32, #tpu.memory_space<vmem>>
        %dma_wait3A_1059 = arith.constant 4608 : i32
        %dma_wait3A_1060 = tpu.memref_slice %arg8[%dma_wait3A_1059] : memref<8192xi32, #tpu.memory_space<vmem>> -> memref<128xi32, #tpu.memory_space<vmem>>
        %dma_wait3A_1061 = tpu.memref_slice %arg6[%add3A_151] : memref<801280xf32, #tpu.memory_space<vmem_shared>> -> memref<100000xf32, #tpu.memory_space<vmem_shared>>
        %dma_wait3A_1062 = arith.constant 0 : i32
        %dma_wait3A_1063 = tpu.memref_slice %dma_wait3A_1061[%dma_wait3A_1062] : memref<100000xf32, #tpu.memory_space<vmem_shared>> -> memref<100000xf32, #tpu.memory_space<vmem_shared>>
        tpu.wait_indirect_dma semaphore(%arg10 : memref<!tpu.dma_semaphore, #tpu.memory_space<semaphore_mem>>) src(%dma_wait3A_1063 : memref<100000xf32, #tpu.memory_space<vmem_shared>>) dst(%dma_wait3A_1058 : memref<128xf32, #tpu.memory_space<vmem>>)
        %dma_wait3A_1064 = arith.constant 37 : i32
        %dma_wait3A_1065 = arith.constant 0 : i32
        %dma_wait3A_1066 = tpu.memref_slice %arg9[%dma_wait3A_1064, %dma_wait3A_1065] : memref<64x128xf32, #tpu.memory_space<vmem>> -> memref<1x128xf32, #tpu.memory_space<vmem>>
        %dma_wait3A_1067 = tpu.memref_squeeze %dma_wait3A_1066 : memref<1x128xf32, #tpu.memory_space<vmem>> -> memref<128xf32, #tpu.memory_space<vmem>>
        %dma_wait3A_1068 = arith.constant 4736 : i32
        %dma_wait3A_1069 = tpu.memref_slice %arg8[%dma_wait3A_1068] : memref<8192xi32, #tpu.memory_space<vmem>> -> memref<128xi32, #tpu.memory_space<vmem>>
        %dma_wait3A_1070 = tpu.memref_slice %arg6[%add3A_151] : memref<801280xf32, #tpu.memory_space<vmem_shared>> -> memref<100000xf32, #tpu.memory_space<vmem_shared>>
        %dma_wait3A_1071 = arith.constant 0 : i32
        %dma_wait3A_1072 = tpu.memref_slice %dma_wait3A_1070[%dma_wait3A_1071] : memref<100000xf32, #tpu.memory_space<vmem_shared>> -> memref<100000xf32, #tpu.memory_space<vmem_shared>>
        tpu.wait_indirect_dma semaphore(%arg10 : memref<!tpu.dma_semaphore, #tpu.memory_space<semaphore_mem>>) src(%dma_wait3A_1072 : memref<100000xf32, #tpu.memory_space<vmem_shared>>) dst(%dma_wait3A_1067 : memref<128xf32, #tpu.memory_space<vmem>>)
        %dma_wait3A_1073 = arith.constant 38 : i32
        %dma_wait3A_1074 = arith.constant 0 : i32
        %dma_wait3A_1075 = tpu.memref_slice %arg9[%dma_wait3A_1073, %dma_wait3A_1074] : memref<64x128xf32, #tpu.memory_space<vmem>> -> memref<1x128xf32, #tpu.memory_space<vmem>>
        %dma_wait3A_1076 = tpu.memref_squeeze %dma_wait3A_1075 : memref<1x128xf32, #tpu.memory_space<vmem>> -> memref<128xf32, #tpu.memory_space<vmem>>
        %dma_wait3A_1077 = arith.constant 4864 : i32
        %dma_wait3A_1078 = tpu.memref_slice %arg8[%dma_wait3A_1077] : memref<8192xi32, #tpu.memory_space<vmem>> -> memref<128xi32, #tpu.memory_space<vmem>>
        %dma_wait3A_1079 = tpu.memref_slice %arg6[%add3A_151] : memref<801280xf32, #tpu.memory_space<vmem_shared>> -> memref<100000xf32, #tpu.memory_space<vmem_shared>>
        %dma_wait3A_1080 = arith.constant 0 : i32
        %dma_wait3A_1081 = tpu.memref_slice %dma_wait3A_1079[%dma_wait3A_1080] : memref<100000xf32, #tpu.memory_space<vmem_shared>> -> memref<100000xf32, #tpu.memory_space<vmem_shared>>
        tpu.wait_indirect_dma semaphore(%arg10 : memref<!tpu.dma_semaphore, #tpu.memory_space<semaphore_mem>>) src(%dma_wait3A_1081 : memref<100000xf32, #tpu.memory_space<vmem_shared>>) dst(%dma_wait3A_1076 : memref<128xf32, #tpu.memory_space<vmem>>)
        %dma_wait3A_1082 = arith.constant 39 : i32
        %dma_wait3A_1083 = arith.constant 0 : i32
        %dma_wait3A_1084 = tpu.memref_slice %arg9[%dma_wait3A_1082, %dma_wait3A_1083] : memref<64x128xf32, #tpu.memory_space<vmem>> -> memref<1x128xf32, #tpu.memory_space<vmem>>
        %dma_wait3A_1085 = tpu.memref_squeeze %dma_wait3A_1084 : memref<1x128xf32, #tpu.memory_space<vmem>> -> memref<128xf32, #tpu.memory_space<vmem>>
        %dma_wait3A_1086 = arith.constant 4992 : i32
        %dma_wait3A_1087 = tpu.memref_slice %arg8[%dma_wait3A_1086] : memref<8192xi32, #tpu.memory_space<vmem>> -> memref<128xi32, #tpu.memory_space<vmem>>
        %dma_wait3A_1088 = tpu.memref_slice %arg6[%add3A_151] : memref<801280xf32, #tpu.memory_space<vmem_shared>> -> memref<100000xf32, #tpu.memory_space<vmem_shared>>
        %dma_wait3A_1089 = arith.constant 0 : i32
        %dma_wait3A_1090 = tpu.memref_slice %dma_wait3A_1088[%dma_wait3A_1089] : memref<100000xf32, #tpu.memory_space<vmem_shared>> -> memref<100000xf32, #tpu.memory_space<vmem_shared>>
        tpu.wait_indirect_dma semaphore(%arg10 : memref<!tpu.dma_semaphore, #tpu.memory_space<semaphore_mem>>) src(%dma_wait3A_1090 : memref<100000xf32, #tpu.memory_space<vmem_shared>>) dst(%dma_wait3A_1085 : memref<128xf32, #tpu.memory_space<vmem>>)
        %dma_wait3A_1091 = arith.constant 40 : i32
        %dma_wait3A_1092 = arith.constant 0 : i32
        %dma_wait3A_1093 = tpu.memref_slice %arg9[%dma_wait3A_1091, %dma_wait3A_1092] : memref<64x128xf32, #tpu.memory_space<vmem>> -> memref<1x128xf32, #tpu.memory_space<vmem>>
        %dma_wait3A_1094 = tpu.memref_squeeze %dma_wait3A_1093 : memref<1x128xf32, #tpu.memory_space<vmem>> -> memref<128xf32, #tpu.memory_space<vmem>>
        %dma_wait3A_1095 = arith.constant 5120 : i32
        %dma_wait3A_1096 = tpu.memref_slice %arg8[%dma_wait3A_1095] : memref<8192xi32, #tpu.memory_space<vmem>> -> memref<128xi32, #tpu.memory_space<vmem>>
        %dma_wait3A_1097 = tpu.memref_slice %arg6[%add3A_151] : memref<801280xf32, #tpu.memory_space<vmem_shared>> -> memref<100000xf32, #tpu.memory_space<vmem_shared>>
        %dma_wait3A_1098 = arith.constant 0 : i32
        %dma_wait3A_1099 = tpu.memref_slice %dma_wait3A_1097[%dma_wait3A_1098] : memref<100000xf32, #tpu.memory_space<vmem_shared>> -> memref<100000xf32, #tpu.memory_space<vmem_shared>>
        tpu.wait_indirect_dma semaphore(%arg10 : memref<!tpu.dma_semaphore, #tpu.memory_space<semaphore_mem>>) src(%dma_wait3A_1099 : memref<100000xf32, #tpu.memory_space<vmem_shared>>) dst(%dma_wait3A_1094 : memref<128xf32, #tpu.memory_space<vmem>>)
        %dma_wait3A_1100 = arith.constant 41 : i32
        %dma_wait3A_1101 = arith.constant 0 : i32
        %dma_wait3A_1102 = tpu.memref_slice %arg9[%dma_wait3A_1100, %dma_wait3A_1101] : memref<64x128xf32, #tpu.memory_space<vmem>> -> memref<1x128xf32, #tpu.memory_space<vmem>>
        %dma_wait3A_1103 = tpu.memref_squeeze %dma_wait3A_1102 : memref<1x128xf32, #tpu.memory_space<vmem>> -> memref<128xf32, #tpu.memory_space<vmem>>
        %dma_wait3A_1104 = arith.constant 5248 : i32
        %dma_wait3A_1105 = tpu.memref_slice %arg8[%dma_wait3A_1104] : memref<8192xi32, #tpu.memory_space<vmem>> -> memref<128xi32, #tpu.memory_space<vmem>>
        %dma_wait3A_1106 = tpu.memref_slice %arg6[%add3A_151] : memref<801280xf32, #tpu.memory_space<vmem_shared>> -> memref<100000xf32, #tpu.memory_space<vmem_shared>>
        %dma_wait3A_1107 = arith.constant 0 : i32
        %dma_wait3A_1108 = tpu.memref_slice %dma_wait3A_1106[%dma_wait3A_1107] : memref<100000xf32, #tpu.memory_space<vmem_shared>> -> memref<100000xf32, #tpu.memory_space<vmem_shared>>
        tpu.wait_indirect_dma semaphore(%arg10 : memref<!tpu.dma_semaphore, #tpu.memory_space<semaphore_mem>>) src(%dma_wait3A_1108 : memref<100000xf32, #tpu.memory_space<vmem_shared>>) dst(%dma_wait3A_1103 : memref<128xf32, #tpu.memory_space<vmem>>)
        %dma_wait3A_1109 = arith.constant 42 : i32
        %dma_wait3A_1110 = arith.constant 0 : i32
        %dma_wait3A_1111 = tpu.memref_slice %arg9[%dma_wait3A_1109, %dma_wait3A_1110] : memref<64x128xf32, #tpu.memory_space<vmem>> -> memref<1x128xf32, #tpu.memory_space<vmem>>
        %dma_wait3A_1112 = tpu.memref_squeeze %dma_wait3A_1111 : memref<1x128xf32, #tpu.memory_space<vmem>> -> memref<128xf32, #tpu.memory_space<vmem>>
        %dma_wait3A_1113 = arith.constant 5376 : i32
        %dma_wait3A_1114 = tpu.memref_slice %arg8[%dma_wait3A_1113] : memref<8192xi32, #tpu.memory_space<vmem>> -> memref<128xi32, #tpu.memory_space<vmem>>
        %dma_wait3A_1115 = tpu.memref_slice %arg6[%add3A_151] : memref<801280xf32, #tpu.memory_space<vmem_shared>> -> memref<100000xf32, #tpu.memory_space<vmem_shared>>
        %dma_wait3A_1116 = arith.constant 0 : i32
        %dma_wait3A_1117 = tpu.memref_slice %dma_wait3A_1115[%dma_wait3A_1116] : memref<100000xf32, #tpu.memory_space<vmem_shared>> -> memref<100000xf32, #tpu.memory_space<vmem_shared>>
        tpu.wait_indirect_dma semaphore(%arg10 : memref<!tpu.dma_semaphore, #tpu.memory_space<semaphore_mem>>) src(%dma_wait3A_1117 : memref<100000xf32, #tpu.memory_space<vmem_shared>>) dst(%dma_wait3A_1112 : memref<128xf32, #tpu.memory_space<vmem>>)
        %dma_wait3A_1118 = arith.constant 43 : i32
        %dma_wait3A_1119 = arith.constant 0 : i32
        %dma_wait3A_1120 = tpu.memref_slice %arg9[%dma_wait3A_1118, %dma_wait3A_1119] : memref<64x128xf32, #tpu.memory_space<vmem>> -> memref<1x128xf32, #tpu.memory_space<vmem>>
        %dma_wait3A_1121 = tpu.memref_squeeze %dma_wait3A_1120 : memref<1x128xf32, #tpu.memory_space<vmem>> -> memref<128xf32, #tpu.memory_space<vmem>>
        %dma_wait3A_1122 = arith.constant 5504 : i32
        %dma_wait3A_1123 = tpu.memref_slice %arg8[%dma_wait3A_1122] : memref<8192xi32, #tpu.memory_space<vmem>> -> memref<128xi32, #tpu.memory_space<vmem>>
        %dma_wait3A_1124 = tpu.memref_slice %arg6[%add3A_151] : memref<801280xf32, #tpu.memory_space<vmem_shared>> -> memref<100000xf32, #tpu.memory_space<vmem_shared>>
        %dma_wait3A_1125 = arith.constant 0 : i32
        %dma_wait3A_1126 = tpu.memref_slice %dma_wait3A_1124[%dma_wait3A_1125] : memref<100000xf32, #tpu.memory_space<vmem_shared>> -> memref<100000xf32, #tpu.memory_space<vmem_shared>>
        tpu.wait_indirect_dma semaphore(%arg10 : memref<!tpu.dma_semaphore, #tpu.memory_space<semaphore_mem>>) src(%dma_wait3A_1126 : memref<100000xf32, #tpu.memory_space<vmem_shared>>) dst(%dma_wait3A_1121 : memref<128xf32, #tpu.memory_space<vmem>>)
        %dma_wait3A_1127 = arith.constant 44 : i32
        %dma_wait3A_1128 = arith.constant 0 : i32
        %dma_wait3A_1129 = tpu.memref_slice %arg9[%dma_wait3A_1127, %dma_wait3A_1128] : memref<64x128xf32, #tpu.memory_space<vmem>> -> memref<1x128xf32, #tpu.memory_space<vmem>>
        %dma_wait3A_1130 = tpu.memref_squeeze %dma_wait3A_1129 : memref<1x128xf32, #tpu.memory_space<vmem>> -> memref<128xf32, #tpu.memory_space<vmem>>
        %dma_wait3A_1131 = arith.constant 5632 : i32
        %dma_wait3A_1132 = tpu.memref_slice %arg8[%dma_wait3A_1131] : memref<8192xi32, #tpu.memory_space<vmem>> -> memref<128xi32, #tpu.memory_space<vmem>>
        %dma_wait3A_1133 = tpu.memref_slice %arg6[%add3A_151] : memref<801280xf32, #tpu.memory_space<vmem_shared>> -> memref<100000xf32, #tpu.memory_space<vmem_shared>>
        %dma_wait3A_1134 = arith.constant 0 : i32
        %dma_wait3A_1135 = tpu.memref_slice %dma_wait3A_1133[%dma_wait3A_1134] : memref<100000xf32, #tpu.memory_space<vmem_shared>> -> memref<100000xf32, #tpu.memory_space<vmem_shared>>
        tpu.wait_indirect_dma semaphore(%arg10 : memref<!tpu.dma_semaphore, #tpu.memory_space<semaphore_mem>>) src(%dma_wait3A_1135 : memref<100000xf32, #tpu.memory_space<vmem_shared>>) dst(%dma_wait3A_1130 : memref<128xf32, #tpu.memory_space<vmem>>)
        %dma_wait3A_1136 = arith.constant 45 : i32
        %dma_wait3A_1137 = arith.constant 0 : i32
        %dma_wait3A_1138 = tpu.memref_slice %arg9[%dma_wait3A_1136, %dma_wait3A_1137] : memref<64x128xf32, #tpu.memory_space<vmem>> -> memref<1x128xf32, #tpu.memory_space<vmem>>
        %dma_wait3A_1139 = tpu.memref_squeeze %dma_wait3A_1138 : memref<1x128xf32, #tpu.memory_space<vmem>> -> memref<128xf32, #tpu.memory_space<vmem>>
        %dma_wait3A_1140 = arith.constant 5760 : i32
        %dma_wait3A_1141 = tpu.memref_slice %arg8[%dma_wait3A_1140] : memref<8192xi32, #tpu.memory_space<vmem>> -> memref<128xi32, #tpu.memory_space<vmem>>
        %dma_wait3A_1142 = tpu.memref_slice %arg6[%add3A_151] : memref<801280xf32, #tpu.memory_space<vmem_shared>> -> memref<100000xf32, #tpu.memory_space<vmem_shared>>
        %dma_wait3A_1143 = arith.constant 0 : i32
        %dma_wait3A_1144 = tpu.memref_slice %dma_wait3A_1142[%dma_wait3A_1143] : memref<100000xf32, #tpu.memory_space<vmem_shared>> -> memref<100000xf32, #tpu.memory_space<vmem_shared>>
        tpu.wait_indirect_dma semaphore(%arg10 : memref<!tpu.dma_semaphore, #tpu.memory_space<semaphore_mem>>) src(%dma_wait3A_1144 : memref<100000xf32, #tpu.memory_space<vmem_shared>>) dst(%dma_wait3A_1139 : memref<128xf32, #tpu.memory_space<vmem>>)
        %dma_wait3A_1145 = arith.constant 46 : i32
        %dma_wait3A_1146 = arith.constant 0 : i32
        %dma_wait3A_1147 = tpu.memref_slice %arg9[%dma_wait3A_1145, %dma_wait3A_1146] : memref<64x128xf32, #tpu.memory_space<vmem>> -> memref<1x128xf32, #tpu.memory_space<vmem>>
        %dma_wait3A_1148 = tpu.memref_squeeze %dma_wait3A_1147 : memref<1x128xf32, #tpu.memory_space<vmem>> -> memref<128xf32, #tpu.memory_space<vmem>>
        %dma_wait3A_1149 = arith.constant 5888 : i32
        %dma_wait3A_1150 = tpu.memref_slice %arg8[%dma_wait3A_1149] : memref<8192xi32, #tpu.memory_space<vmem>> -> memref<128xi32, #tpu.memory_space<vmem>>
        %dma_wait3A_1151 = tpu.memref_slice %arg6[%add3A_151] : memref<801280xf32, #tpu.memory_space<vmem_shared>> -> memref<100000xf32, #tpu.memory_space<vmem_shared>>
        %dma_wait3A_1152 = arith.constant 0 : i32
        %dma_wait3A_1153 = tpu.memref_slice %dma_wait3A_1151[%dma_wait3A_1152] : memref<100000xf32, #tpu.memory_space<vmem_shared>> -> memref<100000xf32, #tpu.memory_space<vmem_shared>>
        tpu.wait_indirect_dma semaphore(%arg10 : memref<!tpu.dma_semaphore, #tpu.memory_space<semaphore_mem>>) src(%dma_wait3A_1153 : memref<100000xf32, #tpu.memory_space<vmem_shared>>) dst(%dma_wait3A_1148 : memref<128xf32, #tpu.memory_space<vmem>>)
        %dma_wait3A_1154 = arith.constant 47 : i32
        %dma_wait3A_1155 = arith.constant 0 : i32
        %dma_wait3A_1156 = tpu.memref_slice %arg9[%dma_wait3A_1154, %dma_wait3A_1155] : memref<64x128xf32, #tpu.memory_space<vmem>> -> memref<1x128xf32, #tpu.memory_space<vmem>>
        %dma_wait3A_1157 = tpu.memref_squeeze %dma_wait3A_1156 : memref<1x128xf32, #tpu.memory_space<vmem>> -> memref<128xf32, #tpu.memory_space<vmem>>
        %dma_wait3A_1158 = arith.constant 6016 : i32
        %dma_wait3A_1159 = tpu.memref_slice %arg8[%dma_wait3A_1158] : memref<8192xi32, #tpu.memory_space<vmem>> -> memref<128xi32, #tpu.memory_space<vmem>>
        %dma_wait3A_1160 = tpu.memref_slice %arg6[%add3A_151] : memref<801280xf32, #tpu.memory_space<vmem_shared>> -> memref<100000xf32, #tpu.memory_space<vmem_shared>>
        %dma_wait3A_1161 = arith.constant 0 : i32
        %dma_wait3A_1162 = tpu.memref_slice %dma_wait3A_1160[%dma_wait3A_1161] : memref<100000xf32, #tpu.memory_space<vmem_shared>> -> memref<100000xf32, #tpu.memory_space<vmem_shared>>
        tpu.wait_indirect_dma semaphore(%arg10 : memref<!tpu.dma_semaphore, #tpu.memory_space<semaphore_mem>>) src(%dma_wait3A_1162 : memref<100000xf32, #tpu.memory_space<vmem_shared>>) dst(%dma_wait3A_1157 : memref<128xf32, #tpu.memory_space<vmem>>)
        %dma_wait3A_1163 = arith.constant 48 : i32
        %dma_wait3A_1164 = arith.constant 0 : i32
        %dma_wait3A_1165 = tpu.memref_slice %arg9[%dma_wait3A_1163, %dma_wait3A_1164] : memref<64x128xf32, #tpu.memory_space<vmem>> -> memref<1x128xf32, #tpu.memory_space<vmem>>
        %dma_wait3A_1166 = tpu.memref_squeeze %dma_wait3A_1165 : memref<1x128xf32, #tpu.memory_space<vmem>> -> memref<128xf32, #tpu.memory_space<vmem>>
        %dma_wait3A_1167 = arith.constant 6144 : i32
        %dma_wait3A_1168 = tpu.memref_slice %arg8[%dma_wait3A_1167] : memref<8192xi32, #tpu.memory_space<vmem>> -> memref<128xi32, #tpu.memory_space<vmem>>
        %dma_wait3A_1169 = tpu.memref_slice %arg6[%add3A_151] : memref<801280xf32, #tpu.memory_space<vmem_shared>> -> memref<100000xf32, #tpu.memory_space<vmem_shared>>
        %dma_wait3A_1170 = arith.constant 0 : i32
        %dma_wait3A_1171 = tpu.memref_slice %dma_wait3A_1169[%dma_wait3A_1170] : memref<100000xf32, #tpu.memory_space<vmem_shared>> -> memref<100000xf32, #tpu.memory_space<vmem_shared>>
        tpu.wait_indirect_dma semaphore(%arg10 : memref<!tpu.dma_semaphore, #tpu.memory_space<semaphore_mem>>) src(%dma_wait3A_1171 : memref<100000xf32, #tpu.memory_space<vmem_shared>>) dst(%dma_wait3A_1166 : memref<128xf32, #tpu.memory_space<vmem>>)
        %dma_wait3A_1172 = arith.constant 49 : i32
        %dma_wait3A_1173 = arith.constant 0 : i32
        %dma_wait3A_1174 = tpu.memref_slice %arg9[%dma_wait3A_1172, %dma_wait3A_1173] : memref<64x128xf32, #tpu.memory_space<vmem>> -> memref<1x128xf32, #tpu.memory_space<vmem>>
        %dma_wait3A_1175 = tpu.memref_squeeze %dma_wait3A_1174 : memref<1x128xf32, #tpu.memory_space<vmem>> -> memref<128xf32, #tpu.memory_space<vmem>>
        %dma_wait3A_1176 = arith.constant 6272 : i32
        %dma_wait3A_1177 = tpu.memref_slice %arg8[%dma_wait3A_1176] : memref<8192xi32, #tpu.memory_space<vmem>> -> memref<128xi32, #tpu.memory_space<vmem>>
        %dma_wait3A_1178 = tpu.memref_slice %arg6[%add3A_151] : memref<801280xf32, #tpu.memory_space<vmem_shared>> -> memref<100000xf32, #tpu.memory_space<vmem_shared>>
        %dma_wait3A_1179 = arith.constant 0 : i32
        %dma_wait3A_1180 = tpu.memref_slice %dma_wait3A_1178[%dma_wait3A_1179] : memref<100000xf32, #tpu.memory_space<vmem_shared>> -> memref<100000xf32, #tpu.memory_space<vmem_shared>>
        tpu.wait_indirect_dma semaphore(%arg10 : memref<!tpu.dma_semaphore, #tpu.memory_space<semaphore_mem>>) src(%dma_wait3A_1180 : memref<100000xf32, #tpu.memory_space<vmem_shared>>) dst(%dma_wait3A_1175 : memref<128xf32, #tpu.memory_space<vmem>>)
        %dma_wait3A_1181 = arith.constant 50 : i32
        %dma_wait3A_1182 = arith.constant 0 : i32
        %dma_wait3A_1183 = tpu.memref_slice %arg9[%dma_wait3A_1181, %dma_wait3A_1182] : memref<64x128xf32, #tpu.memory_space<vmem>> -> memref<1x128xf32, #tpu.memory_space<vmem>>
        %dma_wait3A_1184 = tpu.memref_squeeze %dma_wait3A_1183 : memref<1x128xf32, #tpu.memory_space<vmem>> -> memref<128xf32, #tpu.memory_space<vmem>>
        %dma_wait3A_1185 = arith.constant 6400 : i32
        %dma_wait3A_1186 = tpu.memref_slice %arg8[%dma_wait3A_1185] : memref<8192xi32, #tpu.memory_space<vmem>> -> memref<128xi32, #tpu.memory_space<vmem>>
        %dma_wait3A_1187 = tpu.memref_slice %arg6[%add3A_151] : memref<801280xf32, #tpu.memory_space<vmem_shared>> -> memref<100000xf32, #tpu.memory_space<vmem_shared>>
        %dma_wait3A_1188 = arith.constant 0 : i32
        %dma_wait3A_1189 = tpu.memref_slice %dma_wait3A_1187[%dma_wait3A_1188] : memref<100000xf32, #tpu.memory_space<vmem_shared>> -> memref<100000xf32, #tpu.memory_space<vmem_shared>>
        tpu.wait_indirect_dma semaphore(%arg10 : memref<!tpu.dma_semaphore, #tpu.memory_space<semaphore_mem>>) src(%dma_wait3A_1189 : memref<100000xf32, #tpu.memory_space<vmem_shared>>) dst(%dma_wait3A_1184 : memref<128xf32, #tpu.memory_space<vmem>>)
        %dma_wait3A_1190 = arith.constant 51 : i32
        %dma_wait3A_1191 = arith.constant 0 : i32
        %dma_wait3A_1192 = tpu.memref_slice %arg9[%dma_wait3A_1190, %dma_wait3A_1191] : memref<64x128xf32, #tpu.memory_space<vmem>> -> memref<1x128xf32, #tpu.memory_space<vmem>>
        %dma_wait3A_1193 = tpu.memref_squeeze %dma_wait3A_1192 : memref<1x128xf32, #tpu.memory_space<vmem>> -> memref<128xf32, #tpu.memory_space<vmem>>
        %dma_wait3A_1194 = arith.constant 6528 : i32
        %dma_wait3A_1195 = tpu.memref_slice %arg8[%dma_wait3A_1194] : memref<8192xi32, #tpu.memory_space<vmem>> -> memref<128xi32, #tpu.memory_space<vmem>>
        %dma_wait3A_1196 = tpu.memref_slice %arg6[%add3A_151] : memref<801280xf32, #tpu.memory_space<vmem_shared>> -> memref<100000xf32, #tpu.memory_space<vmem_shared>>
        %dma_wait3A_1197 = arith.constant 0 : i32
        %dma_wait3A_1198 = tpu.memref_slice %dma_wait3A_1196[%dma_wait3A_1197] : memref<100000xf32, #tpu.memory_space<vmem_shared>> -> memref<100000xf32, #tpu.memory_space<vmem_shared>>
        tpu.wait_indirect_dma semaphore(%arg10 : memref<!tpu.dma_semaphore, #tpu.memory_space<semaphore_mem>>) src(%dma_wait3A_1198 : memref<100000xf32, #tpu.memory_space<vmem_shared>>) dst(%dma_wait3A_1193 : memref<128xf32, #tpu.memory_space<vmem>>)
        %dma_wait3A_1199 = arith.constant 52 : i32
        %dma_wait3A_1200 = arith.constant 0 : i32
        %dma_wait3A_1201 = tpu.memref_slice %arg9[%dma_wait3A_1199, %dma_wait3A_1200] : memref<64x128xf32, #tpu.memory_space<vmem>> -> memref<1x128xf32, #tpu.memory_space<vmem>>
        %dma_wait3A_1202 = tpu.memref_squeeze %dma_wait3A_1201 : memref<1x128xf32, #tpu.memory_space<vmem>> -> memref<128xf32, #tpu.memory_space<vmem>>
        %dma_wait3A_1203 = arith.constant 6656 : i32
        %dma_wait3A_1204 = tpu.memref_slice %arg8[%dma_wait3A_1203] : memref<8192xi32, #tpu.memory_space<vmem>> -> memref<128xi32, #tpu.memory_space<vmem>>
        %dma_wait3A_1205 = tpu.memref_slice %arg6[%add3A_151] : memref<801280xf32, #tpu.memory_space<vmem_shared>> -> memref<100000xf32, #tpu.memory_space<vmem_shared>>
        %dma_wait3A_1206 = arith.constant 0 : i32
        %dma_wait3A_1207 = tpu.memref_slice %dma_wait3A_1205[%dma_wait3A_1206] : memref<100000xf32, #tpu.memory_space<vmem_shared>> -> memref<100000xf32, #tpu.memory_space<vmem_shared>>
        tpu.wait_indirect_dma semaphore(%arg10 : memref<!tpu.dma_semaphore, #tpu.memory_space<semaphore_mem>>) src(%dma_wait3A_1207 : memref<100000xf32, #tpu.memory_space<vmem_shared>>) dst(%dma_wait3A_1202 : memref<128xf32, #tpu.memory_space<vmem>>)
        %dma_wait3A_1208 = arith.constant 53 : i32
        %dma_wait3A_1209 = arith.constant 0 : i32
        %dma_wait3A_1210 = tpu.memref_slice %arg9[%dma_wait3A_1208, %dma_wait3A_1209] : memref<64x128xf32, #tpu.memory_space<vmem>> -> memref<1x128xf32, #tpu.memory_space<vmem>>
        %dma_wait3A_1211 = tpu.memref_squeeze %dma_wait3A_1210 : memref<1x128xf32, #tpu.memory_space<vmem>> -> memref<128xf32, #tpu.memory_space<vmem>>
        %dma_wait3A_1212 = arith.constant 6784 : i32
        %dma_wait3A_1213 = tpu.memref_slice %arg8[%dma_wait3A_1212] : memref<8192xi32, #tpu.memory_space<vmem>> -> memref<128xi32, #tpu.memory_space<vmem>>
        %dma_wait3A_1214 = tpu.memref_slice %arg6[%add3A_151] : memref<801280xf32, #tpu.memory_space<vmem_shared>> -> memref<100000xf32, #tpu.memory_space<vmem_shared>>
        %dma_wait3A_1215 = arith.constant 0 : i32
        %dma_wait3A_1216 = tpu.memref_slice %dma_wait3A_1214[%dma_wait3A_1215] : memref<100000xf32, #tpu.memory_space<vmem_shared>> -> memref<100000xf32, #tpu.memory_space<vmem_shared>>
        tpu.wait_indirect_dma semaphore(%arg10 : memref<!tpu.dma_semaphore, #tpu.memory_space<semaphore_mem>>) src(%dma_wait3A_1216 : memref<100000xf32, #tpu.memory_space<vmem_shared>>) dst(%dma_wait3A_1211 : memref<128xf32, #tpu.memory_space<vmem>>)
        %dma_wait3A_1217 = arith.constant 54 : i32
        %dma_wait3A_1218 = arith.constant 0 : i32
        %dma_wait3A_1219 = tpu.memref_slice %arg9[%dma_wait3A_1217, %dma_wait3A_1218] : memref<64x128xf32, #tpu.memory_space<vmem>> -> memref<1x128xf32, #tpu.memory_space<vmem>>
        %dma_wait3A_1220 = tpu.memref_squeeze %dma_wait3A_1219 : memref<1x128xf32, #tpu.memory_space<vmem>> -> memref<128xf32, #tpu.memory_space<vmem>>
        %dma_wait3A_1221 = arith.constant 6912 : i32
        %dma_wait3A_1222 = tpu.memref_slice %arg8[%dma_wait3A_1221] : memref<8192xi32, #tpu.memory_space<vmem>> -> memref<128xi32, #tpu.memory_space<vmem>>
        %dma_wait3A_1223 = tpu.memref_slice %arg6[%add3A_151] : memref<801280xf32, #tpu.memory_space<vmem_shared>> -> memref<100000xf32, #tpu.memory_space<vmem_shared>>
        %dma_wait3A_1224 = arith.constant 0 : i32
        %dma_wait3A_1225 = tpu.memref_slice %dma_wait3A_1223[%dma_wait3A_1224] : memref<100000xf32, #tpu.memory_space<vmem_shared>> -> memref<100000xf32, #tpu.memory_space<vmem_shared>>
        tpu.wait_indirect_dma semaphore(%arg10 : memref<!tpu.dma_semaphore, #tpu.memory_space<semaphore_mem>>) src(%dma_wait3A_1225 : memref<100000xf32, #tpu.memory_space<vmem_shared>>) dst(%dma_wait3A_1220 : memref<128xf32, #tpu.memory_space<vmem>>)
        %dma_wait3A_1226 = arith.constant 55 : i32
        %dma_wait3A_1227 = arith.constant 0 : i32
        %dma_wait3A_1228 = tpu.memref_slice %arg9[%dma_wait3A_1226, %dma_wait3A_1227] : memref<64x128xf32, #tpu.memory_space<vmem>> -> memref<1x128xf32, #tpu.memory_space<vmem>>
        %dma_wait3A_1229 = tpu.memref_squeeze %dma_wait3A_1228 : memref<1x128xf32, #tpu.memory_space<vmem>> -> memref<128xf32, #tpu.memory_space<vmem>>
        %dma_wait3A_1230 = arith.constant 7040 : i32
        %dma_wait3A_1231 = tpu.memref_slice %arg8[%dma_wait3A_1230] : memref<8192xi32, #tpu.memory_space<vmem>> -> memref<128xi32, #tpu.memory_space<vmem>>
        %dma_wait3A_1232 = tpu.memref_slice %arg6[%add3A_151] : memref<801280xf32, #tpu.memory_space<vmem_shared>> -> memref<100000xf32, #tpu.memory_space<vmem_shared>>
        %dma_wait3A_1233 = arith.constant 0 : i32
        %dma_wait3A_1234 = tpu.memref_slice %dma_wait3A_1232[%dma_wait3A_1233] : memref<100000xf32, #tpu.memory_space<vmem_shared>> -> memref<100000xf32, #tpu.memory_space<vmem_shared>>
        tpu.wait_indirect_dma semaphore(%arg10 : memref<!tpu.dma_semaphore, #tpu.memory_space<semaphore_mem>>) src(%dma_wait3A_1234 : memref<100000xf32, #tpu.memory_space<vmem_shared>>) dst(%dma_wait3A_1229 : memref<128xf32, #tpu.memory_space<vmem>>)
        %dma_wait3A_1235 = arith.constant 56 : i32
        %dma_wait3A_1236 = arith.constant 0 : i32
        %dma_wait3A_1237 = tpu.memref_slice %arg9[%dma_wait3A_1235, %dma_wait3A_1236] : memref<64x128xf32, #tpu.memory_space<vmem>> -> memref<1x128xf32, #tpu.memory_space<vmem>>
        %dma_wait3A_1238 = tpu.memref_squeeze %dma_wait3A_1237 : memref<1x128xf32, #tpu.memory_space<vmem>> -> memref<128xf32, #tpu.memory_space<vmem>>
        %dma_wait3A_1239 = arith.constant 7168 : i32
        %dma_wait3A_1240 = tpu.memref_slice %arg8[%dma_wait3A_1239] : memref<8192xi32, #tpu.memory_space<vmem>> -> memref<128xi32, #tpu.memory_space<vmem>>
        %dma_wait3A_1241 = tpu.memref_slice %arg6[%add3A_151] : memref<801280xf32, #tpu.memory_space<vmem_shared>> -> memref<100000xf32, #tpu.memory_space<vmem_shared>>
        %dma_wait3A_1242 = arith.constant 0 : i32
        %dma_wait3A_1243 = tpu.memref_slice %dma_wait3A_1241[%dma_wait3A_1242] : memref<100000xf32, #tpu.memory_space<vmem_shared>> -> memref<100000xf32, #tpu.memory_space<vmem_shared>>
        tpu.wait_indirect_dma semaphore(%arg10 : memref<!tpu.dma_semaphore, #tpu.memory_space<semaphore_mem>>) src(%dma_wait3A_1243 : memref<100000xf32, #tpu.memory_space<vmem_shared>>) dst(%dma_wait3A_1238 : memref<128xf32, #tpu.memory_space<vmem>>)
        %dma_wait3A_1244 = arith.constant 57 : i32
        %dma_wait3A_1245 = arith.constant 0 : i32
        %dma_wait3A_1246 = tpu.memref_slice %arg9[%dma_wait3A_1244, %dma_wait3A_1245] : memref<64x128xf32, #tpu.memory_space<vmem>> -> memref<1x128xf32, #tpu.memory_space<vmem>>
        %dma_wait3A_1247 = tpu.memref_squeeze %dma_wait3A_1246 : memref<1x128xf32, #tpu.memory_space<vmem>> -> memref<128xf32, #tpu.memory_space<vmem>>
        %dma_wait3A_1248 = arith.constant 7296 : i32
        %dma_wait3A_1249 = tpu.memref_slice %arg8[%dma_wait3A_1248] : memref<8192xi32, #tpu.memory_space<vmem>> -> memref<128xi32, #tpu.memory_space<vmem>>
        %dma_wait3A_1250 = tpu.memref_slice %arg6[%add3A_151] : memref<801280xf32, #tpu.memory_space<vmem_shared>> -> memref<100000xf32, #tpu.memory_space<vmem_shared>>
        %dma_wait3A_1251 = arith.constant 0 : i32
        %dma_wait3A_1252 = tpu.memref_slice %dma_wait3A_1250[%dma_wait3A_1251] : memref<100000xf32, #tpu.memory_space<vmem_shared>> -> memref<100000xf32, #tpu.memory_space<vmem_shared>>
        tpu.wait_indirect_dma semaphore(%arg10 : memref<!tpu.dma_semaphore, #tpu.memory_space<semaphore_mem>>) src(%dma_wait3A_1252 : memref<100000xf32, #tpu.memory_space<vmem_shared>>) dst(%dma_wait3A_1247 : memref<128xf32, #tpu.memory_space<vmem>>)
        %dma_wait3A_1253 = arith.constant 58 : i32
        %dma_wait3A_1254 = arith.constant 0 : i32
        %dma_wait3A_1255 = tpu.memref_slice %arg9[%dma_wait3A_1253, %dma_wait3A_1254] : memref<64x128xf32, #tpu.memory_space<vmem>> -> memref<1x128xf32, #tpu.memory_space<vmem>>
        %dma_wait3A_1256 = tpu.memref_squeeze %dma_wait3A_1255 : memref<1x128xf32, #tpu.memory_space<vmem>> -> memref<128xf32, #tpu.memory_space<vmem>>
        %dma_wait3A_1257 = arith.constant 7424 : i32
        %dma_wait3A_1258 = tpu.memref_slice %arg8[%dma_wait3A_1257] : memref<8192xi32, #tpu.memory_space<vmem>> -> memref<128xi32, #tpu.memory_space<vmem>>
        %dma_wait3A_1259 = tpu.memref_slice %arg6[%add3A_151] : memref<801280xf32, #tpu.memory_space<vmem_shared>> -> memref<100000xf32, #tpu.memory_space<vmem_shared>>
        %dma_wait3A_1260 = arith.constant 0 : i32
        %dma_wait3A_1261 = tpu.memref_slice %dma_wait3A_1259[%dma_wait3A_1260] : memref<100000xf32, #tpu.memory_space<vmem_shared>> -> memref<100000xf32, #tpu.memory_space<vmem_shared>>
        tpu.wait_indirect_dma semaphore(%arg10 : memref<!tpu.dma_semaphore, #tpu.memory_space<semaphore_mem>>) src(%dma_wait3A_1261 : memref<100000xf32, #tpu.memory_space<vmem_shared>>) dst(%dma_wait3A_1256 : memref<128xf32, #tpu.memory_space<vmem>>)
        %dma_wait3A_1262 = arith.constant 59 : i32
        %dma_wait3A_1263 = arith.constant 0 : i32
        %dma_wait3A_1264 = tpu.memref_slice %arg9[%dma_wait3A_1262, %dma_wait3A_1263] : memref<64x128xf32, #tpu.memory_space<vmem>> -> memref<1x128xf32, #tpu.memory_space<vmem>>
        %dma_wait3A_1265 = tpu.memref_squeeze %dma_wait3A_1264 : memref<1x128xf32, #tpu.memory_space<vmem>> -> memref<128xf32, #tpu.memory_space<vmem>>
        %dma_wait3A_1266 = arith.constant 7552 : i32
        %dma_wait3A_1267 = tpu.memref_slice %arg8[%dma_wait3A_1266] : memref<8192xi32, #tpu.memory_space<vmem>> -> memref<128xi32, #tpu.memory_space<vmem>>
        %dma_wait3A_1268 = tpu.memref_slice %arg6[%add3A_151] : memref<801280xf32, #tpu.memory_space<vmem_shared>> -> memref<100000xf32, #tpu.memory_space<vmem_shared>>
        %dma_wait3A_1269 = arith.constant 0 : i32
        %dma_wait3A_1270 = tpu.memref_slice %dma_wait3A_1268[%dma_wait3A_1269] : memref<100000xf32, #tpu.memory_space<vmem_shared>> -> memref<100000xf32, #tpu.memory_space<vmem_shared>>
        tpu.wait_indirect_dma semaphore(%arg10 : memref<!tpu.dma_semaphore, #tpu.memory_space<semaphore_mem>>) src(%dma_wait3A_1270 : memref<100000xf32, #tpu.memory_space<vmem_shared>>) dst(%dma_wait3A_1265 : memref<128xf32, #tpu.memory_space<vmem>>)
        %dma_wait3A_1271 = arith.constant 60 : i32
        %dma_wait3A_1272 = arith.constant 0 : i32
        %dma_wait3A_1273 = tpu.memref_slice %arg9[%dma_wait3A_1271, %dma_wait3A_1272] : memref<64x128xf32, #tpu.memory_space<vmem>> -> memref<1x128xf32, #tpu.memory_space<vmem>>
        %dma_wait3A_1274 = tpu.memref_squeeze %dma_wait3A_1273 : memref<1x128xf32, #tpu.memory_space<vmem>> -> memref<128xf32, #tpu.memory_space<vmem>>
        %dma_wait3A_1275 = arith.constant 7680 : i32
        %dma_wait3A_1276 = tpu.memref_slice %arg8[%dma_wait3A_1275] : memref<8192xi32, #tpu.memory_space<vmem>> -> memref<128xi32, #tpu.memory_space<vmem>>
        %dma_wait3A_1277 = tpu.memref_slice %arg6[%add3A_151] : memref<801280xf32, #tpu.memory_space<vmem_shared>> -> memref<100000xf32, #tpu.memory_space<vmem_shared>>
        %dma_wait3A_1278 = arith.constant 0 : i32
        %dma_wait3A_1279 = tpu.memref_slice %dma_wait3A_1277[%dma_wait3A_1278] : memref<100000xf32, #tpu.memory_space<vmem_shared>> -> memref<100000xf32, #tpu.memory_space<vmem_shared>>
        tpu.wait_indirect_dma semaphore(%arg10 : memref<!tpu.dma_semaphore, #tpu.memory_space<semaphore_mem>>) src(%dma_wait3A_1279 : memref<100000xf32, #tpu.memory_space<vmem_shared>>) dst(%dma_wait3A_1274 : memref<128xf32, #tpu.memory_space<vmem>>)
        %dma_wait3A_1280 = arith.constant 61 : i32
        %dma_wait3A_1281 = arith.constant 0 : i32
        %dma_wait3A_1282 = tpu.memref_slice %arg9[%dma_wait3A_1280, %dma_wait3A_1281] : memref<64x128xf32, #tpu.memory_space<vmem>> -> memref<1x128xf32, #tpu.memory_space<vmem>>
        %dma_wait3A_1283 = tpu.memref_squeeze %dma_wait3A_1282 : memref<1x128xf32, #tpu.memory_space<vmem>> -> memref<128xf32, #tpu.memory_space<vmem>>
        %dma_wait3A_1284 = arith.constant 7808 : i32
        %dma_wait3A_1285 = tpu.memref_slice %arg8[%dma_wait3A_1284] : memref<8192xi32, #tpu.memory_space<vmem>> -> memref<128xi32, #tpu.memory_space<vmem>>
        %dma_wait3A_1286 = tpu.memref_slice %arg6[%add3A_151] : memref<801280xf32, #tpu.memory_space<vmem_shared>> -> memref<100000xf32, #tpu.memory_space<vmem_shared>>
        %dma_wait3A_1287 = arith.constant 0 : i32
        %dma_wait3A_1288 = tpu.memref_slice %dma_wait3A_1286[%dma_wait3A_1287] : memref<100000xf32, #tpu.memory_space<vmem_shared>> -> memref<100000xf32, #tpu.memory_space<vmem_shared>>
        tpu.wait_indirect_dma semaphore(%arg10 : memref<!tpu.dma_semaphore, #tpu.memory_space<semaphore_mem>>) src(%dma_wait3A_1288 : memref<100000xf32, #tpu.memory_space<vmem_shared>>) dst(%dma_wait3A_1283 : memref<128xf32, #tpu.memory_space<vmem>>)
        %dma_wait3A_1289 = arith.constant 62 : i32
        %dma_wait3A_1290 = arith.constant 0 : i32
        %dma_wait3A_1291 = tpu.memref_slice %arg9[%dma_wait3A_1289, %dma_wait3A_1290] : memref<64x128xf32, #tpu.memory_space<vmem>> -> memref<1x128xf32, #tpu.memory_space<vmem>>
        %dma_wait3A_1292 = tpu.memref_squeeze %dma_wait3A_1291 : memref<1x128xf32, #tpu.memory_space<vmem>> -> memref<128xf32, #tpu.memory_space<vmem>>
        %dma_wait3A_1293 = arith.constant 7936 : i32
        %dma_wait3A_1294 = tpu.memref_slice %arg8[%dma_wait3A_1293] : memref<8192xi32, #tpu.memory_space<vmem>> -> memref<128xi32, #tpu.memory_space<vmem>>
        %dma_wait3A_1295 = tpu.memref_slice %arg6[%add3A_151] : memref<801280xf32, #tpu.memory_space<vmem_shared>> -> memref<100000xf32, #tpu.memory_space<vmem_shared>>
        %dma_wait3A_1296 = arith.constant 0 : i32
        %dma_wait3A_1297 = tpu.memref_slice %dma_wait3A_1295[%dma_wait3A_1296] : memref<100000xf32, #tpu.memory_space<vmem_shared>> -> memref<100000xf32, #tpu.memory_space<vmem_shared>>
        tpu.wait_indirect_dma semaphore(%arg10 : memref<!tpu.dma_semaphore, #tpu.memory_space<semaphore_mem>>) src(%dma_wait3A_1297 : memref<100000xf32, #tpu.memory_space<vmem_shared>>) dst(%dma_wait3A_1292 : memref<128xf32, #tpu.memory_space<vmem>>)
        %dma_wait3A_1298 = arith.constant 63 : i32
        %dma_wait3A_1299 = arith.constant 0 : i32
        %dma_wait3A_1300 = tpu.memref_slice %arg9[%dma_wait3A_1298, %dma_wait3A_1299] : memref<64x128xf32, #tpu.memory_space<vmem>> -> memref<1x128xf32, #tpu.memory_space<vmem>>
        %dma_wait3A_1301 = tpu.memref_squeeze %dma_wait3A_1300 : memref<1x128xf32, #tpu.memory_space<vmem>> -> memref<128xf32, #tpu.memory_space<vmem>>
        %dma_wait3A_1302 = arith.constant 8064 : i32
        %dma_wait3A_1303 = tpu.memref_slice %arg8[%dma_wait3A_1302] : memref<8192xi32, #tpu.memory_space<vmem>> -> memref<128xi32, #tpu.memory_space<vmem>>
        %dma_wait3A_1304 = tpu.memref_slice %arg6[%add3A_151] : memref<801280xf32, #tpu.memory_space<vmem_shared>> -> memref<100000xf32, #tpu.memory_space<vmem_shared>>
        %dma_wait3A_1305 = arith.constant 0 : i32
        %dma_wait3A_1306 = tpu.memref_slice %dma_wait3A_1304[%dma_wait3A_1305] : memref<100000xf32, #tpu.memory_space<vmem_shared>> -> memref<100000xf32, #tpu.memory_space<vmem_shared>>
        tpu.wait_indirect_dma semaphore(%arg10 : memref<!tpu.dma_semaphore, #tpu.memory_space<semaphore_mem>>) src(%dma_wait3A_1306 : memref<100000xf32, #tpu.memory_space<vmem_shared>>) dst(%dma_wait3A_1301 : memref<128xf32, #tpu.memory_space<vmem>>)
        %mul3A_1307 = arith.constant 64 : i32
        %mul3A_1308 = arith.muli %select_n3A_28, %mul3A_1307 : i32
        %eq3A_1309 = arith.constant 0 : i32
        %eq3A_1310 = arith.cmpi eq, %select_n3A_44, %eq3A_1309 : i32
        %convert_element_type3A_1311 = arith.extui %eq3A_1310 : i1 to i32
        %cond3A_1312 = arith.constant 0 : i32
        %cond3A_1313 = arith.cmpi ne, %convert_element_type3A_1311, %cond3A_1312 : i32
        scf.if %cond3A_1313 {
          %run_scoped3A = arith.constant 0 : i32
          "tpu.region"() ({
            %run_scoped3A_1350 = tpu.sem_alloc : memref<!tpu.dma_semaphore, #tpu.memory_space<semaphore_mem>>
            %dma_start3A_1351 = arith.constant 0 : i32
            %dma_start3A_1352 = tpu.memref_slice %arg5[%scan3A_69, %add3A_60, %mul3A_1308, %run_scoped3A, %dma_start3A_1351] : memref<26x4x128x8x128xf32, #tpu.memory_space<hbm>> -> memref<1x1x64x1x128xf32, #tpu.memory_space<hbm>>
            %dma_start3A_1353 = tpu.memref_squeeze %dma_start3A_1352 : memref<1x1x64x1x128xf32, #tpu.memory_space<hbm>> -> memref<64x128xf32, #tpu.memory_space<hbm>>
            %dma_start3A_1354 = arith.constant 0 : i32
            %dma_start3A_1355 = tpu.memref_slice %arg5[%scan3A_69, %add3A_60, %mul3A_1308, %run_scoped3A, %dma_start3A_1354] : memref<26x4x128x8x128xf32, #tpu.memory_space<hbm>> -> memref<1x1x64x1x128xf32, #tpu.memory_space<hbm>>
            %dma_start3A_1356 = tpu.memref_squeeze %dma_start3A_1355 : memref<1x1x64x1x128xf32, #tpu.memory_space<hbm>> -> memref<64x128xf32, #tpu.memory_space<hbm>>
            tpu.enqueue_dma source(%arg9 : memref<64x128xf32, #tpu.memory_space<vmem>>) target(%dma_start3A_1356 : memref<64x128xf32, #tpu.memory_space<hbm>>) target_semaphore(%run_scoped3A_1350 : memref<!tpu.dma_semaphore, #tpu.memory_space<semaphore_mem>>)
            %dma_wait3A_1357 = arith.constant 0 : i32
            %dma_wait3A_1358 = tpu.memref_slice %arg5[%scan3A_69, %add3A_60, %mul3A_1308, %run_scoped3A, %dma_wait3A_1357] : memref<26x4x128x8x128xf32, #tpu.memory_space<hbm>> -> memref<1x1x64x1x128xf32, #tpu.memory_space<hbm>>
            %dma_wait3A_1359 = tpu.memref_squeeze %dma_wait3A_1358 : memref<1x1x64x1x128xf32, #tpu.memory_space<hbm>> -> memref<64x128xf32, #tpu.memory_space<hbm>>
            %dma_wait3A_1360 = arith.constant 0 : i32
            %dma_wait3A_1361 = tpu.memref_slice %arg5[%scan3A_69, %add3A_60, %mul3A_1308, %run_scoped3A, %dma_wait3A_1360] : memref<26x4x128x8x128xf32, #tpu.memory_space<hbm>> -> memref<1x1x64x1x128xf32, #tpu.memory_space<hbm>>
            %dma_wait3A_1362 = tpu.memref_squeeze %dma_wait3A_1361 : memref<1x1x64x1x128xf32, #tpu.memory_space<hbm>> -> memref<64x128xf32, #tpu.memory_space<hbm>>
            tpu.wait_dma2 semaphore(%run_scoped3A_1350 : memref<!tpu.dma_semaphore, #tpu.memory_space<semaphore_mem>>) src(%arg9 : memref<64x128xf32, #tpu.memory_space<vmem>>) dst(%dma_wait3A_1362 : memref<64x128xf32, #tpu.memory_space<hbm>>)
            tpu.yield
          }) : () -> ()
        } else {
        }
        %eq3A_1314 = arith.constant 1 : i32
        %eq3A_1315 = arith.cmpi eq, %select_n3A_44, %eq3A_1314 : i32
        %convert_element_type3A_1316 = arith.extui %eq3A_1315 : i1 to i32
        %cond3A_1317 = arith.constant 0 : i32
        %cond3A_1318 = arith.cmpi ne, %convert_element_type3A_1316, %cond3A_1317 : i32
        scf.if %cond3A_1318 {
          %run_scoped3A = arith.constant 1 : i32
          "tpu.region"() ({
            %run_scoped3A_1350 = tpu.sem_alloc : memref<!tpu.dma_semaphore, #tpu.memory_space<semaphore_mem>>
            %dma_start3A_1351 = arith.constant 0 : i32
            %dma_start3A_1352 = tpu.memref_slice %arg5[%scan3A_69, %add3A_60, %mul3A_1308, %run_scoped3A, %dma_start3A_1351] : memref<26x4x128x8x128xf32, #tpu.memory_space<hbm>> -> memref<1x1x64x1x128xf32, #tpu.memory_space<hbm>>
            %dma_start3A_1353 = tpu.memref_squeeze %dma_start3A_1352 : memref<1x1x64x1x128xf32, #tpu.memory_space<hbm>> -> memref<64x128xf32, #tpu.memory_space<hbm>>
            %dma_start3A_1354 = arith.constant 0 : i32
            %dma_start3A_1355 = tpu.memref_slice %arg5[%scan3A_69, %add3A_60, %mul3A_1308, %run_scoped3A, %dma_start3A_1354] : memref<26x4x128x8x128xf32, #tpu.memory_space<hbm>> -> memref<1x1x64x1x128xf32, #tpu.memory_space<hbm>>
            %dma_start3A_1356 = tpu.memref_squeeze %dma_start3A_1355 : memref<1x1x64x1x128xf32, #tpu.memory_space<hbm>> -> memref<64x128xf32, #tpu.memory_space<hbm>>
            tpu.enqueue_dma source(%arg9 : memref<64x128xf32, #tpu.memory_space<vmem>>) target(%dma_start3A_1356 : memref<64x128xf32, #tpu.memory_space<hbm>>) target_semaphore(%run_scoped3A_1350 : memref<!tpu.dma_semaphore, #tpu.memory_space<semaphore_mem>>)
            %dma_wait3A_1357 = arith.constant 0 : i32
            %dma_wait3A_1358 = tpu.memref_slice %arg5[%scan3A_69, %add3A_60, %mul3A_1308, %run_scoped3A, %dma_wait3A_1357] : memref<26x4x128x8x128xf32, #tpu.memory_space<hbm>> -> memref<1x1x64x1x128xf32, #tpu.memory_space<hbm>>
            %dma_wait3A_1359 = tpu.memref_squeeze %dma_wait3A_1358 : memref<1x1x64x1x128xf32, #tpu.memory_space<hbm>> -> memref<64x128xf32, #tpu.memory_space<hbm>>
            %dma_wait3A_1360 = arith.constant 0 : i32
            %dma_wait3A_1361 = tpu.memref_slice %arg5[%scan3A_69, %add3A_60, %mul3A_1308, %run_scoped3A, %dma_wait3A_1360] : memref<26x4x128x8x128xf32, #tpu.memory_space<hbm>> -> memref<1x1x64x1x128xf32, #tpu.memory_space<hbm>>
            %dma_wait3A_1362 = tpu.memref_squeeze %dma_wait3A_1361 : memref<1x1x64x1x128xf32, #tpu.memory_space<hbm>> -> memref<64x128xf32, #tpu.memory_space<hbm>>
            tpu.wait_dma2 semaphore(%run_scoped3A_1350 : memref<!tpu.dma_semaphore, #tpu.memory_space<semaphore_mem>>) src(%arg9 : memref<64x128xf32, #tpu.memory_space<vmem>>) dst(%dma_wait3A_1362 : memref<64x128xf32, #tpu.memory_space<hbm>>)
            tpu.yield
          }) : () -> ()
        } else {
        }
        %eq3A_1319 = arith.constant 2 : i32
        %eq3A_1320 = arith.cmpi eq, %select_n3A_44, %eq3A_1319 : i32
        %convert_element_type3A_1321 = arith.extui %eq3A_1320 : i1 to i32
        %cond3A_1322 = arith.constant 0 : i32
        %cond3A_1323 = arith.cmpi ne, %convert_element_type3A_1321, %cond3A_1322 : i32
        scf.if %cond3A_1323 {
          %run_scoped3A = arith.constant 2 : i32
          "tpu.region"() ({
            %run_scoped3A_1350 = tpu.sem_alloc : memref<!tpu.dma_semaphore, #tpu.memory_space<semaphore_mem>>
            %dma_start3A_1351 = arith.constant 0 : i32
            %dma_start3A_1352 = tpu.memref_slice %arg5[%scan3A_69, %add3A_60, %mul3A_1308, %run_scoped3A, %dma_start3A_1351] : memref<26x4x128x8x128xf32, #tpu.memory_space<hbm>> -> memref<1x1x64x1x128xf32, #tpu.memory_space<hbm>>
            %dma_start3A_1353 = tpu.memref_squeeze %dma_start3A_1352 : memref<1x1x64x1x128xf32, #tpu.memory_space<hbm>> -> memref<64x128xf32, #tpu.memory_space<hbm>>
            %dma_start3A_1354 = arith.constant 0 : i32
            %dma_start3A_1355 = tpu.memref_slice %arg5[%scan3A_69, %add3A_60, %mul3A_1308, %run_scoped3A, %dma_start3A_1354] : memref<26x4x128x8x128xf32, #tpu.memory_space<hbm>> -> memref<1x1x64x1x128xf32, #tpu.memory_space<hbm>>
            %dma_start3A_1356 = tpu.memref_squeeze %dma_start3A_1355 : memref<1x1x64x1x128xf32, #tpu.memory_space<hbm>> -> memref<64x128xf32, #tpu.memory_space<hbm>>
            tpu.enqueue_dma source(%arg9 : memref<64x128xf32, #tpu.memory_space<vmem>>) target(%dma_start3A_1356 : memref<64x128xf32, #tpu.memory_space<hbm>>) target_semaphore(%run_scoped3A_1350 : memref<!tpu.dma_semaphore, #tpu.memory_space<semaphore_mem>>)
            %dma_wait3A_1357 = arith.constant 0 : i32
            %dma_wait3A_1358 = tpu.memref_slice %arg5[%scan3A_69, %add3A_60, %mul3A_1308, %run_scoped3A, %dma_wait3A_1357] : memref<26x4x128x8x128xf32, #tpu.memory_space<hbm>> -> memref<1x1x64x1x128xf32, #tpu.memory_space<hbm>>
            %dma_wait3A_1359 = tpu.memref_squeeze %dma_wait3A_1358 : memref<1x1x64x1x128xf32, #tpu.memory_space<hbm>> -> memref<64x128xf32, #tpu.memory_space<hbm>>
            %dma_wait3A_1360 = arith.constant 0 : i32
            %dma_wait3A_1361 = tpu.memref_slice %arg5[%scan3A_69, %add3A_60, %mul3A_1308, %run_scoped3A, %dma_wait3A_1360] : memref<26x4x128x8x128xf32, #tpu.memory_space<hbm>> -> memref<1x1x64x1x128xf32, #tpu.memory_space<hbm>>
            %dma_wait3A_1362 = tpu.memref_squeeze %dma_wait3A_1361 : memref<1x1x64x1x128xf32, #tpu.memory_space<hbm>> -> memref<64x128xf32, #tpu.memory_space<hbm>>
            tpu.wait_dma2 semaphore(%run_scoped3A_1350 : memref<!tpu.dma_semaphore, #tpu.memory_space<semaphore_mem>>) src(%arg9 : memref<64x128xf32, #tpu.memory_space<vmem>>) dst(%dma_wait3A_1362 : memref<64x128xf32, #tpu.memory_space<hbm>>)
            tpu.yield
          }) : () -> ()
        } else {
        }
        %eq3A_1324 = arith.constant 3 : i32
        %eq3A_1325 = arith.cmpi eq, %select_n3A_44, %eq3A_1324 : i32
        %convert_element_type3A_1326 = arith.extui %eq3A_1325 : i1 to i32
        %cond3A_1327 = arith.constant 0 : i32
        %cond3A_1328 = arith.cmpi ne, %convert_element_type3A_1326, %cond3A_1327 : i32
        scf.if %cond3A_1328 {
          %run_scoped3A = arith.constant 3 : i32
          "tpu.region"() ({
            %run_scoped3A_1350 = tpu.sem_alloc : memref<!tpu.dma_semaphore, #tpu.memory_space<semaphore_mem>>
            %dma_start3A_1351 = arith.constant 0 : i32
            %dma_start3A_1352 = tpu.memref_slice %arg5[%scan3A_69, %add3A_60, %mul3A_1308, %run_scoped3A, %dma_start3A_1351] : memref<26x4x128x8x128xf32, #tpu.memory_space<hbm>> -> memref<1x1x64x1x128xf32, #tpu.memory_space<hbm>>
            %dma_start3A_1353 = tpu.memref_squeeze %dma_start3A_1352 : memref<1x1x64x1x128xf32, #tpu.memory_space<hbm>> -> memref<64x128xf32, #tpu.memory_space<hbm>>
            %dma_start3A_1354 = arith.constant 0 : i32
            %dma_start3A_1355 = tpu.memref_slice %arg5[%scan3A_69, %add3A_60, %mul3A_1308, %run_scoped3A, %dma_start3A_1354] : memref<26x4x128x8x128xf32, #tpu.memory_space<hbm>> -> memref<1x1x64x1x128xf32, #tpu.memory_space<hbm>>
            %dma_start3A_1356 = tpu.memref_squeeze %dma_start3A_1355 : memref<1x1x64x1x128xf32, #tpu.memory_space<hbm>> -> memref<64x128xf32, #tpu.memory_space<hbm>>
            tpu.enqueue_dma source(%arg9 : memref<64x128xf32, #tpu.memory_space<vmem>>) target(%dma_start3A_1356 : memref<64x128xf32, #tpu.memory_space<hbm>>) target_semaphore(%run_scoped3A_1350 : memref<!tpu.dma_semaphore, #tpu.memory_space<semaphore_mem>>)
            %dma_wait3A_1357 = arith.constant 0 : i32
            %dma_wait3A_1358 = tpu.memref_slice %arg5[%scan3A_69, %add3A_60, %mul3A_1308, %run_scoped3A, %dma_wait3A_1357] : memref<26x4x128x8x128xf32, #tpu.memory_space<hbm>> -> memref<1x1x64x1x128xf32, #tpu.memory_space<hbm>>
            %dma_wait3A_1359 = tpu.memref_squeeze %dma_wait3A_1358 : memref<1x1x64x1x128xf32, #tpu.memory_space<hbm>> -> memref<64x128xf32, #tpu.memory_space<hbm>>
            %dma_wait3A_1360 = arith.constant 0 : i32
            %dma_wait3A_1361 = tpu.memref_slice %arg5[%scan3A_69, %add3A_60, %mul3A_1308, %run_scoped3A, %dma_wait3A_1360] : memref<26x4x128x8x128xf32, #tpu.memory_space<hbm>> -> memref<1x1x64x1x128xf32, #tpu.memory_space<hbm>>
            %dma_wait3A_1362 = tpu.memref_squeeze %dma_wait3A_1361 : memref<1x1x64x1x128xf32, #tpu.memory_space<hbm>> -> memref<64x128xf32, #tpu.memory_space<hbm>>
            tpu.wait_dma2 semaphore(%run_scoped3A_1350 : memref<!tpu.dma_semaphore, #tpu.memory_space<semaphore_mem>>) src(%arg9 : memref<64x128xf32, #tpu.memory_space<vmem>>) dst(%dma_wait3A_1362 : memref<64x128xf32, #tpu.memory_space<hbm>>)
            tpu.yield
          }) : () -> ()
        } else {
        }
        %eq3A_1329 = arith.constant 4 : i32
        %eq3A_1330 = arith.cmpi eq, %select_n3A_44, %eq3A_1329 : i32
        %convert_element_type3A_1331 = arith.extui %eq3A_1330 : i1 to i32
        %cond3A_1332 = arith.constant 0 : i32
        %cond3A_1333 = arith.cmpi ne, %convert_element_type3A_1331, %cond3A_1332 : i32
        scf.if %cond3A_1333 {
          %run_scoped3A = arith.constant 4 : i32
          "tpu.region"() ({
            %run_scoped3A_1350 = tpu.sem_alloc : memref<!tpu.dma_semaphore, #tpu.memory_space<semaphore_mem>>
            %dma_start3A_1351 = arith.constant 0 : i32
            %dma_start3A_1352 = tpu.memref_slice %arg5[%scan3A_69, %add3A_60, %mul3A_1308, %run_scoped3A, %dma_start3A_1351] : memref<26x4x128x8x128xf32, #tpu.memory_space<hbm>> -> memref<1x1x64x1x128xf32, #tpu.memory_space<hbm>>
            %dma_start3A_1353 = tpu.memref_squeeze %dma_start3A_1352 : memref<1x1x64x1x128xf32, #tpu.memory_space<hbm>> -> memref<64x128xf32, #tpu.memory_space<hbm>>
            %dma_start3A_1354 = arith.constant 0 : i32
            %dma_start3A_1355 = tpu.memref_slice %arg5[%scan3A_69, %add3A_60, %mul3A_1308, %run_scoped3A, %dma_start3A_1354] : memref<26x4x128x8x128xf32, #tpu.memory_space<hbm>> -> memref<1x1x64x1x128xf32, #tpu.memory_space<hbm>>
            %dma_start3A_1356 = tpu.memref_squeeze %dma_start3A_1355 : memref<1x1x64x1x128xf32, #tpu.memory_space<hbm>> -> memref<64x128xf32, #tpu.memory_space<hbm>>
            tpu.enqueue_dma source(%arg9 : memref<64x128xf32, #tpu.memory_space<vmem>>) target(%dma_start3A_1356 : memref<64x128xf32, #tpu.memory_space<hbm>>) target_semaphore(%run_scoped3A_1350 : memref<!tpu.dma_semaphore, #tpu.memory_space<semaphore_mem>>)
            %dma_wait3A_1357 = arith.constant 0 : i32
            %dma_wait3A_1358 = tpu.memref_slice %arg5[%scan3A_69, %add3A_60, %mul3A_1308, %run_scoped3A, %dma_wait3A_1357] : memref<26x4x128x8x128xf32, #tpu.memory_space<hbm>> -> memref<1x1x64x1x128xf32, #tpu.memory_space<hbm>>
            %dma_wait3A_1359 = tpu.memref_squeeze %dma_wait3A_1358 : memref<1x1x64x1x128xf32, #tpu.memory_space<hbm>> -> memref<64x128xf32, #tpu.memory_space<hbm>>
            %dma_wait3A_1360 = arith.constant 0 : i32
            %dma_wait3A_1361 = tpu.memref_slice %arg5[%scan3A_69, %add3A_60, %mul3A_1308, %run_scoped3A, %dma_wait3A_1360] : memref<26x4x128x8x128xf32, #tpu.memory_space<hbm>> -> memref<1x1x64x1x128xf32, #tpu.memory_space<hbm>>
            %dma_wait3A_1362 = tpu.memref_squeeze %dma_wait3A_1361 : memref<1x1x64x1x128xf32, #tpu.memory_space<hbm>> -> memref<64x128xf32, #tpu.memory_space<hbm>>
            tpu.wait_dma2 semaphore(%run_scoped3A_1350 : memref<!tpu.dma_semaphore, #tpu.memory_space<semaphore_mem>>) src(%arg9 : memref<64x128xf32, #tpu.memory_space<vmem>>) dst(%dma_wait3A_1362 : memref<64x128xf32, #tpu.memory_space<hbm>>)
            tpu.yield
          }) : () -> ()
        } else {
        }
        %eq3A_1334 = arith.constant 5 : i32
        %eq3A_1335 = arith.cmpi eq, %select_n3A_44, %eq3A_1334 : i32
        %convert_element_type3A_1336 = arith.extui %eq3A_1335 : i1 to i32
        %cond3A_1337 = arith.constant 0 : i32
        %cond3A_1338 = arith.cmpi ne, %convert_element_type3A_1336, %cond3A_1337 : i32
        scf.if %cond3A_1338 {
          %run_scoped3A = arith.constant 5 : i32
          "tpu.region"() ({
            %run_scoped3A_1350 = tpu.sem_alloc : memref<!tpu.dma_semaphore, #tpu.memory_space<semaphore_mem>>
            %dma_start3A_1351 = arith.constant 0 : i32
            %dma_start3A_1352 = tpu.memref_slice %arg5[%scan3A_69, %add3A_60, %mul3A_1308, %run_scoped3A, %dma_start3A_1351] : memref<26x4x128x8x128xf32, #tpu.memory_space<hbm>> -> memref<1x1x64x1x128xf32, #tpu.memory_space<hbm>>
            %dma_start3A_1353 = tpu.memref_squeeze %dma_start3A_1352 : memref<1x1x64x1x128xf32, #tpu.memory_space<hbm>> -> memref<64x128xf32, #tpu.memory_space<hbm>>
            %dma_start3A_1354 = arith.constant 0 : i32
            %dma_start3A_1355 = tpu.memref_slice %arg5[%scan3A_69, %add3A_60, %mul3A_1308, %run_scoped3A, %dma_start3A_1354] : memref<26x4x128x8x128xf32, #tpu.memory_space<hbm>> -> memref<1x1x64x1x128xf32, #tpu.memory_space<hbm>>
            %dma_start3A_1356 = tpu.memref_squeeze %dma_start3A_1355 : memref<1x1x64x1x128xf32, #tpu.memory_space<hbm>> -> memref<64x128xf32, #tpu.memory_space<hbm>>
            tpu.enqueue_dma source(%arg9 : memref<64x128xf32, #tpu.memory_space<vmem>>) target(%dma_start3A_1356 : memref<64x128xf32, #tpu.memory_space<hbm>>) target_semaphore(%run_scoped3A_1350 : memref<!tpu.dma_semaphore, #tpu.memory_space<semaphore_mem>>)
            %dma_wait3A_1357 = arith.constant 0 : i32
            %dma_wait3A_1358 = tpu.memref_slice %arg5[%scan3A_69, %add3A_60, %mul3A_1308, %run_scoped3A, %dma_wait3A_1357] : memref<26x4x128x8x128xf32, #tpu.memory_space<hbm>> -> memref<1x1x64x1x128xf32, #tpu.memory_space<hbm>>
            %dma_wait3A_1359 = tpu.memref_squeeze %dma_wait3A_1358 : memref<1x1x64x1x128xf32, #tpu.memory_space<hbm>> -> memref<64x128xf32, #tpu.memory_space<hbm>>
            %dma_wait3A_1360 = arith.constant 0 : i32
            %dma_wait3A_1361 = tpu.memref_slice %arg5[%scan3A_69, %add3A_60, %mul3A_1308, %run_scoped3A, %dma_wait3A_1360] : memref<26x4x128x8x128xf32, #tpu.memory_space<hbm>> -> memref<1x1x64x1x128xf32, #tpu.memory_space<hbm>>
            %dma_wait3A_1362 = tpu.memref_squeeze %dma_wait3A_1361 : memref<1x1x64x1x128xf32, #tpu.memory_space<hbm>> -> memref<64x128xf32, #tpu.memory_space<hbm>>
            tpu.wait_dma2 semaphore(%run_scoped3A_1350 : memref<!tpu.dma_semaphore, #tpu.memory_space<semaphore_mem>>) src(%arg9 : memref<64x128xf32, #tpu.memory_space<vmem>>) dst(%dma_wait3A_1362 : memref<64x128xf32, #tpu.memory_space<hbm>>)
            tpu.yield
          }) : () -> ()
        } else {
        }
        %eq3A_1339 = arith.constant 6 : i32
        %eq3A_1340 = arith.cmpi eq, %select_n3A_44, %eq3A_1339 : i32
        %convert_element_type3A_1341 = arith.extui %eq3A_1340 : i1 to i32
        %cond3A_1342 = arith.constant 0 : i32
        %cond3A_1343 = arith.cmpi ne, %convert_element_type3A_1341, %cond3A_1342 : i32
        scf.if %cond3A_1343 {
          %run_scoped3A = arith.constant 6 : i32
          "tpu.region"() ({
            %run_scoped3A_1350 = tpu.sem_alloc : memref<!tpu.dma_semaphore, #tpu.memory_space<semaphore_mem>>
            %dma_start3A_1351 = arith.constant 0 : i32
            %dma_start3A_1352 = tpu.memref_slice %arg5[%scan3A_69, %add3A_60, %mul3A_1308, %run_scoped3A, %dma_start3A_1351] : memref<26x4x128x8x128xf32, #tpu.memory_space<hbm>> -> memref<1x1x64x1x128xf32, #tpu.memory_space<hbm>>
            %dma_start3A_1353 = tpu.memref_squeeze %dma_start3A_1352 : memref<1x1x64x1x128xf32, #tpu.memory_space<hbm>> -> memref<64x128xf32, #tpu.memory_space<hbm>>
            %dma_start3A_1354 = arith.constant 0 : i32
            %dma_start3A_1355 = tpu.memref_slice %arg5[%scan3A_69, %add3A_60, %mul3A_1308, %run_scoped3A, %dma_start3A_1354] : memref<26x4x128x8x128xf32, #tpu.memory_space<hbm>> -> memref<1x1x64x1x128xf32, #tpu.memory_space<hbm>>
            %dma_start3A_1356 = tpu.memref_squeeze %dma_start3A_1355 : memref<1x1x64x1x128xf32, #tpu.memory_space<hbm>> -> memref<64x128xf32, #tpu.memory_space<hbm>>
            tpu.enqueue_dma source(%arg9 : memref<64x128xf32, #tpu.memory_space<vmem>>) target(%dma_start3A_1356 : memref<64x128xf32, #tpu.memory_space<hbm>>) target_semaphore(%run_scoped3A_1350 : memref<!tpu.dma_semaphore, #tpu.memory_space<semaphore_mem>>)
            %dma_wait3A_1357 = arith.constant 0 : i32
            %dma_wait3A_1358 = tpu.memref_slice %arg5[%scan3A_69, %add3A_60, %mul3A_1308, %run_scoped3A, %dma_wait3A_1357] : memref<26x4x128x8x128xf32, #tpu.memory_space<hbm>> -> memref<1x1x64x1x128xf32, #tpu.memory_space<hbm>>
            %dma_wait3A_1359 = tpu.memref_squeeze %dma_wait3A_1358 : memref<1x1x64x1x128xf32, #tpu.memory_space<hbm>> -> memref<64x128xf32, #tpu.memory_space<hbm>>
            %dma_wait3A_1360 = arith.constant 0 : i32
            %dma_wait3A_1361 = tpu.memref_slice %arg5[%scan3A_69, %add3A_60, %mul3A_1308, %run_scoped3A, %dma_wait3A_1360] : memref<26x4x128x8x128xf32, #tpu.memory_space<hbm>> -> memref<1x1x64x1x128xf32, #tpu.memory_space<hbm>>
            %dma_wait3A_1362 = tpu.memref_squeeze %dma_wait3A_1361 : memref<1x1x64x1x128xf32, #tpu.memory_space<hbm>> -> memref<64x128xf32, #tpu.memory_space<hbm>>
            tpu.wait_dma2 semaphore(%run_scoped3A_1350 : memref<!tpu.dma_semaphore, #tpu.memory_space<semaphore_mem>>) src(%arg9 : memref<64x128xf32, #tpu.memory_space<vmem>>) dst(%dma_wait3A_1362 : memref<64x128xf32, #tpu.memory_space<hbm>>)
            tpu.yield
          }) : () -> ()
        } else {
        }
        %eq3A_1344 = arith.constant 7 : i32
        %eq3A_1345 = arith.cmpi eq, %select_n3A_44, %eq3A_1344 : i32
        %convert_element_type3A_1346 = arith.extui %eq3A_1345 : i1 to i32
        %cond3A_1347 = arith.constant 0 : i32
        %cond3A_1348 = arith.cmpi ne, %convert_element_type3A_1346, %cond3A_1347 : i32
        scf.if %cond3A_1348 {
          %run_scoped3A = arith.constant 7 : i32
          "tpu.region"() ({
            %run_scoped3A_1350 = tpu.sem_alloc : memref<!tpu.dma_semaphore, #tpu.memory_space<semaphore_mem>>
            %dma_start3A_1351 = arith.constant 0 : i32
            %dma_start3A_1352 = tpu.memref_slice %arg5[%scan3A_69, %add3A_60, %mul3A_1308, %run_scoped3A, %dma_start3A_1351] : memref<26x4x128x8x128xf32, #tpu.memory_space<hbm>> -> memref<1x1x64x1x128xf32, #tpu.memory_space<hbm>>
            %dma_start3A_1353 = tpu.memref_squeeze %dma_start3A_1352 : memref<1x1x64x1x128xf32, #tpu.memory_space<hbm>> -> memref<64x128xf32, #tpu.memory_space<hbm>>
            %dma_start3A_1354 = arith.constant 0 : i32
            %dma_start3A_1355 = tpu.memref_slice %arg5[%scan3A_69, %add3A_60, %mul3A_1308, %run_scoped3A, %dma_start3A_1354] : memref<26x4x128x8x128xf32, #tpu.memory_space<hbm>> -> memref<1x1x64x1x128xf32, #tpu.memory_space<hbm>>
            %dma_start3A_1356 = tpu.memref_squeeze %dma_start3A_1355 : memref<1x1x64x1x128xf32, #tpu.memory_space<hbm>> -> memref<64x128xf32, #tpu.memory_space<hbm>>
            tpu.enqueue_dma source(%arg9 : memref<64x128xf32, #tpu.memory_space<vmem>>) target(%dma_start3A_1356 : memref<64x128xf32, #tpu.memory_space<hbm>>) target_semaphore(%run_scoped3A_1350 : memref<!tpu.dma_semaphore, #tpu.memory_space<semaphore_mem>>)
            %dma_wait3A_1357 = arith.constant 0 : i32
            %dma_wait3A_1358 = tpu.memref_slice %arg5[%scan3A_69, %add3A_60, %mul3A_1308, %run_scoped3A, %dma_wait3A_1357] : memref<26x4x128x8x128xf32, #tpu.memory_space<hbm>> -> memref<1x1x64x1x128xf32, #tpu.memory_space<hbm>>
            %dma_wait3A_1359 = tpu.memref_squeeze %dma_wait3A_1358 : memref<1x1x64x1x128xf32, #tpu.memory_space<hbm>> -> memref<64x128xf32, #tpu.memory_space<hbm>>
            %dma_wait3A_1360 = arith.constant 0 : i32
            %dma_wait3A_1361 = tpu.memref_slice %arg5[%scan3A_69, %add3A_60, %mul3A_1308, %run_scoped3A, %dma_wait3A_1360] : memref<26x4x128x8x128xf32, #tpu.memory_space<hbm>> -> memref<1x1x64x1x128xf32, #tpu.memory_space<hbm>>
            %dma_wait3A_1362 = tpu.memref_squeeze %dma_wait3A_1361 : memref<1x1x64x1x128xf32, #tpu.memory_space<hbm>> -> memref<64x128xf32, #tpu.memory_space<hbm>>
            tpu.wait_dma2 semaphore(%run_scoped3A_1350 : memref<!tpu.dma_semaphore, #tpu.memory_space<semaphore_mem>>) src(%arg9 : memref<64x128xf32, #tpu.memory_space<vmem>>) dst(%dma_wait3A_1362 : memref<64x128xf32, #tpu.memory_space<hbm>>)
            tpu.yield
          }) : () -> ()
        } else {
        }
        %barrier3A_1349 = arith.constant 0 : index
        tpu.barrier barrier_id(%barrier3A_1349)
      }
      %scan3A_68 = arith.constant 26 : i32
    }
    %scan3A_50 = arith.constant 2 : i32
    return
  }
}

</mosaic_0001>

<sc_bundles>
// kernel: kernel.3.cloned.1.call-start
scs
__scs_entry_jumppad:
0x0: {  	(pc) =	sbr.rel $0x88, $3  }
0x1: {  	(tag) =	ssettag $0x0;
	lr =	simm.s32 $0x1  }
0x2: {  	[smem:$0x3F9F] =	sst lr;
	_ =	strace $0xD0000000  }
0x3: {  	_ = 	snop  }
0x4: {  	_ = 	snop  }
0x5: {  	_ = 	snop  }
0x6: {  	_ = 	snop  }
0x7: {  	_ = 	snop  }
__scs_overlays_trampoline_lowered:
0x8: {  	[smem:$0x3FAE] =	sst s0  }
0x9: {  	[smem:$0x3FAF] =	sst s1  }
0xa: {  	[smem:$0x3FB0] =	sst s2  }
0xb: {  	[smem:$0x3FB1] =	sst s3  }
0xc: {  	[smem:$0x3FB2] =	sst s4  }
0xd: {  	[smem:$0x3FB3] =	sst s5  }
0xe: {  	[smem:$0x3FB4] =	sst s6  }
0xf: {  	[smem:$0x3FB5] =	sst s7  }
0x10: {  	[smem:$0x3FB6] =	sst s8  }
0x11: {  	[smem:$0x3FB7] =	sst s9;
	s0 =	simm.s32 @!p0 $0x0  }
0x12: {  	s1 =	sld [smem:$0x3F9D];
	s0 =	simm.s32 @p0 $0x1  }
0x13: {  	[smem:$0x3FB8] =	sst s0;
	s0 =	simm.s32 @!p1 $0x0  }
0x14: {  	s2 =	sld [smem:$0x3F9C];
	s0 =	simm.s32 @p1 $0x1  }
0x15: {  	[smem:$0x3FB9] =	sst s0;
	s0 =	simm.s32 @!p2 $0x0  }
0x16: {  	s3 =	sld [smem:$0x3FDB];
	s0 =	simm.s32 @p2 $0x1  }
0x17: {  	s4 =	simm.s32 $0x1BF5;
	[smem:$0x3FBB] =	sst s0  }
0x18: {  	s0 =	sld [smem:$0x3F9E];
	_ =	swait.ge [sflag:s4], $0x0  }
0x19: {  	s7 =	sld [smem:$0x3F9F]  }
0x1a: {  	s8 =	sadd.s32 $0xFFFFE003, lr  }
0x1b: {  	s9 =	sadd.s32 $0xFFFFFEF7, lr;
	s5 =	simm.s32 $0xFFFFFFFF;
	p2 =	slt.u32 s8, $0xFFFFF086  }
0x1c: {  	p1 =	slt.u32 s9, $0xF7A;
	s5 =	simm.s32 @!p2 $0x0  }
0x1d: {  	s5 =	simm.s32 @p1 $0x1;
	p0 =	seq.s32 s7, s2  }
0x1e: {  	s7 =	smul.u32 @!p0 $0xF7A, s2;
	p2 =	seq.s32 @!p0 s5, $0x0  }
0x1f: {  	s9 =	smul.u32 $0xF7A, s1;
	s8 =	simm.s32 @!p0 $0x1BF5;
	p2 =	por !p2, p0  }
0x20: {  	[sflag:s8] =	ssyncset.s32 @!p0 $0xFFFFF086;
	s6 =	sadd.s32 @!p0 s3, s7;
	s7 =	simm.s32 @!p0 $0x108  }
0x21: {  	s3 =	sadd.s32 s3, s9;
	s6 =	sadd.s32 @!p0 $0x88, s6;
	s7 =	simm.s32 @p2 $0x1082  }
0x22: {  	[simem:s7], [sflag:s8] =	dma.local @!p0 [hbm:s6], $0xF7A  }
0x23: {  	s9 =	sor.u32 $0xD0000000, s2;
	s6 =	simm.s32 $0x108;
	_ =	swait.ge @!p0 [sflag:s8], $0x0  }
0x24: {  	s3 =	sadd.s32 $0x88, s3;
	s6 =	simm.s32 @!p1 $0x1082;
	[sflag:s4] =	ssyncset.s32 $0xFFFFF086  }
0x25: {  	[simem:s6], [sflag:s4] =	dma.local [hbm:s3], $0xF7A  }
0x26: {  	[smem:$0x3F9F] =	sst s1;
	(tag) =	ssettag s2;
	_ =	strace s9  }
0x27: {  	s1 =	sld [smem:$0x3FAF]  }
0x28: {  	s2 =	sld [smem:$0x3FB0]  }
0x29: {  	s4 =	sld [smem:$0x3FB2]  }
0x2a: {  	p0 =	seq.s32 s5, $0x0;
	s5 =	sld [smem:$0x3FB3]  }
0x2b: {  	s6 =	sld [smem:$0x3FB4]  }
0x2c: {  	s7 =	sld [smem:$0x3FB5]  }
0x2d: {  	s3 =	simm.s32 $0x108;
	s8 =	sld [smem:$0x3FB6]  }
0x2e: {  	s3 =	simm.s32 @!p0 $0x1082;
	s9 =	sld [smem:$0x3FB7]  }
0x2f: {  	lr =	sadd.s32 s0, s3;
	s0 =	sld [smem:$0x3FAE]  }
0x30: {  	s3 =	sld [smem:$0x3FB1]  }
0x31: {  	[smem:$0x3FBA] =	sst s10  }
0x32: {  	s10 =	sld [smem:$0x3FB8];
	_ =	sdelay $0x3  }
0x33: {  	p0 =	seq.s32 s10, $0x1;
	s10 =	sld [smem:$0x3FBA];
	_ =	sdelay $0x3  }
0x34: {  	[smem:$0x3FBA] =	sst s10  }
0x35: {  	s10 =	sld [smem:$0x3FB9];
	_ =	sdelay $0x3  }
0x36: {  	p1 =	seq.s32 s10, $0x1;
	s10 =	sld [smem:$0x3FBA];
	_ =	sdelay $0x3  }
0x37: {  	[smem:$0x3FBA] =	sst s10  }
0x38: {  	s10 =	sld [smem:$0x3FBB]  }
0x39: {  	_ = 	snop;
	(pc) =	sbr.ind lr, $3  }
0x3a: {  	_ = 	snop  }
0x3b: {  	_ = 	snop  }
0x3c: {  	p2 =	seq.s32 s10, $0x1;
	s10 =	sld [smem:$0x3FBA]  }
0x3d: {  	_ =	shalt  }
0x3e: {  	_ =	shalt  }
0x3f: {  	_ =	shalt  }
0x40: {  	_ =	shalt  }
0x41: {  	_ =	shalt  }
0x42: {  	_ =	shalt  }
0x43: {  	_ =	shalt  }
0x44: {  	_ =	shalt  }
0x45: {  	_ =	shalt  }
0x46: {  	_ =	shalt  }
0x47: {  	_ =	shalt  }
0x48: {  	_ =	shalt  }
0x49: {  	_ =	shalt  }
0x4a: {  	_ =	shalt  }
0x4b: {  	_ =	shalt  }
0x4c: {  	_ =	shalt  }
0x4d: {  	_ =	shalt  }
0x4e: {  	_ =	shalt  }
0x4f: {  	_ =	shalt  }
0x50: {  	_ =	shalt  }
0x51: {  	_ =	shalt  }
0x52: {  	_ =	shalt  }
0x53: {  	_ =	shalt  }
0x54: {  	_ =	shalt  }
0x55: {  	_ =	shalt  }
0x56: {  	_ =	shalt  }
0x57: {  	_ =	shalt  }
0x58: {  	_ =	shalt  }
0x59: {  	_ =	shalt  }
0x5a: {  	_ =	shalt  }
0x5b: {  	_ =	shalt  }
0x5c: {  	_ =	shalt  }
0x5d: {  	_ =	shalt  }
0x5e: {  	_ =	shalt  }
0x5f: {  	_ =	shalt  }
0x60: {  	_ =	shalt  }
0x61: {  	_ =	shalt  }
0x62: {  	_ =	shalt  }
0x63: {  	_ =	shalt  }
0x64: {  	_ =	shalt  }
0x65: {  	_ =	shalt  }
0x66: {  	_ =	shalt  }
0x67: {  	_ =	shalt  }
0x68: {  	_ =	shalt  }
0x69: {  	_ =	shalt  }
0x6a: {  	_ =	shalt  }
0x6b: {  	_ =	shalt  }
0x6c: {  	_ =	shalt  }
0x6d: {  	_ =	shalt  }
0x6e: {  	_ =	shalt  }
0x6f: {  	_ =	shalt  }
0x70: {  	_ =	shalt  }
0x71: {  	_ =	shalt  }
0x72: {  	_ =	shalt  }
0x73: {  	_ =	shalt  }
0x74: {  	_ =	shalt  }
0x75: {  	_ =	shalt  }
0x76: {  	_ =	shalt  }
0x77: {  	_ =	shalt  }
0x78: {  	_ =	shalt  }
0x79: {  	_ =	shalt  }
0x7a: {  	_ =	shalt  }
0x7b: {  	_ =	shalt  }
0x7c: {  	_ =	shalt  }
0x7d: {  	_ =	shalt  }
0x7e: {  	_ =	shalt  }
0x7f: {  	_ =	shalt  }
0x80: {  	_ =	shalt  }
0x81: {  	_ =	shalt  }
0x82: {  	_ =	shalt  }
0x83: {  	_ =	shalt  }
0x84: {  	_ =	shalt  }
0x85: {  	_ =	shalt  }
0x86: {  	_ =	shalt  }
0x87: {  	_ =	shalt  }
.Lfunc_end0:
.L_simem_size_0:
called_computation_lowered:
.L_overlay_start_0:
0x88: {  	s2 =	sld [smem:$0x3FD9]  }
0x89: {  	s3 =	sld [smem:$0x3FFE];
	_ =	sdelay $0x1  }
0x8a: {  	s1 =	srdreg.scid  }
0x8b: {  	s0 =	sand.u32 $0x1, s1  }
0x8c: {  	s17 =	sshll.u32 s0, $0xA;
	s2 =	sadd.s32 s3, s2  }
0x8d: {  	s2 =	sadd.s32 s2, s17  }
0x8e: {  	[smem:$0x3FC6] =	sst s2  }
0x8f: {  	_ = 	snop  }
0x90: {  	s2 =	sld [smem:$0x3FC8]  }
0x91: {  	s18 =	sld [smem:$0x3FD0];
	(tm) =	ssettm $0x1  }
0x92: {  	s4 =	sld [smem:$0x3FFB];
	_ =	sdelay $0x3  }
0x93: {  	_ =	strace s4  }
0x94: {  	s4 =	sld [smem:$0x3FFC];
	_ =	sdelay $0x3  }
0x95: {  	_ =	strace s4  }
0x96: {  	s4 =	sld [smem:$0x3FFD];
	_ =	sdelay $0x3  }
0x97: {  	_ =	strace s4  }
0x98: {  	_ =	strace $0x8FFFFFFF  }
0x99: {  	s19 =	sld [smem:$0x3FDB];
	_ =	sdelay $0x1  }
0x9a: {  	s5 =	simm.s32 $_scs_section_size  }
0x9b: {  	s6 =	simm.s32 $_size__tile_overlayer_lowered;
	s7 =	simm.s32 $_tile_overlayer_lowered  }
0x9c: {  	s22 =	simm.s32 $0x1BFF;
	s21 =	sshll.u32 s7, $0x1;
	s4 =	sadd.s32 s5, s19  }
0x9d: {  	s8 =	simm.s32 $0x0;
	s20 =	sshll.u32 s6, $0x1;
	s6 =	sadd.s32 s21, s4  }
0x9e: {  	[timem:s8], [sflag:s22] =	dma.local [hbm:s6], s20  }
0x9f: {  	_ =	swait.ge [sflag:s22], s20  }
0xa0: {  	s5 =	ssub.s32 $0x0, s20;
	[sflag:s22] =	ssyncset.done $0x0  }
0xa1: {  	[sflag:s22] =	ssyncadd.s32 s5;
	_ =	sdelay $0x1  }
0xa2: {  	s23 =	simm.s32 $0x1B8B  }
0xa3: {  	_ =	swait.ge [sflag:s23], $0x1  }
0xa4: {  	[sflag:s23] =	ssyncset.done $0x0  }
0xa5: {  	s25 =	simm.s32 $0x1B8E;
	s24 =	sld [smem:$0x3FFE];
	[sflag:s23] =	ssyncadd.s32 $0xFFFFFFFF  }
0xa6: {  	s26 =	simm.s32 $execute0_lowered;
	[smem:$0x3FD2] =	sst s25  }
0xa7: {  	s6 =	sshll.u32 s26, $0x1;
	_ =	strace $0x80000046;
	[dreg:$0x1] =	wrdreg $0xFFFFFFFF  }
0xa8: {  	s28 =	simm.s32 $_size_execute0_lowered;
	s4 =	sadd.s32 s4, s6;
	[dreg:$0x0] =	wrdreg $0x0  }
0xa9: {  	s6 =	sshll.u32 s28, $0x1;
	[dreg:$0x2] =	wrdreg s4  }
0xaa: {  	[dreg:$0x3] =	wrdreg s6  }
0xab: {  	[dreg:$0x4] =	wrdreg $0xC0  }
0xac: {  	_ =	task [dreg:s8], $0x5FFFF  }
0xad: {  	[dreg:$0x1] =	wrdreg $0xFFFFFFFF  }
0xae: {  	[dreg:$0x0] =	wrdreg $0x60  }
0xaf: {  	[dreg:$0x2] =	wrdreg s2  }
0xb0: {  	[dreg:$0x3] =	wrdreg s24  }
0xb1: {  	[dreg:$0x4] =	wrdreg s18  }
0xb2: {  	[dreg:$0x5] =	wrdreg $0x0  }
0xb3: {  	[dreg:$0x6] =	wrdreg $0x9  }
0xb4: {  	_ =	task.clear_ibuf [dreg:s8], $0x7FFFF;
	_ =	strace $0x90000046  }
0xb5: {  	s29 =	simm.s32 $0x9;
	_ =	strace $0x80000048  }
0xb6: {  	_ =	swait.ge [sflag:s29], $0x1  }
0xb7: {  	[sflag:s29] =	ssyncadd.s32 $0xFFFFFFFF  }
0xb8: {  	_ =	strace $0x90000048  }
0xb9: {  	_ =	sfence  }
0xba: {  	s30 =	sld [smem:$0x0];
	_ =	sdelay $0x2  }
0xbb: {  	s31 =	sshll.u32 s1, $0xD;
	s1 =	sshrl.u32 s1, $0x2  }
0xbc: {  	s3 =	sand.u32 $0x4000, s31;
	s1 =	sadd.s32 s1, s30  }
0xbd: {  	s0 =	sor.u32 s3, s0;
	s1 =	sshll.u32 s1, $0x11  }
0xbe: {  	s0 =	sor.u32 s1, s0  }
0xbf: {  	s0 =	sadd.s32 $0x8F2B, s0  }
0xc0: {  	[sflag:s0] =	ssyncadd.remote.s32 $0x1  }
0xc1: {  	_ =	sfence.sel $0xFFFF  }
0xc2: {  	[dreg:$0x0] =	wrdreg $0xFFFFFFFF;
	(pc) =	sbr.abs _section_cstart, $3  }
0xc3: {  	[dreg:$0x1] =	wrdreg $0xFFFFFFFF  }
0xc4: {  	_ =	task.clear_ibuf [dreg:s8], $0x2FFFF;
	_ =	strace $0x9FFFFFFF  }
0xc5: {  	(tm) =	ssettm $0x7FFFFFFF  }
tec
execute0_lowered:
.L_overlay_start_1:
0x0: {  	(tag) =	ssettag $0x1  }
0x1: {  	s10 =	rddreg [dreg:$0x0]  }
0x2: {  	s0 =	rddreg [dreg:$0x1]  }
0x3: {  	s1 =	rddreg [dreg:$0x2]  }
0x4: {  	s2 =	rddreg [dreg:$0x3];
	s29 =	simm.s32 $0x0;
	s11 =	stileid.u32  }
0x5: {  	s3 =	srdreg.scid;
	s28 =	simm.s32 $0x187A0;
	s31 =	simm.s32 $0x1A520  }
0x6: {  	[smem:$0x7FF] =	sst s29;
	s3 =	sand.u32 $0x1, s3;
	s4 =	sshrl.u32 s11, $0x1  }
0x7: {  	s5 =	sand.u32 $0x1, s11;
	s15 =	sadd.s32 $0x70, s10;
	s16 =	sadd.s32 $0x60, s10  }
0x8: {  	s9 =	sadd.s32 $0x50, s10;
	_ =	strace $0x80000047;
	[dreg:$0x7] =	wrdreg s15  }
0x9: {  	s18 =	sadd.s32 $0x40, s10;
	s19 =	sadd.s32 $0x30, s10;
	[dreg:$0x8] =	wrdreg s16  }
0xa: {  	s20 =	sadd.s32 $0x20, s10;
	s10 =	sadd.s32 $0x10, s10;
	[dreg:$0x9] =	wrdreg s9  }
0xb: {  	s23 =	sshll.u32 s11, $0xD;
	s6 =	sshll.u32 s3, $0x7;
	[dreg:$0xa] =	wrdreg s18  }
0xc: {  	s7 =	sshll.u32 s4, $0x3;
	s8 =	sshll.u32 s5, $0xA;
	[dreg:$0xb] =	wrdreg s19  }
0xd: {  	s12 =	ssub.s32 $0x2, s3;
	s14 =	sshll.u32 s3, $0x1;
	[dreg:$0xc] =	wrdreg s20  }
0xe: {  	s17 =	smul.u32 $0x61D00, s4;
	s21 =	sshll.u32 s5, $0x6;
	[dreg:$0xd] =	wrdreg s10  }
0xf: {  	s22 =	sshll.u32 s3, $0xF;
	p2 =	sgt.s32 s4, $0x1;
	p1 =	sgt.s32 s4, $0x3  }
0x10: {  	s18 =	simm.s32 $0x1C6A0;
	s19 =	simm.s32 $0x1A720;
	s20 =	simm.s32 $0x1C720  }
0x11: {  	s3 =	simm.s32 $0x0;
	s6 =	sor.u32 s7, s6;
	s8 =	sadd.s32 s8, s0  }
0x12: {  	s13 =	sshrl.u32 s12, $0x1;
	[dreg:$0x5] =	wrdreg s14;
	s0 =	sadd.s32 s6, s0  }
0x13: {  	s16 =	ssub.s32 $0xFFFF3C80, s21;
	s1 =	sadd.s32 s22, s1;
	s0 =	sadd.s32 $0x400, s0  }
0x14: {  	p0 =	seq.s32 @p2 s4, $0x2;
	[dreg:$0xf] =	wrdreg s0;
	s0 =	simm.s32 @!p1 $0x0  }
0x15: {  	s22 =	simm.s32 $0x1A620;
	s0 =	simm.s32 @p1 $0x1;
	p1 =	por !p0, !p2  }
0x16: {  	s6 =	ssub.s32 s12, s13;
	[smem:$0x7F2] =	sst s0;
	s0 =	simm.s32 @!p1 $0x0  }
0x17: {  	s12 =	smul.u32 $0xC380, s5;
	p0 =	por p0, !p2;
	s0 =	simm.s32 @p1 $0x1  }
0x18: {  	p1 =	seq.s32 @!p2 s4, $0x0;
	[smem:$0x7F3] =	sst s0;
	s0 =	simm.s32 @!p0 $0x0  }
0x19: {  	s7 =	sshrl.u32 s17, $0x2;
	s0 =	simm.s32 @p0 $0x1;
	p0 =	por !p1, p2  }
0x1a: {  	s13 =	sor.u32 $0xC380, s21;
	[smem:$0x7F4] =	sst s0;
	s0 =	simm.s32 @!p0 $0x0  }
0x1b: {  	s5 =	sshll.u32 s5, $0xD;
	s26 =	sadd.s32 s23, s1;
	s0 =	simm.s32 @p0 $0x1  }
0x1c: {  	s30 =	sadd.s32 $0x600, s8;
	[smem:$0x7F5] =	sst s0;
	s0 =	simm.s32 @!p2 $0x0  }
0x1d: {  	s23 =	simm.s32 $0x2;
	p0 =	por p1, p2;
	s0 =	simm.s32 @p2 $0x1  }
0x1e: {  	s17 =	simm.s32 $0x1C5A0;
	[smem:$0x7F6] =	sst s0;
	s0 =	simm.s32 @!p0 $0x0  }
0x1f: {  	s21 =	simm.s32 $0x1;
	s0 =	simm.s32 @p0 $0x1;
	p0 =	sne.s32 s4, $0x0  }
0x20: {  	p2 =	sgt.s32 s4, $0x5;
	[smem:$0x7F7] =	sst s0;
	s0 =	simm.s32 @!p0 $0x0  }
0x21: {  	s14 =	sadd.s32 s7, s2;
	s0 =	simm.s32 @p0 $0x1;
	p0 =	seq.s32 @p2 s4, $0x6  }
0x22: {  	s24 =	smax.u32 s6, $0x1;
	[dreg:$0x11] =	wrdreg s26;
	p3 =	por !p0, !p2  }
0x23: {  	s25 =	sadd.s32 s5, s1;
	[smem:$0x7F8] =	sst s0;
	s0 =	simm.s32 @!p3 $0x0  }
0x24: {  	[dreg:$0x12] =	wrdreg s30;
	p0 =	por p0, !p2;
	s0 =	simm.s32 @p3 $0x1  }
0x25: {  	p1 =	seq.s32 @!p2 s4, $0x4;
	[smem:$0x7F9] =	sst s0;
	s0 =	simm.s32 @!p0 $0x0  }
0x26: {  	s26 =	simm.s32 $0xC3A0;
	s0 =	simm.s32 @p0 $0x1;
	p0 =	por !p1, p2  }
0x27: {  	s2 =	simm.s32 $0x1A5A0;
	[smem:$0x7FA] =	sst s0;
	s0 =	simm.s32 @!p0 $0x0  }
0x28: {  	s5 =	simm.s32 $0x1A6A0;
	[dreg:$0x6] =	wrdreg s12;
	s0 =	simm.s32 @p0 $0x1  }
.Ltmp0:
0x29: {  	[smem:$0x7FB] =	sst s0;
	s0 =	simm.s32 @!p2 $0x0;
	(pc) =	sbr.rel .LBB2_1-.Ltmp0, $4  }
0x2a: {  	[dreg:$0xe] =	wrdreg s24;
	p0 =	por p1, p2;
	s0 =	simm.s32 @p2 $0x1  }
0x2b: {  	s15 =	sadd.s32 s12, s14;
	[smem:$0x7FC] =	sst s0;
	s0 =	simm.s32 @!p0 $0x0  }
0x2c: {  	[dreg:$0x10] =	wrdreg s25;
	s24 =	simm.s32 $0x80;
	s0 =	simm.s32 @p0 $0x1  }
0x2d: {  	s4 =	simm.s32 $0x1C620;
	[smem:$0x7FD] =	sst s0;
	s0 =	simm.s32 $0x1C520  }
.LBB2_8:
0x2e: {  	s3 =	rddreg [dreg:$0x13]  }
0x2f: {  	s1 =	rddreg [dreg:$0xe];
	s3 =	sadd.s32 $0x1, s3  }
0x30: {  	p0 =	sne.s32 s3, s1  }
.Ltmp1:
0x31: {  	_ = 	snop;
	(pc) =	sbr.rel @!p0 .LBB2_9-.Ltmp1, $1  }
0x32: {  	_ =	sdelay $0x3  }
.LBB2_1:
.Ltmp2:
0x33: {  	(pc) =	sbr.rel .LBB2_2-.Ltmp2, $2  }
0x34: {  	_ =	sdelay $0x2  }
0x35: {  	[dreg:$0x13] =	wrdreg s3;
	p0 =	por $0x1, $0x1;
	s6 =	simm.s32 $0x0  }
.LBB2_7:
0x36: {  	s1 =	sld [smem:$0x7F1];
	_ =	sdelay $0x2  }
0x37: {  	p1 =	seq.s32 s1, $0x1  }
.Ltmp3:
0x38: {  	_ = 	snop;
	(pc) =	sbr.rel @!p1 .LBB2_8-.Ltmp3, $2  }
0x39: {  	_ =	sdelay $0x2  }
0x3a: {  	s6 =	simm.s32 $0x1;
	p0 =	por $0x0, $0x0  }
.LBB2_2:
0x3b: {  	s3 =	rddreg [dreg:$0x5]  }
0x3c: {  	s1 =	sshll.u32 s6, $0x6;
	s7 =	rddreg [dreg:$0xf];
	s8 =	simm.s32 $0x18720  }
0x3d: {  	s12 =	sshll.u32 s6, $0xE;
	s7 =	sadd.s32 s7, s1;
	s1 =	simm.s32 $0x0  }
0x3e: {  	[tilespmem:s8], [sflag:$0x2] =	stream.linear.gather [hbm4b:s7+s1], $0x40, $0x38;
	[tilespmem:$0x1C7A0] =	vst v63  }
0x3f: {  	s3 =	sor.u32 s3, s6;
	s6 =	simm.s32 @!p0 $0x0;
	_ =	swait.ge [sflag:s23], $0x40  }
0x40: {  	s6 =	simm.s32 @p0 $0x1;
	s11 =	rddreg [dreg:$0x6]  }
.Ltmp4:
0x41: {  	[smem:$0x7F1] =	sst s6;
	(pc) =	sbr.rel .LBB2_3-.Ltmp4, $4  }
0x42: {  	s25 =	rddreg [dreg:$0x10]  }
0x43: {  	s3 =	smul.u32 $0x27AC80, s3;
	[sflag:s23] =	ssyncset.done $0x0;
	s30 =	rddreg [dreg:$0x11]  }
0x44: {  	s9 =	simm.s32 $0x0;
	s8 =	rddreg [dreg:$0x12];
	[sflag:s23] =	ssyncadd.s32 $0xFFFFFFC0  }
0x45: {  	s3 =	sadd.s32 s3, s11;
	s6 =	sadd.s32 s12, s25;
	s7 =	sadd.s32 s12, s30  }
.LBB2_5:
0x46: {  	s12 =	sld [smem:$0x7F9]  }
0x47: {  	s30 =	sld [smem:$0x7FA];
	_ =	sdelay $0x1  }
0x48: {  	s25 =	sld [smem:$0x7FB]  }
0x49: {  	p4 =	seq.s32 s12, $0x1;
	p5 =	seq.s32 s30, $0x1;
	s30 =	sld [smem:$0x7FD]  }
0x4a: {  	s29 =	sld [smem:$0x7FA];
	p2 =	por @!p4 $0x0, $0x0;
	p0 =	por @!p5 $0x1, $0x1  }
0x4b: {  	p1 =	por @!p4 $0x1, $0x1;
	p3 =	por @!p5 $0x0, $0x0;
	p0 =	por @!p4 p2, p2  }
0x4c: {  	p3 =	por @!p4 p1, p1;
	s12 =	simm.s32 @!p0 $0x0;
	p1 =	seq.s32 s30, $0x1  }
0x4d: {  	s12 =	simm.s32 @p0 $0x1;
	p0 =	por @!p5 $0x0, $0x0;
	p5 =	seq.s32 s25, $0x1  }
0x4e: {  	[smem:$0x7EE] =	sst s12;
	p0 =	por @!p4 p2, p2;
	s12 =	simm.s32 @!p3 $0x0  }
0x4f: {  	p4 =	por @!p5 $0x0, $0x0;
	s12 =	simm.s32 @p3 $0x1;
	p3 =	por @!p1 $0x1, $0x1  }
0x50: {  	s25 =	sld [smem:$0x7FC];
	p3 =	por @!p5 p4, p4  }
0x51: {  	p6 =	por @!p5 $0x1, $0x1;
	[smem:$0x7EA] =	sst s12;
	s12 =	simm.s32 @!p3 $0x0  }
0x52: {  	p2 =	por @!p1 $0x0, $0x0;
	p1 =	por @!p1 $0x0, $0x0;
	s12 =	simm.s32 @p3 $0x1  }
0x53: {  	p1 =	por @!p5 p6, p6;
	[smem:$0x7E9] =	sst s12;
	s12 =	simm.s32 @!p0 $0x0  }
0x54: {  	p6 =	seq.s32 s25, $0x1;
	s12 =	simm.s32 @p0 $0x1;
	s25 =	sld [smem:$0x7E9]  }
0x55: {  	[smem:$0x7EF] =	sst s12;
	s12 =	simm.s32 @!p0 $0x0  }
0x56: {  	s12 =	simm.s32 @p0 $0x1;
	s30 =	sld [smem:$0x7EF]  }
0x57: {  	[smem:$0x7EB] =	sst s12;
	s12 =	simm.s32 @!p0 $0x0  }
0x58: {  	p2 =	por @!p5 p4, p4;
	p4 =	seq.s32 s25, $0x1;
	s12 =	simm.s32 @p0 $0x1  }
0x59: {  	[smem:$0x7F0] =	sst s12;
	s12 =	simm.s32 @!p0 $0x0;
	p3 =	seq.s32 s30, $0x1  }
0x5a: {  	s25 =	sld [smem:$0x7F9];
	s12 =	simm.s32 @p0 $0x1;
	p3 =	por @!p6 p4, p4  }
0x5b: {  	[smem:$0x7EC] =	sst s12;
	s12 =	simm.s32 @!p3 $0x0  }
0x5c: {  	s30 =	rddreg [dreg:$0x9];
	s12 =	simm.s32 @p3 $0x1  }
0x5d: {  	[smem:$0x7EF] =	sst s12  }
0x5e: {  	p4 =	seq.s32 s25, $0x1;
	s12 =	rddreg [dreg:$0x8]  }
0x5f: {  	p3 =	seq.s32 s29, $0x1;
	s25 =	sadd.s32 @!p4 s11, s12;
	s12 =	rddreg [dreg:$0x7]  }
0x60: {  	s29 =	sadd.s32 @!p3 s11, s12;
	s12 =	rddreg [dreg:$0xa]  }
0x61: {  	[smem:$0x7ED] =	sst s0  }
0x62: {  	s0 =	sld [smem:$0x7FD];
	_ =	sdelay $0x2  }
0x63: {  	p0 =	por @!p6 p1, p1;
	p1 =	seq.s32 s0, $0x1;
	s0 =	sld [smem:$0x7ED]  }
0x64: {  	s12 =	sadd.s32 @!p5 s11, s12;
	s11 =	sadd.s32 @!p1 s11, s30;
	s30 =	sld [smem:$0x7F0]  }
0x65: {  	_ =	sdelay $0x1  }
0x66: {  	s25 =	smov.u32 @p4 s29;
	p4 =	seq.s32 s30, $0x1;
	s30 =	sld [smem:$0x7EB]  }
0x67: {  	_ =	sdelay $0x1  }
0x68: {  	p1 =	seq.s32 s30, $0x1;
	s30 =	sld [smem:$0x7EE];
	_ =	sdelay $0x1  }
0x69: {  	s29 =	sld [smem:$0x7EA]  }
0x6a: {  	s12 =	smov.u32 @p5 s11;
	p5 =	seq.s32 s30, $0x1  }
0x6b: {  	s12 =	smov.u32 @p6 s25;
	s30 =	sld [smem:$0x7EC];
	p5 =	por @!p6 p2, p2  }
0x6c: {  	p3 =	seq.s32 s29, $0x1;
	s29 =	simm.s32 $0x0;
	s11 =	simm.s32 @!p5 $0x0  }
0x6d: {  	p4 =	por @!p6 p2, p2;
	p3 =	por @!p6 p2, p2;
	s11 =	simm.s32 @p5 $0x1  }
0x6e: {  	p1 =	por @!p6 p2, p2;
	p5 =	seq.s32 s30, $0x1;
	[smem:$0x7EE] =	sst s11  }
0x6f: {  	p5 =	por @!p6 p2, p2;
	p2 =	por p3, p3;
	p6 =	por p0, p0  }
.LBB2_6:
0x70: {  	s11 =	simm.s32 $0x400  }
0x71: {  	[tilespmem:s26], [sflag:$0x2] =	stream.strided.gather [hbm4b:s12+s24], $0xC380, s11, s24, $0x38;
	[tilespmem:$0x1C7A0] =	vst v63  }
0x72: {  	_ =	swait.ge [sflag:s23], $0xC380  }
0x73: {  	[sflag:s23] =	ssyncset.done $0x0  }
0x74: {  	[sflag:s23] =	ssyncadd.s32 $0xFFFF3C80  }
0x75: {  	[spmem:s15] =	stream.linear.scatter [tilespmem:s26], [sflag:$0x2], s13, $0x38;
	[tilespmem:$0x1C7A0] =	vst v63  }
0x76: {  	_ =	swait.ge [sflag:s23], s13  }
0x77: {  	[sflag:s23] =	ssyncset.done $0x0  }
0x78: {  	[sflag:s23] =	ssyncadd.s32 s16  }
0x79: {  	[bflag:$0x0] =	sbarrier.arrive $0xFFFF  }
0x7a: {  	[tilespmem:s28], [sflag:$0x2] =	stream.linear.gather [hbm4b:s8+s29], $0x2000, $0x38;
	[tilespmem:$0x1C7A0] =	vst v63  }
0x7b: {  	_ =	swait.ge [sflag:s23], $0x2000  }
0x7c: {  	[sflag:s23] =	ssyncset.done $0x0  }
0x7d: {  	s10 =	sadd.s32 s10, s14;
	s12 =	simm.s32 $0x1A7A0;
	[sflag:s23] =	ssyncadd.s32 $0xFFFFE000  }
0x7e: {  	[tilespmem:s12], [sflag:$0x1] =	stream.indirect.gather [spmem:s10], $0x1, s28, s24, $0xb8;
	[tilespmem:$0x1C7A0] =	vst v63  }
0x7f: {  	s25 =	simm.s32 $0x18820;
	s30 =	simm.s32 $0x1A820  }
0x80: {  	[tilespmem:s30], [sflag:$0x1] =	stream.indirect.gather [spmem:s10], $0x1, s25, s24, $0xb8;
	[tilespmem:$0x1C7A0] =	vst v63  }
0x81: {  	s25 =	simm.s32 $0x188A0;
	s30 =	simm.s32 $0x1A8A0  }
0x82: {  	[tilespmem:s30], [sflag:$0x1] =	stream.indirect.gather [spmem:s10], $0x1, s25, s24, $0xb8;
	[tilespmem:$0x1C7A0] =	vst v63  }
0x83: {  	s25 =	simm.s32 $0x18920;
	s30 =	simm.s32 $0x1A920  }
0x84: {  	[tilespmem:s30], [sflag:$0x1] =	stream.indirect.gather [spmem:s10], $0x1, s25, s24, $0xb8;
	[tilespmem:$0x1C7A0] =	vst v63  }
0x85: {  	s25 =	simm.s32 $0x189A0;
	s30 =	simm.s32 $0x1A9A0  }
0x86: {  	[tilespmem:s30], [sflag:$0x1] =	stream.indirect.gather [spmem:s10], $0x1, s25, s24, $0xb8;
	[tilespmem:$0x1C7A0] =	vst v63  }
0x87: {  	s25 =	simm.s32 $0x18A20;
	s30 =	simm.s32 $0x1AA20  }
0x88: {  	[tilespmem:s30], [sflag:$0x1] =	stream.indirect.gather [spmem:s10], $0x1, s25, s24, $0xb8;
	[tilespmem:$0x1C7A0] =	vst v63  }
0x89: {  	s25 =	simm.s32 $0x18AA0;
	s30 =	simm.s32 $0x1AAA0  }
0x8a: {  	[tilespmem:s30], [sflag:$0x1] =	stream.indirect.gather [spmem:s10], $0x1, s25, s24, $0xb8;
	[tilespmem:$0x1C7A0] =	vst v63  }
0x8b: {  	s25 =	simm.s32 $0x18B20;
	s30 =	simm.s32 $0x1AB20  }
0x8c: {  	[tilespmem:s30], [sflag:$0x1] =	stream.indirect.gather [spmem:s10], $0x1, s25, s24, $0xb8;
	[tilespmem:$0x1C7A0] =	vst v63  }
0x8d: {  	s25 =	simm.s32 $0x18BA0;
	s30 =	simm.s32 $0x1ABA0  }
0x8e: {  	[tilespmem:s30], [sflag:$0x1] =	stream.indirect.gather [spmem:s10], $0x1, s25, s24, $0xb8;
	[tilespmem:$0x1C7A0] =	vst v63  }
0x8f: {  	s25 =	simm.s32 $0x18C20;
	s30 =	simm.s32 $0x1AC20  }
0x90: {  	[tilespmem:s30], [sflag:$0x1] =	stream.indirect.gather [spmem:s10], $0x1, s25, s24, $0xb8;
	[tilespmem:$0x1C7A0] =	vst v63  }
0x91: {  	s25 =	simm.s32 $0x18CA0;
	s30 =	simm.s32 $0x1ACA0  }
0x92: {  	[tilespmem:s30], [sflag:$0x1] =	stream.indirect.gather [spmem:s10], $0x1, s25, s24, $0xb8;
	[tilespmem:$0x1C7A0] =	vst v63  }
0x93: {  	s25 =	simm.s32 $0x18D20;
	s30 =	simm.s32 $0x1AD20  }
0x94: {  	[tilespmem:s30], [sflag:$0x1] =	stream.indirect.gather [spmem:s10], $0x1, s25, s24, $0xb8;
	[tilespmem:$0x1C7A0] =	vst v63  }
0x95: {  	s25 =	simm.s32 $0x18DA0;
	s30 =	simm.s32 $0x1ADA0  }
0x96: {  	[tilespmem:s30], [sflag:$0x1] =	stream.indirect.gather [spmem:s10], $0x1, s25, s24, $0xb8;
	[tilespmem:$0x1C7A0] =	vst v63  }
0x97: {  	s25 =	simm.s32 $0x18E20;
	s30 =	simm.s32 $0x1AE20  }
0x98: {  	[tilespmem:s30], [sflag:$0x1] =	stream.indirect.gather [spmem:s10], $0x1, s25, s24, $0xb8;
	[tilespmem:$0x1C7A0] =	vst v63  }
0x99: {  	s25 =	simm.s32 $0x18EA0;
	s30 =	simm.s32 $0x1AEA0  }
0x9a: {  	[tilespmem:s30], [sflag:$0x1] =	stream.indirect.gather [spmem:s10], $0x1, s25, s24, $0xb8;
	[tilespmem:$0x1C7A0] =	vst v63  }
0x9b: {  	s25 =	simm.s32 $0x18F20;
	s30 =	simm.s32 $0x1AF20  }
0x9c: {  	[tilespmem:s30], [sflag:$0x1] =	stream.indirect.gather [spmem:s10], $0x1, s25, s24, $0xb8;
	[tilespmem:$0x1C7A0] =	vst v63  }
0x9d: {  	s25 =	simm.s32 $0x18FA0;
	s30 =	simm.s32 $0x1AFA0  }
0x9e: {  	[tilespmem:s30], [sflag:$0x1] =	stream.indirect.gather [spmem:s10], $0x1, s25, s24, $0xb8;
	[tilespmem:$0x1C7A0] =	vst v63  }
0x9f: {  	s25 =	simm.s32 $0x19020;
	s30 =	simm.s32 $0x1B020  }
0xa0: {  	[tilespmem:s30], [sflag:$0x1] =	stream.indirect.gather [spmem:s10], $0x1, s25, s24, $0xb8;
	[tilespmem:$0x1C7A0] =	vst v63  }
0xa1: {  	s25 =	simm.s32 $0x190A0;
	s30 =	simm.s32 $0x1B0A0  }
0xa2: {  	[tilespmem:s30], [sflag:$0x1] =	stream.indirect.gather [spmem:s10], $0x1, s25, s24, $0xb8;
	[tilespmem:$0x1C7A0] =	vst v63  }
0xa3: {  	s25 =	simm.s32 $0x19120;
	s30 =	simm.s32 $0x1B120  }
0xa4: {  	[tilespmem:s30], [sflag:$0x1] =	stream.indirect.gather [spmem:s10], $0x1, s25, s24, $0xb8;
	[tilespmem:$0x1C7A0] =	vst v63  }
0xa5: {  	s25 =	simm.s32 $0x191A0;
	s30 =	simm.s32 $0x1B1A0  }
0xa6: {  	[tilespmem:s30], [sflag:$0x1] =	stream.indirect.gather [spmem:s10], $0x1, s25, s24, $0xb8;
	[tilespmem:$0x1C7A0] =	vst v63  }
0xa7: {  	s25 =	simm.s32 $0x19220;
	s30 =	simm.s32 $0x1B220  }
0xa8: {  	[tilespmem:s30], [sflag:$0x1] =	stream.indirect.gather [spmem:s10], $0x1, s25, s24, $0xb8;
	[tilespmem:$0x1C7A0] =	vst v63  }
0xa9: {  	s25 =	simm.s32 $0x192A0;
	s30 =	simm.s32 $0x1B2A0  }
0xaa: {  	[tilespmem:s30], [sflag:$0x1] =	stream.indirect.gather [spmem:s10], $0x1, s25, s24, $0xb8;
	[tilespmem:$0x1C7A0] =	vst v63  }
0xab: {  	s25 =	simm.s32 $0x19320;
	s30 =	simm.s32 $0x1B320  }
0xac: {  	[tilespmem:s30], [sflag:$0x1] =	stream.indirect.gather [spmem:s10], $0x1, s25, s24, $0xb8;
	[tilespmem:$0x1C7A0] =	vst v63  }
0xad: {  	s25 =	simm.s32 $0x193A0;
	s30 =	simm.s32 $0x1B3A0  }
0xae: {  	[tilespmem:s30], [sflag:$0x1] =	stream.indirect.gather [spmem:s10], $0x1, s25, s24, $0xb8;
	[tilespmem:$0x1C7A0] =	vst v63  }
0xaf: {  	s25 =	simm.s32 $0x19420;
	s30 =	simm.s32 $0x1B420  }
0xb0: {  	[tilespmem:s30], [sflag:$0x1] =	stream.indirect.gather [spmem:s10], $0x1, s25, s24, $0xb8;
	[tilespmem:$0x1C7A0] =	vst v63  }
0xb1: {  	s25 =	simm.s32 $0x194A0;
	s30 =	simm.s32 $0x1B4A0  }
0xb2: {  	[tilespmem:s30], [sflag:$0x1] =	stream.indirect.gather [spmem:s10], $0x1, s25, s24, $0xb8;
	[tilespmem:$0x1C7A0] =	vst v63  }
0xb3: {  	s25 =	simm.s32 $0x19520;
	s30 =	simm.s32 $0x1B520  }
0xb4: {  	[tilespmem:s30], [sflag:$0x1] =	stream.indirect.gather [spmem:s10], $0x1, s25, s24, $0xb8;
	[tilespmem:$0x1C7A0] =	vst v63  }
0xb5: {  	s25 =	simm.s32 $0x195A0;
	s30 =	simm.s32 $0x1B5A0  }
0xb6: {  	[tilespmem:s30], [sflag:$0x1] =	stream.indirect.gather [spmem:s10], $0x1, s25, s24, $0xb8;
	[tilespmem:$0x1C7A0] =	vst v63  }
0xb7: {  	s25 =	simm.s32 $0x19620;
	s30 =	simm.s32 $0x1B620  }
0xb8: {  	[tilespmem:s30], [sflag:$0x1] =	stream.indirect.gather [spmem:s10], $0x1, s25, s24, $0xb8;
	[tilespmem:$0x1C7A0] =	vst v63  }
0xb9: {  	s25 =	simm.s32 $0x196A0;
	s30 =	simm.s32 $0x1B6A0  }
0xba: {  	[tilespmem:s30], [sflag:$0x1] =	stream.indirect.gather [spmem:s10], $0x1, s25, s24, $0xb8;
	[tilespmem:$0x1C7A0] =	vst v63  }
0xbb: {  	s25 =	simm.s32 $0x19720;
	s30 =	simm.s32 $0x1B720  }
0xbc: {  	[tilespmem:s30], [sflag:$0x1] =	stream.indirect.gather [spmem:s10], $0x1, s25, s24, $0xb8;
	[tilespmem:$0x1C7A0] =	vst v63  }
0xbd: {  	s25 =	simm.s32 $0x197A0;
	s30 =	simm.s32 $0x1B7A0  }
0xbe: {  	[tilespmem:s30], [sflag:$0x1] =	stream.indirect.gather [spmem:s10], $0x1, s25, s24, $0xb8;
	[tilespmem:$0x1C7A0] =	vst v63  }
0xbf: {  	s25 =	simm.s32 $0x19820;
	s30 =	simm.s32 $0x1B820  }
0xc0: {  	[tilespmem:s30], [sflag:$0x1] =	stream.indirect.gather [spmem:s10], $0x1, s25, s24, $0xb8;
	[tilespmem:$0x1C7A0] =	vst v63  }
0xc1: {  	s25 =	simm.s32 $0x198A0;
	s30 =	simm.s32 $0x1B8A0  }
0xc2: {  	[tilespmem:s30], [sflag:$0x1] =	stream.indirect.gather [spmem:s10], $0x1, s25, s24, $0xb8;
	[tilespmem:$0x1C7A0] =	vst v63  }
0xc3: {  	s25 =	simm.s32 $0x19920;
	s30 =	simm.s32 $0x1B920  }
0xc4: {  	[tilespmem:s30], [sflag:$0x1] =	stream.indirect.gather [spmem:s10], $0x1, s25, s24, $0xb8;
	[tilespmem:$0x1C7A0] =	vst v63  }
0xc5: {  	s25 =	simm.s32 $0x199A0;
	s30 =	simm.s32 $0x1B9A0  }
0xc6: {  	[tilespmem:s30], [sflag:$0x1] =	stream.indirect.gather [spmem:s10], $0x1, s25, s24, $0xb8;
	[tilespmem:$0x1C7A0] =	vst v63  }
0xc7: {  	s25 =	simm.s32 $0x19A20;
	s30 =	simm.s32 $0x1BA20  }
0xc8: {  	[tilespmem:s30], [sflag:$0x1] =	stream.indirect.gather [spmem:s10], $0x1, s25, s24, $0xb8;
	[tilespmem:$0x1C7A0] =	vst v63  }
0xc9: {  	s25 =	simm.s32 $0x19AA0;
	s30 =	simm.s32 $0x1BAA0  }
0xca: {  	[tilespmem:s30], [sflag:$0x1] =	stream.indirect.gather [spmem:s10], $0x1, s25, s24, $0xb8;
	[tilespmem:$0x1C7A0] =	vst v63  }
0xcb: {  	s25 =	simm.s32 $0x19B20;
	s30 =	simm.s32 $0x1BB20  }
0xcc: {  	[tilespmem:s30], [sflag:$0x1] =	stream.indirect.gather [spmem:s10], $0x1, s25, s24, $0xb8;
	[tilespmem:$0x1C7A0] =	vst v63  }
0xcd: {  	s25 =	simm.s32 $0x19BA0;
	s30 =	simm.s32 $0x1BBA0  }
0xce: {  	[tilespmem:s30], [sflag:$0x1] =	stream.indirect.gather [spmem:s10], $0x1, s25, s24, $0xb8;
	[tilespmem:$0x1C7A0] =	vst v63  }
0xcf: {  	s25 =	simm.s32 $0x19C20;
	s30 =	simm.s32 $0x1BC20  }
0xd0: {  	[tilespmem:s30], [sflag:$0x1] =	stream.indirect.gather [spmem:s10], $0x1, s25, s24, $0xb8;
	[tilespmem:$0x1C7A0] =	vst v63  }
0xd1: {  	s25 =	simm.s32 $0x19CA0;
	s30 =	simm.s32 $0x1BCA0  }
0xd2: {  	[tilespmem:s30], [sflag:$0x1] =	stream.indirect.gather [spmem:s10], $0x1, s25, s24, $0xb8;
	[tilespmem:$0x1C7A0] =	vst v63  }
0xd3: {  	s25 =	simm.s32 $0x19D20;
	s30 =	simm.s32 $0x1BD20  }
0xd4: {  	[tilespmem:s30], [sflag:$0x1] =	stream.indirect.gather [spmem:s10], $0x1, s25, s24, $0xb8;
	[tilespmem:$0x1C7A0] =	vst v63  }
0xd5: {  	s25 =	simm.s32 $0x19DA0;
	s30 =	simm.s32 $0x1BDA0  }
0xd6: {  	[tilespmem:s30], [sflag:$0x1] =	stream.indirect.gather [spmem:s10], $0x1, s25, s24, $0xb8;
	[tilespmem:$0x1C7A0] =	vst v63  }
0xd7: {  	s25 =	simm.s32 $0x19E20;
	s30 =	simm.s32 $0x1BE20  }
0xd8: {  	[tilespmem:s30], [sflag:$0x1] =	stream.indirect.gather [spmem:s10], $0x1, s25, s24, $0xb8;
	[tilespmem:$0x1C7A0] =	vst v63  }
0xd9: {  	s25 =	simm.s32 $0x19EA0;
	s30 =	simm.s32 $0x1BEA0  }
0xda: {  	[tilespmem:s30], [sflag:$0x1] =	stream.indirect.gather [spmem:s10], $0x1, s25, s24, $0xb8;
	[tilespmem:$0x1C7A0] =	vst v63  }
0xdb: {  	s25 =	simm.s32 $0x19F20;
	s30 =	simm.s32 $0x1BF20  }
0xdc: {  	[tilespmem:s30], [sflag:$0x1] =	stream.indirect.gather [spmem:s10], $0x1, s25, s24, $0xb8;
	[tilespmem:$0x1C7A0] =	vst v63  }
0xdd: {  	s25 =	simm.s32 $0x19FA0;
	s30 =	simm.s32 $0x1BFA0  }
0xde: {  	[tilespmem:s30], [sflag:$0x1] =	stream.indirect.gather [spmem:s10], $0x1, s25, s24, $0xb8;
	[tilespmem:$0x1C7A0] =	vst v63  }
0xdf: {  	s25 =	simm.s32 $0x1A020;
	s30 =	simm.s32 $0x1C020  }
0xe0: {  	[tilespmem:s30], [sflag:$0x1] =	stream.indirect.gather [spmem:s10], $0x1, s25, s24, $0xb8;
	[tilespmem:$0x1C7A0] =	vst v63  }
0xe1: {  	s25 =	simm.s32 $0x1A0A0;
	s30 =	simm.s32 $0x1C0A0  }
0xe2: {  	[tilespmem:s30], [sflag:$0x1] =	stream.indirect.gather [spmem:s10], $0x1, s25, s24, $0xb8;
	[tilespmem:$0x1C7A0] =	vst v63  }
0xe3: {  	s25 =	simm.s32 $0x1A120;
	s30 =	simm.s32 $0x1C120  }
0xe4: {  	[tilespmem:s30], [sflag:$0x1] =	stream.indirect.gather [spmem:s10], $0x1, s25, s24, $0xb8;
	[tilespmem:$0x1C7A0] =	vst v63  }
0xe5: {  	s25 =	simm.s32 $0x1A1A0;
	s30 =	simm.s32 $0x1C1A0  }
0xe6: {  	[tilespmem:s30], [sflag:$0x1] =	stream.indirect.gather [spmem:s10], $0x1, s25, s24, $0xb8;
	[tilespmem:$0x1C7A0] =	vst v63  }
0xe7: {  	s25 =	simm.s32 $0x1A220;
	s30 =	simm.s32 $0x1C220  }
0xe8: {  	[tilespmem:s30], [sflag:$0x1] =	stream.indirect.gather [spmem:s10], $0x1, s25, s24, $0xb8;
	[tilespmem:$0x1C7A0] =	vst v63  }
0xe9: {  	s25 =	simm.s32 $0x1A2A0;
	s30 =	simm.s32 $0x1C2A0  }
0xea: {  	[tilespmem:s30], [sflag:$0x1] =	stream.indirect.gather [spmem:s10], $0x1, s25, s24, $0xb8;
	[tilespmem:$0x1C7A0] =	vst v63  }
0xeb: {  	s25 =	simm.s32 $0x1A320;
	s30 =	simm.s32 $0x1C320  }
0xec: {  	[tilespmem:s30], [sflag:$0x1] =	stream.indirect.gather [spmem:s10], $0x1, s25, s24, $0xb8;
	[tilespmem:$0x1C7A0] =	vst v63  }
0xed: {  	s25 =	simm.s32 $0x1A3A0;
	s30 =	simm.s32 $0x1C3A0  }
0xee: {  	[tilespmem:s30], [sflag:$0x1] =	stream.indirect.gather [spmem:s10], $0x1, s25, s24, $0xb8;
	[tilespmem:$0x1C7A0] =	vst v63  }
0xef: {  	s25 =	simm.s32 $0x1A420;
	s30 =	simm.s32 $0x1C420  }
0xf0: {  	[tilespmem:s30], [sflag:$0x1] =	stream.indirect.gather [spmem:s10], $0x1, s25, s24, $0xb8;
	[tilespmem:$0x1C7A0] =	vst v63  }
0xf1: {  	s25 =	simm.s32 $0x1A4A0;
	s30 =	simm.s32 $0x1C4A0  }
0xf2: {  	[tilespmem:s30], [sflag:$0x1] =	stream.indirect.gather [spmem:s10], $0x1, s25, s24, $0xb8;
	[tilespmem:$0x1C7A0] =	vst v63  }
0xf3: {  	_ = 	snop  }
0xf4: {  	[tilespmem:s0], [sflag:$0x1] =	stream.indirect.gather [spmem:s10], $0x1, s31, s24, $0xb8;
	[tilespmem:$0x1C7A0] =	vst v63  }
0xf5: {  	_ = 	snop  }
0xf6: {  	[tilespmem:s17], [sflag:$0x1] =	stream.indirect.gather [spmem:s10], $0x1, s2, s24, $0xb8;
	[tilespmem:$0x1C7A0] =	vst v63  }
0xf7: {  	_ = 	snop  }
0xf8: {  	[tilespmem:s4], [sflag:$0x1] =	stream.indirect.gather [spmem:s10], $0x1, s22, s24, $0xb8;
	[tilespmem:$0x1C7A0] =	vst v63  }
0xf9: {  	_ = 	snop  }
0xfa: {  	[tilespmem:s18], [sflag:$0x1] =	stream.indirect.gather [spmem:s10], $0x1, s5, s24, $0xb8;
	[tilespmem:$0x1C7A0] =	vst v63  }
0xfb: {  	_ = 	snop  }
0xfc: {  	[tilespmem:s20], [sflag:$0x1] =	stream.indirect.gather [spmem:s10], $0x1, s19, s24, $0xb8;
	[tilespmem:$0x1C7A0] =	vst v63  }
0xfd: {  	_ =	swait.ge [sflag:s21], $0x80  }
0xfe: {  	[sflag:s21] =	ssyncset.done $0x0  }
0xff: {  	[sflag:s21] =	ssyncadd.s32 $0xFFFFFF80  }
0x100: {  	_ =	swait.ge [sflag:s21], $0x80  }
0x101: {  	[sflag:s21] =	ssyncset.done $0x0  }
0x102: {  	[sflag:s21] =	ssyncadd.s32 $0xFFFFFF80  }
0x103: {  	_ =	swait.ge [sflag:s21], $0x80  }
0x104: {  	[sflag:s21] =	ssyncset.done $0x0  }
0x105: {  	[sflag:s21] =	ssyncadd.s32 $0xFFFFFF80  }
0x106: {  	_ =	swait.ge [sflag:s21], $0x80  }
0x107: {  	[sflag:s21] =	ssyncset.done $0x0  }
0x108: {  	[sflag:s21] =	ssyncadd.s32 $0xFFFFFF80  }
0x109: {  	_ =	swait.ge [sflag:s21], $0x80  }
0x10a: {  	[sflag:s21] =	ssyncset.done $0x0  }
0x10b: {  	[sflag:s21] =	ssyncadd.s32 $0xFFFFFF80  }
0x10c: {  	_ =	swait.ge [sflag:s21], $0x80  }
0x10d: {  	[sflag:s21] =	ssyncset.done $0x0  }
0x10e: {  	[sflag:s21] =	ssyncadd.s32 $0xFFFFFF80  }
0x10f: {  	_ =	swait.ge [sflag:s21], $0x80  }
0x110: {  	[sflag:s21] =	ssyncset.done $0x0  }
0x111: {  	[sflag:s21] =	ssyncadd.s32 $0xFFFFFF80  }
0x112: {  	_ =	swait.ge [sflag:s21], $0x80  }
0x113: {  	[sflag:s21] =	ssyncset.done $0x0  }
0x114: {  	[sflag:s21] =	ssyncadd.s32 $0xFFFFFF80  }
0x115: {  	_ =	swait.ge [sflag:s21], $0x80  }
0x116: {  	[sflag:s21] =	ssyncset.done $0x0  }
0x117: {  	[sflag:s21] =	ssyncadd.s32 $0xFFFFFF80  }
0x118: {  	_ =	swait.ge [sflag:s21], $0x80  }
0x119: {  	[sflag:s21] =	ssyncset.done $0x0  }
0x11a: {  	[sflag:s21] =	ssyncadd.s32 $0xFFFFFF80  }
0x11b: {  	_ =	swait.ge [sflag:s21], $0x80  }
0x11c: {  	[sflag:s21] =	ssyncset.done $0x0  }
0x11d: {  	[sflag:s21] =	ssyncadd.s32 $0xFFFFFF80  }
0x11e: {  	_ =	swait.ge [sflag:s21], $0x80  }
0x11f: {  	[sflag:s21] =	ssyncset.done $0x0  }
0x120: {  	[sflag:s21] =	ssyncadd.s32 $0xFFFFFF80  }
0x121: {  	_ =	swait.ge [sflag:s21], $0x80  }
0x122: {  	[sflag:s21] =	ssyncset.done $0x0  }
0x123: {  	[sflag:s21] =	ssyncadd.s32 $0xFFFFFF80  }
0x124: {  	_ =	swait.ge [sflag:s21], $0x80  }
0x125: {  	[sflag:s21] =	ssyncset.done $0x0  }
0x126: {  	[sflag:s21] =	ssyncadd.s32 $0xFFFFFF80  }
0x127: {  	_ =	swait.ge [sflag:s21], $0x80  }
0x128: {  	[sflag:s21] =	ssyncset.done $0x0  }
0x129: {  	[sflag:s21] =	ssyncadd.s32 $0xFFFFFF80  }
0x12a: {  	_ =	swait.ge [sflag:s21], $0x80  }
0x12b: {  	[sflag:s21] =	ssyncset.done $0x0  }
0x12c: {  	[sflag:s21] =	ssyncadd.s32 $0xFFFFFF80  }
0x12d: {  	_ =	swait.ge [sflag:s21], $0x80  }
0x12e: {  	[sflag:s21] =	ssyncset.done $0x0  }
0x12f: {  	[sflag:s21] =	ssyncadd.s32 $0xFFFFFF80  }
0x130: {  	_ =	swait.ge [sflag:s21], $0x80  }
0x131: {  	[sflag:s21] =	ssyncset.done $0x0  }
0x132: {  	[sflag:s21] =	ssyncadd.s32 $0xFFFFFF80  }
0x133: {  	_ =	swait.ge [sflag:s21], $0x80  }
0x134: {  	[sflag:s21] =	ssyncset.done $0x0  }
0x135: {  	[sflag:s21] =	ssyncadd.s32 $0xFFFFFF80  }
0x136: {  	_ =	swait.ge [sflag:s21], $0x80  }
0x137: {  	[sflag:s21] =	ssyncset.done $0x0  }
0x138: {  	[sflag:s21] =	ssyncadd.s32 $0xFFFFFF80  }
0x139: {  	_ =	swait.ge [sflag:s21], $0x80  }
0x13a: {  	[sflag:s21] =	ssyncset.done $0x0  }
0x13b: {  	[sflag:s21] =	ssyncadd.s32 $0xFFFFFF80  }
0x13c: {  	_ =	swait.ge [sflag:s21], $0x80  }
0x13d: {  	[sflag:s21] =	ssyncset.done $0x0  }
0x13e: {  	[sflag:s21] =	ssyncadd.s32 $0xFFFFFF80  }
0x13f: {  	_ =	swait.ge [sflag:s21], $0x80  }
0x140: {  	[sflag:s21] =	ssyncset.done $0x0  }
0x141: {  	[sflag:s21] =	ssyncadd.s32 $0xFFFFFF80  }
0x142: {  	_ =	swait.ge [sflag:s21], $0x80  }
0x143: {  	[sflag:s21] =	ssyncset.done $0x0  }
0x144: {  	[sflag:s21] =	ssyncadd.s32 $0xFFFFFF80  }
0x145: {  	_ =	swait.ge [sflag:s21], $0x80  }
0x146: {  	[sflag:s21] =	ssyncset.done $0x0  }
0x147: {  	[sflag:s21] =	ssyncadd.s32 $0xFFFFFF80  }
0x148: {  	_ =	swait.ge [sflag:s21], $0x80  }
0x149: {  	[sflag:s21] =	ssyncset.done $0x0  }
0x14a: {  	[sflag:s21] =	ssyncadd.s32 $0xFFFFFF80  }
0x14b: {  	_ =	swait.ge [sflag:s21], $0x80  }
0x14c: {  	[sflag:s21] =	ssyncset.done $0x0  }
0x14d: {  	[sflag:s21] =	ssyncadd.s32 $0xFFFFFF80  }
0x14e: {  	_ =	swait.ge [sflag:s21], $0x80  }
0x14f: {  	[sflag:s21] =	ssyncset.done $0x0  }
0x150: {  	[sflag:s21] =	ssyncadd.s32 $0xFFFFFF80  }
0x151: {  	_ =	swait.ge [sflag:s21], $0x80  }
0x152: {  	[sflag:s21] =	ssyncset.done $0x0  }
0x153: {  	[sflag:s21] =	ssyncadd.s32 $0xFFFFFF80  }
0x154: {  	_ =	swait.ge [sflag:s21], $0x80  }
0x155: {  	[sflag:s21] =	ssyncset.done $0x0  }
0x156: {  	[sflag:s21] =	ssyncadd.s32 $0xFFFFFF80  }
0x157: {  	_ =	swait.ge [sflag:s21], $0x80  }
0x158: {  	[sflag:s21] =	ssyncset.done $0x0  }
0x159: {  	[sflag:s21] =	ssyncadd.s32 $0xFFFFFF80  }
0x15a: {  	_ =	swait.ge [sflag:s21], $0x80  }
0x15b: {  	[sflag:s21] =	ssyncset.done $0x0  }
0x15c: {  	[sflag:s21] =	ssyncadd.s32 $0xFFFFFF80  }
0x15d: {  	_ =	swait.ge [sflag:s21], $0x80  }
0x15e: {  	[sflag:s21] =	ssyncset.done $0x0  }
0x15f: {  	[sflag:s21] =	ssyncadd.s32 $0xFFFFFF80  }
0x160: {  	_ =	swait.ge [sflag:s21], $0x80  }
0x161: {  	[sflag:s21] =	ssyncset.done $0x0  }
0x162: {  	[sflag:s21] =	ssyncadd.s32 $0xFFFFFF80  }
0x163: {  	_ =	swait.ge [sflag:s21], $0x80  }
0x164: {  	[sflag:s21] =	ssyncset.done $0x0  }
0x165: {  	[sflag:s21] =	ssyncadd.s32 $0xFFFFFF80  }
0x166: {  	_ =	swait.ge [sflag:s21], $0x80  }
0x167: {  	[sflag:s21] =	ssyncset.done $0x0  }
0x168: {  	[sflag:s21] =	ssyncadd.s32 $0xFFFFFF80  }
0x169: {  	_ =	swait.ge [sflag:s21], $0x80  }
0x16a: {  	[sflag:s21] =	ssyncset.done $0x0  }
0x16b: {  	[sflag:s21] =	ssyncadd.s32 $0xFFFFFF80  }
0x16c: {  	_ =	swait.ge [sflag:s21], $0x80  }
0x16d: {  	[sflag:s21] =	ssyncset.done $0x0  }
0x16e: {  	[sflag:s21] =	ssyncadd.s32 $0xFFFFFF80  }
0x16f: {  	_ =	swait.ge [sflag:s21], $0x80  }
0x170: {  	[sflag:s21] =	ssyncset.done $0x0  }
0x171: {  	[sflag:s21] =	ssyncadd.s32 $0xFFFFFF80  }
0x172: {  	_ =	swait.ge [sflag:s21], $0x80  }
0x173: {  	[sflag:s21] =	ssyncset.done $0x0  }
0x174: {  	[sflag:s21] =	ssyncadd.s32 $0xFFFFFF80  }
0x175: {  	_ =	swait.ge [sflag:s21], $0x80  }
0x176: {  	[sflag:s21] =	ssyncset.done $0x0  }
0x177: {  	[sflag:s21] =	ssyncadd.s32 $0xFFFFFF80  }
0x178: {  	_ =	swait.ge [sflag:s21], $0x80  }
0x179: {  	[sflag:s21] =	ssyncset.done $0x0  }
0x17a: {  	[sflag:s21] =	ssyncadd.s32 $0xFFFFFF80  }
0x17b: {  	_ =	swait.ge [sflag:s21], $0x80  }
0x17c: {  	[sflag:s21] =	ssyncset.done $0x0  }
0x17d: {  	[sflag:s21] =	ssyncadd.s32 $0xFFFFFF80  }
0x17e: {  	_ =	swait.ge [sflag:s21], $0x80  }
0x17f: {  	[sflag:s21] =	ssyncset.done $0x0  }
0x180: {  	[sflag:s21] =	ssyncadd.s32 $0xFFFFFF80  }
0x181: {  	_ =	swait.ge [sflag:s21], $0x80  }
0x182: {  	[sflag:s21] =	ssyncset.done $0x0  }
0x183: {  	[sflag:s21] =	ssyncadd.s32 $0xFFFFFF80  }
0x184: {  	_ =	swait.ge [sflag:s21], $0x80  }
0x185: {  	[sflag:s21] =	ssyncset.done $0x0  }
0x186: {  	[sflag:s21] =	ssyncadd.s32 $0xFFFFFF80  }
0x187: {  	_ =	swait.ge [sflag:s21], $0x80  }
0x188: {  	[sflag:s21] =	ssyncset.done $0x0  }
0x189: {  	[sflag:s21] =	ssyncadd.s32 $0xFFFFFF80  }
0x18a: {  	_ =	swait.ge [sflag:s21], $0x80  }
0x18b: {  	[sflag:s21] =	ssyncset.done $0x0  }
0x18c: {  	[sflag:s21] =	ssyncadd.s32 $0xFFFFFF80  }
0x18d: {  	_ =	swait.ge [sflag:s21], $0x80  }
0x18e: {  	[sflag:s21] =	ssyncset.done $0x0  }
0x18f: {  	[sflag:s21] =	ssyncadd.s32 $0xFFFFFF80  }
0x190: {  	_ =	swait.ge [sflag:s21], $0x80  }
0x191: {  	[sflag:s21] =	ssyncset.done $0x0  }
0x192: {  	[sflag:s21] =	ssyncadd.s32 $0xFFFFFF80  }
0x193: {  	_ =	swait.ge [sflag:s21], $0x80  }
0x194: {  	[sflag:s21] =	ssyncset.done $0x0  }
0x195: {  	[sflag:s21] =	ssyncadd.s32 $0xFFFFFF80  }
0x196: {  	_ =	swait.ge [sflag:s21], $0x80  }
0x197: {  	[sflag:s21] =	ssyncset.done $0x0  }
0x198: {  	[sflag:s21] =	ssyncadd.s32 $0xFFFFFF80  }
0x199: {  	_ =	swait.ge [sflag:s21], $0x80  }
0x19a: {  	[sflag:s21] =	ssyncset.done $0x0  }
0x19b: {  	[sflag:s21] =	ssyncadd.s32 $0xFFFFFF80  }
0x19c: {  	_ =	swait.ge [sflag:s21], $0x80  }
0x19d: {  	[sflag:s21] =	ssyncset.done $0x0  }
0x19e: {  	[sflag:s21] =	ssyncadd.s32 $0xFFFFFF80  }
0x19f: {  	_ =	swait.ge [sflag:s21], $0x80  }
0x1a0: {  	[sflag:s21] =	ssyncset.done $0x0  }
0x1a1: {  	[sflag:s21] =	ssyncadd.s32 $0xFFFFFF80  }
0x1a2: {  	_ =	swait.ge [sflag:s21], $0x80  }
0x1a3: {  	[sflag:s21] =	ssyncset.done $0x0  }
0x1a4: {  	[sflag:s21] =	ssyncadd.s32 $0xFFFFFF80  }
0x1a5: {  	_ =	swait.ge [sflag:s21], $0x80  }
0x1a6: {  	[sflag:s21] =	ssyncset.done $0x0  }
0x1a7: {  	[sflag:s21] =	ssyncadd.s32 $0xFFFFFF80  }
0x1a8: {  	_ =	swait.ge [sflag:s21], $0x80  }
0x1a9: {  	[sflag:s21] =	ssyncset.done $0x0  }
0x1aa: {  	[sflag:s21] =	ssyncadd.s32 $0xFFFFFF80  }
0x1ab: {  	_ =	swait.ge [sflag:s21], $0x80  }
0x1ac: {  	[sflag:s21] =	ssyncset.done $0x0  }
0x1ad: {  	[sflag:s21] =	ssyncadd.s32 $0xFFFFFF80  }
0x1ae: {  	_ =	swait.ge [sflag:s21], $0x80  }
0x1af: {  	[sflag:s21] =	ssyncset.done $0x0  }
0x1b0: {  	[sflag:s21] =	ssyncadd.s32 $0xFFFFFF80  }
0x1b1: {  	_ =	swait.ge [sflag:s21], $0x80  }
0x1b2: {  	[sflag:s21] =	ssyncset.done $0x0  }
0x1b3: {  	[sflag:s21] =	ssyncadd.s32 $0xFFFFFF80  }
0x1b4: {  	_ =	swait.ge [sflag:s21], $0x80  }
0x1b5: {  	[sflag:s21] =	ssyncset.done $0x0  }
0x1b6: {  	[sflag:s21] =	ssyncadd.s32 $0xFFFFFF80  }
0x1b7: {  	_ =	swait.ge [sflag:s21], $0x80  }
0x1b8: {  	[sflag:s21] =	ssyncset.done $0x0  }
0x1b9: {  	[sflag:s21] =	ssyncadd.s32 $0xFFFFFF80  }
0x1ba: {  	_ =	swait.ge [sflag:s21], $0x80  }
0x1bb: {  	s12 =	sld [smem:$0x7F8];
	_ =	sdelay $0x2  }
0x1bc: {  	[sflag:s21] =	ssyncset.done $0x0;
	p0 =	seq.s32 s12, $0x1  }
0x1bd: {  	[sflag:s21] =	ssyncadd.s32 $0xFFFFFF80;
	s10 =	sadd.s32 @!p0 s9, s7  }
0x1be: {  	s11 =	simm.s32 @!p0 $0x80;
	s12 =	simm.s32 @!p0 $0x400;
	s25 =	simm.s32 @!p0 $0x1A7A0  }
0x1bf: {  	[hbm4b:s10+s11] =	stream.strided.scatter @!p0 [tilespmem:s25], [sflag:$0x2], $0x2000, s12, s11, $0x38;
	[tilespmem:$0x1C7A0] =	vst v63  }
0x1c0: {  	s10 =	simm.s32 @!p0 $0x2  }
0x1c1: {  	s11 =	sadd.s32 @p4 s9, s6;
	_ =	swait.ge @!p0 [sflag:s10], $0x2000  }
0x1c2: {  	s12 =	simm.s32 @p4 $0x400;
	s25 =	simm.s32 @p4 $0x1A7A0;
	[sflag:s10] =	ssyncset.done @!p0 $0x0  }
0x1c3: {  	[sflag:s10] =	ssyncadd.s32 @!p0 $0xFFFFE000;
	s10 =	sadd.s32 @p4 $0x10, s11;
	s11 =	simm.s32 @p4 $0x80  }
0x1c4: {  	[hbm4b:s10+s11] =	stream.strided.scatter @p4 [tilespmem:s25], [sflag:$0x2], $0x2000, s12, s11, $0x38;
	[tilespmem:$0x1C7A0] =	vst v63  }
0x1c5: {  	s10 =	simm.s32 @p4 $0x2  }
0x1c6: {  	s11 =	sadd.s32 @p5 s9, s6;
	_ =	swait.ge @p4 [sflag:s10], $0x2000  }
0x1c7: {  	s12 =	simm.s32 @p5 $0x400;
	s25 =	simm.s32 @p5 $0x1A7A0;
	[sflag:s10] =	ssyncset.done @p4 $0x0  }
0x1c8: {  	[sflag:s10] =	ssyncadd.s32 @p4 $0xFFFFE000;
	s10 =	sadd.s32 @p5 $0x20, s11;
	s11 =	simm.s32 @p5 $0x80  }
0x1c9: {  	[hbm4b:s10+s11] =	stream.strided.scatter @p5 [tilespmem:s25], [sflag:$0x2], $0x2000, s12, s11, $0x38;
	[tilespmem:$0x1C7A0] =	vst v63  }
0x1ca: {  	s10 =	simm.s32 @p5 $0x2  }
0x1cb: {  	s11 =	sadd.s32 @p1 s9, s6;
	_ =	swait.ge @p5 [sflag:s10], $0x2000  }
0x1cc: {  	s12 =	simm.s32 @p1 $0x400;
	s25 =	simm.s32 @p1 $0x1A7A0;
	[sflag:s10] =	ssyncset.done @p5 $0x0  }
0x1cd: {  	[sflag:s10] =	ssyncadd.s32 @p5 $0xFFFFE000;
	s10 =	sadd.s32 @p1 $0x30, s11;
	s11 =	simm.s32 @p1 $0x80  }
0x1ce: {  	[hbm4b:s10+s11] =	stream.strided.scatter @p1 [tilespmem:s25], [sflag:$0x2], $0x2000, s12, s11, $0x38;
	[tilespmem:$0x1C7A0] =	vst v63  }
0x1cf: {  	s10 =	simm.s32 @p1 $0x2  }
0x1d0: {  	s11 =	sadd.s32 @p6 s9, s6;
	_ =	swait.ge @p1 [sflag:s10], $0x2000  }
0x1d1: {  	s12 =	simm.s32 @p6 $0x400;
	s25 =	simm.s32 @p6 $0x1A7A0;
	[sflag:s10] =	ssyncset.done @p1 $0x0  }
0x1d2: {  	[sflag:s10] =	ssyncadd.s32 @p1 $0xFFFFE000;
	s10 =	sadd.s32 @p6 $0x40, s11;
	s11 =	simm.s32 @p6 $0x80  }
0x1d3: {  	[hbm4b:s10+s11] =	stream.strided.scatter @p6 [tilespmem:s25], [sflag:$0x2], $0x2000, s12, s11, $0x38;
	[tilespmem:$0x1C7A0] =	vst v63  }
0x1d4: {  	s10 =	simm.s32 @p6 $0x2  }
0x1d5: {  	_ =	swait.ge @p6 [sflag:s10], $0x2000  }
0x1d6: {  	s25 =	sld [smem:$0x7EF];
	_ =	sdelay $0x2  }
0x1d7: {  	[sflag:s10] =	ssyncset.done @p6 $0x0;
	p0 =	seq.s32 s25, $0x1  }
0x1d8: {  	[sflag:s10] =	ssyncadd.s32 @p6 $0xFFFFE000;
	s11 =	sadd.s32 @p0 s9, s6;
	s12 =	simm.s32 @p0 $0x400  }
0x1d9: {  	s25 =	simm.s32 @p0 $0x1A7A0;
	s10 =	sadd.s32 @p0 $0x50, s11;
	s11 =	simm.s32 @p0 $0x80  }
0x1da: {  	[hbm4b:s10+s11] =	stream.strided.scatter @p0 [tilespmem:s25], [sflag:$0x2], $0x2000, s12, s11, $0x38;
	[tilespmem:$0x1C7A0] =	vst v63  }
0x1db: {  	s10 =	simm.s32 @p0 $0x2  }
0x1dc: {  	s11 =	sadd.s32 @p2 s9, s6;
	_ =	swait.ge @p0 [sflag:s10], $0x2000  }
0x1dd: {  	s12 =	simm.s32 @p2 $0x400;
	s25 =	simm.s32 @p2 $0x1A7A0;
	[sflag:s10] =	ssyncset.done @p0 $0x0  }
0x1de: {  	[sflag:s10] =	ssyncadd.s32 @p0 $0xFFFFE000;
	s10 =	sadd.s32 @p2 $0x60, s11;
	s11 =	simm.s32 @p2 $0x80  }
0x1df: {  	[hbm4b:s10+s11] =	stream.strided.scatter @p2 [tilespmem:s25], [sflag:$0x2], $0x2000, s12, s11, $0x38;
	[tilespmem:$0x1C7A0] =	vst v63  }
0x1e0: {  	s10 =	simm.s32 @p2 $0x2  }
0x1e1: {  	_ =	swait.ge @p2 [sflag:s10], $0x2000  }
0x1e2: {  	s30 =	sld [smem:$0x7EE];
	_ =	sdelay $0x1  }
0x1e3: {  	[sflag:s10] =	ssyncset.done @p2 $0x0  }
0x1e4: {  	[sflag:s10] =	ssyncadd.s32 @p2 $0xFFFFE000;
	p1 =	seq.s32 s30, $0x1  }
0x1e5: {  	s11 =	sadd.s32 @p1 s9, s6;
	s12 =	simm.s32 @p1 $0x400;
	s25 =	simm.s32 @p1 $0x1A7A0  }
0x1e6: {  	s9 =	sadd.s32 $0x10000, s9;
	s10 =	sadd.s32 @p1 $0x70, s11;
	s11 =	simm.s32 @p1 $0x80  }
0x1e7: {  	[hbm4b:s10+s11] =	stream.strided.scatter @p1 [tilespmem:s25], [sflag:$0x2], $0x2000, s12, s11, $0x38;
	[tilespmem:$0x1C7A0] =	vst v63  }
0x1e8: {  	p0 =	sne.s32 s9, $0x1A0000;
	s10 =	simm.s32 @p1 $0x2  }
.Ltmp5:
0x1e9: {  	_ =	swait.ge @p1 [sflag:s10], $0x2000;
	(pc) =	sbr.rel @!p0 .LBB2_7-.Ltmp5, $4  }
0x1ea: {  	[sflag:s10] =	ssyncset.done @p1 $0x0  }
0x1eb: {  	[sflag:s10] =	ssyncadd.s32 @p1 $0xFFFFE000  }
0x1ec: {  	[bflag:$0x0] =	sbarrier.arrive $0xFFFF  }
0x1ed: {  	s1 =	sadd.s32 $0x186A0, s1;
	s8 =	sadd.s32 $0x800, s8  }
.LBB2_3:
0x1ee: {  	s30 =	sld [smem:$0x7F2];
	_ =	sdelay $0x1  }
0x1ef: {  	p0 =	seq.s32 s9, $0x190000;
	s10 =	simm.s32 $0xFFFFFFFF  }
0x1f0: {  	s10 =	simm.s32 @!p0 $0x0;
	p0 =	seq.s32 s30, $0x1  }
.Ltmp6:
0x1f1: {  	_ = 	snop;
	(pc) =	sbr.rel @p0 .LBB2_5-.Ltmp6, $4  }
0x1f2: {  	s11 =	sand.u32 $0x3FFF80, s1;
	s10 =	sshll.u32 s10, $0x7  }
0x1f3: {  	s11 =	sadd.s32 s11, s10  }
0x1f4: {  	s12 =	sand.u32 $0x7F, s1;
	s11 =	sadd.s32 s3, s11  }
0x1f5: {  	s10 =	ssub.s32 s12, s10;
	s11 =	sand.u32 $0x1FFFFF80, s11  }
0x1f6: {  	s25 =	sld [smem:$0x7F3]  }
0x1f7: {  	s30 =	sld [smem:$0x7F4];
	_ =	sdelay $0x1  }
0x1f8: {  	s12 =	rddreg [dreg:$0xc]  }
0x1f9: {  	p3 =	seq.s32 s25, $0x1;
	p1 =	seq.s32 s30, $0x1;
	s30 =	sld [smem:$0x7F5]  }
0x1fa: {  	s25 =	sadd.s32 @!p3 s11, s12;
	p0 =	por @!p3 $0x1, $0x1;
	p4 =	por @!p3 $0x0, $0x0  }
0x1fb: {  	s12 =	rddreg [dreg:$0xb];
	p6 =	por @!p1 $0x1, $0x1;
	p2 =	por @!p1 $0x0, $0x0  }
0x1fc: {  	p5 =	por @!p1 $0x0, $0x0;
	s12 =	sadd.s32 @!p1 s11, s12;
	p2 =	por @!p3 p4, p4  }
0x1fd: {  	p6 =	por @!p3 p4, p4;
	s25 =	smov.u32 @p3 s12;
	s12 =	rddreg [dreg:$0x0]  }
0x1fe: {  	p5 =	por @!p3 p0, p0;
	p3 =	seq.s32 s30, $0x1;
	s30 =	rddreg [dreg:$0xd]  }
0x1ff: {  	[smem:$0x7ED] =	sst s0  }
0x200: {  	s0 =	sld [smem:$0x7F7];
	_ =	sdelay $0x2  }
0x201: {  	s12 =	sadd.s32 @!p3 s12, s11;
	p0 =	seq.s32 s0, $0x1  }
0x202: {  	p1 =	por @!p3 $0x0, $0x0;
	s0 =	sld [smem:$0x7ED];
	s11 =	sadd.s32 @!p0 s11, s30  }
0x203: {  	s30 =	sld [smem:$0x7F6];
	s12 =	smov.u32 @p3 s11;
	s11 =	simm.s32 @!p2 $0x0  }
0x204: {  	p4 =	por @!p0 $0x1, $0x1;
	p0 =	por @!p0 $0x0, $0x0;
	s11 =	simm.s32 @p2 $0x1  }
0x205: {  	p0 =	por @!p3 p1, p1;
	p4 =	por @!p3 p1, p1;
	[smem:$0x7F0] =	sst s11  }
0x206: {  	p1 =	por p2, p2;
	p3 =	seq.s32 s30, $0x1;
	s30 =	sld [smem:$0x7F0]  }
0x207: {  	p1 =	por @!p3 p0, p0  }
0x208: {  	s11 =	simm.s32 @!p1 $0x0  }
0x209: {  	s11 =	simm.s32 @p1 $0x1;
	p1 =	seq.s32 s30, $0x1  }
0x20a: {  	p1 =	por @!p3 p4, p4  }
0x20b: {  	[smem:$0x7EE] =	sst s11;
	s11 =	simm.s32 @!p1 $0x0  }
0x20c: {  	s11 =	simm.s32 @p1 $0x1;
	p1 =	por p2, p2  }
.Ltmp7:
0x20d: {  	[smem:$0x7F0] =	sst s11;
	p1 =	por @!p3 p0, p0;
	(pc) =	sbr.rel .LBB2_6-.Ltmp7, $4  }
0x20e: {  	p6 =	por @!p3 p0, p0;
	s11 =	simm.s32 @!p1 $0x0;
	s30 =	sld [smem:$0x7F0]  }
0x20f: {  	p5 =	por @!p3 p0, p0;
	s12 =	smov.u32 @p3 s25;
	s11 =	simm.s32 @p1 $0x1  }
0x210: {  	p1 =	por p6, p6;
	p6 =	por p2, p2;
	p2 =	por @!p3 p0, p0  }
0x211: {  	[smem:$0x7EF] =	sst s11;
	p6 =	por @!p3 p0, p0;
	p4 =	seq.s32 s30, $0x1  }
.LBB2_9:
0x212: {  	_ =	sfence.sel $0x180000  }
0x213: {  	[bflag:$0x0] =	sbarrier.arrive $0xFFFF  }
0x214: {  	_ =	strace $0x90000047  }
0x215: {  	s0 =	stileid.u32;
	[bflag:$0x2] =	sbarrier.arrive $0xFFFF  }
0x216: {  	p0 =	sne.s32 s0, $0x0;
	s0 =	rddreg [dreg:$0x4]  }
0x217: {  	s0 =	sadd.s32 @!p0 $0x100000, s0  }
0x218: {  	[sflag:s0] =	ssyncadd.tile.s32 @!p0 $0x1;
	_ =	shalt  }
.Lfunc_end2:
_tile_overlayer_lowered:
.L_overlay_start_2:
0x219: {  	(tag) =	ssettag $0x2  }
0x21a: {  	s0 =	rddreg [dreg:$0x0];
	s2 =	stileid.u32  }
0x21b: {  	s1 =	rddreg [dreg:$0x1];
	p0 =	sne.s32 s2, $0x0  }
0x21c: {  	s3 =	rddreg [dreg:$0x2];
	[bflag:$0x3] =	sbarrier.arrive $0xFFFF;
	s2 =	simm.s32 @!p0 $0x1C02  }
0x21d: {  	[timem:s3], [sflag:s2] =	dma.local @!p0 [hbm:s0], s1  }
0x21e: {  	s0 =	simm.s32 @!p0 $0x2  }
0x21f: {  	_ =	swait.ge @!p0 [sflag:s0], s1  }
0x220: {  	s1 =	ssub.s32 @!p0 $0x0, s1;
	[sflag:s0] =	ssyncset.done @!p0 $0x0  }
0x221: {  	[sflag:s0] =	ssyncadd.s32 @!p0 s1  }
0x222: {  	[bflag:$0x3] =	sbarrier.arrive $0xFFFF  }
0x223: {  	_ =	shalt  }

</sc_bundles>
